<compile_context>
chip_gen: v7x
topology: tpu7x:2x2x1
jax: 0.10.2.dev20260603
libtpu: 0.0.44.dev20260713+nightly
codegen_flags: <defaults>
</compile_context>

<pallas_src>
import functools

import jax
import jax.numpy as jnp
from jax import lax
from jax.experimental import pallas as pl
from jax.experimental.pallas import tpu as pltpu
from jax.experimental.pallas import tpu_sc as plsc

F32 = jnp.float32
NC, NS, LANES = 2, 16, 16
NW = NC * NS
CHUNK = 128
NBUF = 4
LAG = 1
_SC_PARAMS = pltpu.CompilerParams(use_tc_tiling_on_sc=False)



def _deg_call(n_pad, ch):
    mesh = plsc.VectorSubcoreMesh(core_axis_name="c", subcore_axis_name="s")
    rows_per_sub = n_pad // NS

    @functools.partial(
        pl.kernel, mesh=mesh, compiler_params=_SC_PARAMS,
        out_type=jax.ShapeDtypeStruct((NC, n_pad, LANES), F32),
        scratch_types=[
            pltpu.VMEM((ch, CHUNK), jnp.int32),
            pltpu.VMEM((CHUNK, LANES), F32),
            pltpu.VMEM_SHARED((n_pad, LANES), F32),
            pltpu.SemaphoreType.DMA,
        ],
    )
    def deg_kernel(dst_hbm, ones_hbm, zeros_hbm, out_hbm, dst_v, ones_v, acc_sh,
                   sem):
        c = lax.axis_index("c")
        s = lax.axis_index("s")
        wid = c * NS + s
        sl = pl.ds(s * rows_per_sub, rows_per_sub)
        pltpu.sync_copy(zeros_hbm, acc_sh.at[sl])
        pltpu.sync_copy(ones_hbm, ones_v)
        pltpu.sync_copy(dst_hbm.at[wid], dst_v)
        plsc.subcore_barrier()

        @pl.loop(0, ch)
        def _(j):
            pltpu.async_copy(ones_v, acc_sh.at[dst_v.at[j]], sem, add=True)

        @pl.loop(0, ch)
        def _(j):
            pltpu.make_async_copy(ones_v, acc_sh.at[dst_v.at[j]], sem).wait()

        plsc.subcore_barrier()
        pltpu.sync_copy(acc_sh.at[sl], out_hbm.at[c, sl])

    return deg_kernel


def _agg_call(n_pad, ch, d):
    mesh = plsc.VectorSubcoreMesh(core_axis_name="c", subcore_axis_name="s")
    rows_per_sub = n_pad // NS

    @functools.partial(
        pl.kernel, mesh=mesh, compiler_params=_SC_PARAMS,
        out_type=jax.ShapeDtypeStruct((NC, n_pad, 128), F32),
        scratch_types=[
            pltpu.VMEM((ch, CHUNK), jnp.int32),
            pltpu.VMEM((ch, CHUNK), jnp.int32),
            pltpu.VMEM((NBUF, CHUNK, d), F32),
            pltpu.VMEM_SHARED((n_pad, d), F32),
            pltpu.VMEM_SHARED((n_pad, d), F32),
        ] + [pltpu.SemaphoreType.DMA] * (2 * NBUF),
    )
    def agg_kernel(hs_hbm, src_hbm, dst_hbm, zeros_hbm, out_hbm,
                   src_v, dst_v, rows_v, hs_sh, acc_sh, *sems):
        gsems, ssems = sems[:NBUF], sems[NBUF:]
        c = lax.axis_index("c")
        s = lax.axis_index("s")
        wid = c * NS + s
        sl = pl.ds(s * rows_per_sub, rows_per_sub)
        pltpu.sync_copy(zeros_hbm, acc_sh.at[sl])
        pltpu.sync_copy(hs_hbm.at[sl, pl.ds(0, d)], hs_sh.at[sl])
        pltpu.sync_copy(src_hbm.at[wid], src_v)
        pltpu.sync_copy(dst_hbm.at[wid], dst_v)
        plsc.subcore_barrier()

        def gather(j, b):
            pltpu.async_copy(hs_sh.at[src_v.at[j]], rows_v.at[b], gsems[b])

        def wait_gather(j, b):
            pltpu.make_async_copy(hs_sh.at[src_v.at[j]], rows_v.at[b],
                                  gsems[b]).wait()

        def scatter(j, b):
            pltpu.async_copy(rows_v.at[b], acc_sh.at[dst_v.at[j]], ssems[b],
                             add=True)

        def wait_scatter(j, b):
            pltpu.make_async_copy(rows_v.at[b], acc_sh.at[dst_v.at[j]],
                                  ssems[b]).wait()

        for b in range(NBUF):
            gather(b, b)

        @pl.loop(0, ch // NBUF)
        def _(p):
            j0 = p * NBUF
            for b in range(NBUF):
                j = j0 + b
                wait_gather(j, b)
                scatter(j, b)
                bm = (b - LAG) % NBUF

                @pl.when((j >= LAG) & (j + NBUF - LAG < ch))
                def _():
                    wait_scatter(j - LAG, bm)
                    gather(j + NBUF - LAG, bm)

        for k in range(NBUF):
            jj = ch - NBUF + k
            wait_scatter(jj, jj % NBUF)

        plsc.subcore_barrier()
        pltpu.sync_copy(acc_sh.at[sl], out_hbm.at[c, sl, pl.ds(0, d)])

    return agg_kernel



def _dis_from(deg_ref):
    deg = deg_ref[0, :, 0] + deg_ref[1, :, 0]
    return lax.rsqrt(jnp.maximum(deg, 1.0))


def _matmul_call(n_pad, d_in, h, blk):
    def body(x_ref, w_ref, o_ref):
        o_ref[...] = jnp.dot(x_ref[...], w_ref[...], preferred_element_type=F32)

    mblk = 2048
    return pl.pallas_call(
        body,
        grid=(n_pad // mblk,),
        in_specs=[
            pl.BlockSpec((mblk, d_in), lambda i: (i, 0)),
            pl.BlockSpec((d_in, h), lambda i: (0, 0)),
        ],
        out_specs=pl.BlockSpec((mblk, h), lambda i: (i, 0)),
        out_shape=jax.ShapeDtypeStruct((n_pad, h), F32),
    )


def _scale_call(n_pad, h, blk):
    def body(g_ref, deg_ref, o_ref):
        dis = _dis_from(deg_ref)
        o_ref[:, :h] = g_ref[...] * dis[:, None]

    sblk = 2048
    return pl.pallas_call(
        body,
        grid=(n_pad // sblk,),
        in_specs=[
            pl.BlockSpec((sblk, h), lambda i: (i, 0)),
            pl.BlockSpec((NC, sblk, LANES), lambda i: (0, i, 0)),
        ],
        out_specs=pl.BlockSpec((sblk, 128), lambda i: (i, 0)),
        out_shape=jax.ShapeDtypeStruct((n_pad, 128), F32),
    )


def _tc2_call(n_pad, h, c_pad, blk):
    blk = 2048
    def body(acc_ref, hs1_ref, deg_ref, w2_ref, b1_ref, o_ref):
        dis = _dis_from(deg_ref)
        acc = acc_ref[0, :, :h] + acc_ref[1, :, :h]
        u = (acc + hs1_ref[:, :h]) * dis[:, None] + b1_ref[...]
        u = jnp.maximum(u, 0.0)
        o_ref[:, :c_pad] = (
            jnp.dot(u, w2_ref[...], preferred_element_type=F32) * dis[:, None])

    return pl.pallas_call(
        body,
        grid=(n_pad // blk,),
        in_specs=[
            pl.BlockSpec((NC, blk, 128), lambda i: (0, i, 0)),
            pl.BlockSpec((blk, 128), lambda i: (i, 0)),
            pl.BlockSpec((NC, blk, LANES), lambda i: (0, i, 0)),
            pl.BlockSpec((h, c_pad), lambda i: (0, 0)),
            pl.BlockSpec((1, h), lambda i: (0, 0)),
        ],
        out_specs=pl.BlockSpec((blk, 128), lambda i: (i, 0)),
        out_shape=jax.ShapeDtypeStruct((n_pad, 128), F32),
    )


def _tc3_call(n, c_pad, c, blk):
    def body(acc_ref, hs2_ref, deg_ref, b2_ref, o_ref):
        dis = _dis_from(deg_ref)
        acc = acc_ref[0, :, :c_pad] + acc_ref[1, :, :c_pad]
        v = (acc + hs2_ref[:, :c_pad]) * dis[:, None] + b2_ref[...]
        v = v[:, :c]
        m = jnp.max(v, axis=1, keepdims=True)
        lse = jnp.log(jnp.sum(jnp.exp(v - m), axis=1, keepdims=True)) + m
        o_ref[...] = v - lse

    return pl.pallas_call(
        body,
        grid=(n // blk,),
        in_specs=[
            pl.BlockSpec((NC, blk, 128), lambda i: (0, i, 0)),
            pl.BlockSpec((blk, 128), lambda i: (i, 0)),
            pl.BlockSpec((NC, blk, LANES), lambda i: (0, i, 0)),
            pl.BlockSpec((1, c_pad), lambda i: (0, 0)),
        ],
        out_specs=pl.BlockSpec((blk, c), lambda i: (i, 0)),
        out_shape=jax.ShapeDtypeStruct((n, c), F32),
    )



def kernel(x, edge_index, W1, b1, W2, b2):
    n, d_in = x.shape
    h = W1.shape[1]
    c = W2.shape[1]
    e = edge_index.shape[1]
    blk = 256
    n_pad = -(-(n + 1) // 2048) * 2048
    ch = -(-e // (NW * CHUNK))
    ch = -(-ch // NBUF) * NBUF
    e_pad = NW * ch * CHUNK
    c_pad = -(-c // LANES) * LANES

    src = edge_index[0].astype(jnp.int32)
    dst = edge_index[1].astype(jnp.int32)
    pad_e = e_pad - e
    src3 = jnp.concatenate(
        [src, jnp.zeros((pad_e,), jnp.int32)]).reshape(NW, ch, CHUNK)
    dst3 = jnp.concatenate(
        [dst, jnp.full((pad_e,), n, jnp.int32)]).reshape(NW, ch, CHUNK)

    w2p = jnp.pad(W2, ((0, 0), (0, c_pad - c)))
    b1r = b1.reshape(1, h)
    b2r = jnp.pad(b2, (0, c_pad - c)).reshape(1, c_pad)
    ones16 = jnp.ones((CHUNK, LANES), F32)
    rps = n_pad // NS
    z16 = jnp.zeros((rps, LANES), F32)
    zh = jnp.zeros((rps, h), F32)
    zc = jnp.zeros((rps, c_pad), F32)

    x_p = jnp.pad(x, ((0, n_pad - n), (0, 0)))
    degp = _deg_call(n_pad, ch)(dst3, ones16, z16)
    g1 = _matmul_call(n_pad, d_in, h, blk)(x_p, W1)
    hs1 = _scale_call(n_pad, h, blk)(g1, degp)
    acc1 = _agg_call(n_pad, ch, h)(hs1, src3, dst3, zh)
    hs2 = _tc2_call(n_pad, h, c_pad, blk)(acc1, hs1, degp, w2p, b1r)
    acc2 = _agg_call(n_pad, ch, c_pad)(hs2, src3, dst3, zc)
    tblk = 2000 if n % 2000 == 0 else 400 if n % 400 == 0 else 8
    return _tc3_call(n, c_pad, c, tblk)(acc2, hs2, degp, b2r)

# --- scband reference (transcript-rebuilt; emitter-appended) ---
"""Pipeline reference for scband-net-69973607187170 (READ-ONLY COPY).

The authoritative reference and input builder live on the scoring server;
editing this copy changes nothing except your own understanding.
"""

import jax, jax.numpy as jnp
import numpy as np

N_NODES = 10000
N_EDGES = 160000
D_FEAT = 256
HIDDEN = 64
N_CLASSES = 40


def gcn_conv(x, edge_index, W, b):
    # Faithful GCNConv: add self-loops, symmetric deg^-1/2 normalization,
    # linear transform, scatter-add aggregation, bias.
    N = x.shape[0]
    loop = jnp.arange(N, dtype=edge_index.dtype)
    src = jnp.concatenate([edge_index[0], loop])
    dst = jnp.concatenate([edge_index[1], loop])
    ones = jnp.ones(src.shape[0], dtype=x.dtype)
    deg = jax.ops.segment_sum(ones, dst, num_segments=N)
    deg_inv_sqrt = jnp.where(deg > 0, jax.lax.rsqrt(jnp.maximum(deg, 1e-12)), 0.0)
    norm = deg_inv_sqrt[src] * deg_inv_sqrt[dst]
    h = x @ W
    msg = h[src] * norm[:, None]
    out = jax.ops.segment_sum(msg, dst, num_segments=N)
    return out + b


def setup_inputs(seed: int = 0) -> dict:
    key = jax.random.key(seed)
    k1, k2, k3, k4, k5, k6 = jax.random.split(key, 6)
    x = jax.random.normal(k1, (N_NODES, D_FEAT), dtype=jnp.float32)
    edge_index = jax.random.randint(k2, (2, N_EDGES), 0, N_NODES)
    W1 = jax.random.normal(k3, (D_FEAT, HIDDEN), dtype=jnp.float32) * (1.0 / np.sqrt(D_FEAT))
    b1 = jnp.zeros((HIDDEN,), dtype=jnp.float32)
    W2 = jax.random.normal(k4, (HIDDEN, N_CLASSES), dtype=jnp.float32) * (1.0 / np.sqrt(HIDDEN))
    b2 = jnp.zeros((N_CLASSES,), dtype=jnp.float32)
    return {"x": x, "edge_index": edge_index, "W1": W1, "b1": b1, "W2": W2, "b2": b2}


def reference(x, edge_index, W1, b1, W2, b2):
    h = gcn_conv(x, edge_index, W1, b1)
    h = jax.nn.relu(h)
    # F.dropout(training=self.training): identity in eval mode (deterministic reference)
    h = gcn_conv(h, edge_index, W2, b2)
    return jax.nn.log_softmax(h, axis=1)

if __name__ == "__main__":
    import jax
    _d = setup_inputs()
    print(jax.jit(kernel)(*tuple(_d.values())))

</pallas_src>

<mosaic_0001>
#map = affine_map<(d0, d1) -> (0, 0)>
#map1 = affine_map<(d0, d1) -> (0, 0, 0)>
module attributes {stable_mosaic.version = 14 : i64} {
  func.func @agg_kernel(%arg0: i32, %arg1: i32, %arg2: memref<10240x128xf32, #tpu.memory_space<hbm>>, %arg3: memref<32x40x128xi32, #tpu.memory_space<hbm>>, %arg4: memref<32x40x128xi32, #tpu.memory_space<hbm>>, %arg5: memref<640x48xf32, #tpu.memory_space<hbm>>, %arg6: memref<2x10240x128xf32, #tpu.memory_space<hbm>>, %arg7: memref<40x128xi32, #tpu.memory_space<vmem>>, %arg8: memref<40x128xi32, #tpu.memory_space<vmem>>, %arg9: memref<4x128x48xf32, #tpu.memory_space<vmem>>, %arg10: memref<10240x48xf32, #tpu.memory_space<vmem_shared>>, %arg11: memref<10240x48xf32, #tpu.memory_space<vmem_shared>>, %arg12: memref<!tpu.dma_semaphore, #tpu.memory_space<semaphore_mem>>, %arg13: memref<!tpu.dma_semaphore, #tpu.memory_space<semaphore_mem>>, %arg14: memref<!tpu.dma_semaphore, #tpu.memory_space<semaphore_mem>>, %arg15: memref<!tpu.dma_semaphore, #tpu.memory_space<semaphore_mem>>, %arg16: memref<!tpu.dma_semaphore, #tpu.memory_space<semaphore_mem>>, %arg17: memref<!tpu.dma_semaphore, #tpu.memory_space<semaphore_mem>>, %arg18: memref<!tpu.dma_semaphore, #tpu.memory_space<semaphore_mem>>, %arg19: memref<!tpu.dma_semaphore, #tpu.memory_space<semaphore_mem>>) attributes {dimension_semantics = [#tpu.dimension_semantics<core_parallel>, #tpu.dimension_semantics<subcore_parallel>], iteration_bounds = array<i64: 2, 16>, scalar_prefetch = 0 : i64, scratch_operands = 13 : i64, tpu.core_type = #tpu.core_type<sc_vector_subcore>, window_params = [{transform_indices = #map}, {transform_indices = #map1}, {transform_indices = #map1}, {transform_indices = #map}, {transform_indices = #map1}]} {
    %mul3A = arith.constant 16 : i32
    %mul3A_0 = arith.muli %arg0, %mul3A : i32
    %add3A = arith.addi %mul3A_0, %arg1 : i32
    %mul3A_1 = arith.constant 640 : i32
    %mul3A_2 = arith.muli %arg1, %mul3A_1 : i32
    "tpu.region"() ({
      %run_scoped3A = tpu.sem_alloc : memref<!tpu.dma_semaphore, #tpu.memory_space<semaphore_mem>>
      %dma_start3A_102 = arith.constant 0 : i32
      %dma_start3A_103 = tpu.memref_slice %arg11[%mul3A_2, %dma_start3A_102] : memref<10240x48xf32, #tpu.memory_space<vmem_shared>> -> memref<640x48xf32, #tpu.memory_space<vmem_shared>>
      tpu.enqueue_dma source(%arg5 : memref<640x48xf32, #tpu.memory_space<hbm>>) target(%dma_start3A_103 : memref<640x48xf32, #tpu.memory_space<vmem_shared>>) target_semaphore(%run_scoped3A : memref<!tpu.dma_semaphore, #tpu.memory_space<semaphore_mem>>)
      %dma_wait3A_104 = arith.constant 0 : i32
      %dma_wait3A_105 = tpu.memref_slice %arg11[%mul3A_2, %dma_wait3A_104] : memref<10240x48xf32, #tpu.memory_space<vmem_shared>> -> memref<640x48xf32, #tpu.memory_space<vmem_shared>>
      tpu.wait_dma2 semaphore(%run_scoped3A : memref<!tpu.dma_semaphore, #tpu.memory_space<semaphore_mem>>) src(%arg5 : memref<640x48xf32, #tpu.memory_space<hbm>>) dst(%dma_wait3A_105 : memref<640x48xf32, #tpu.memory_space<vmem_shared>>)
      tpu.yield
    }) : () -> ()
    "tpu.region"() ({
      %run_scoped3A = tpu.sem_alloc : memref<!tpu.dma_semaphore, #tpu.memory_space<semaphore_mem>>
      %dma_start3A_102 = arith.constant 0 : i32
      %dma_start3A_103 = tpu.memref_slice %arg10[%mul3A_2, %dma_start3A_102] : memref<10240x48xf32, #tpu.memory_space<vmem_shared>> -> memref<640x48xf32, #tpu.memory_space<vmem_shared>>
      %dma_start3A_104 = arith.constant 0 : i32
      %dma_start3A_105 = tpu.memref_slice %arg2[%mul3A_2, %dma_start3A_104] : memref<10240x128xf32, #tpu.memory_space<hbm>> -> memref<640x48xf32, #tpu.memory_space<hbm>>
      tpu.enqueue_dma source(%dma_start3A_105 : memref<640x48xf32, #tpu.memory_space<hbm>>) target(%dma_start3A_103 : memref<640x48xf32, #tpu.memory_space<vmem_shared>>) target_semaphore(%run_scoped3A : memref<!tpu.dma_semaphore, #tpu.memory_space<semaphore_mem>>)
      %dma_wait3A_106 = arith.constant 0 : i32
      %dma_wait3A_107 = tpu.memref_slice %arg10[%mul3A_2, %dma_wait3A_106] : memref<10240x48xf32, #tpu.memory_space<vmem_shared>> -> memref<640x48xf32, #tpu.memory_space<vmem_shared>>
      %dma_wait3A_108 = arith.constant 0 : i32
      %dma_wait3A_109 = tpu.memref_slice %arg2[%mul3A_2, %dma_wait3A_108] : memref<10240x128xf32, #tpu.memory_space<hbm>> -> memref<640x48xf32, #tpu.memory_space<hbm>>
      tpu.wait_dma2 semaphore(%run_scoped3A : memref<!tpu.dma_semaphore, #tpu.memory_space<semaphore_mem>>) src(%dma_wait3A_109 : memref<640x48xf32, #tpu.memory_space<hbm>>) dst(%dma_wait3A_107 : memref<640x48xf32, #tpu.memory_space<vmem_shared>>)
      tpu.yield
    }) : () -> ()
    "tpu.region"() ({
      %run_scoped3A = tpu.sem_alloc : memref<!tpu.dma_semaphore, #tpu.memory_space<semaphore_mem>>
      %dma_start3A_102 = arith.constant 0 : i32
      %dma_start3A_103 = arith.constant 0 : i32
      %dma_start3A_104 = tpu.memref_slice %arg3[%add3A, %dma_start3A_102, %dma_start3A_103] : memref<32x40x128xi32, #tpu.memory_space<hbm>> -> memref<1x40x128xi32, #tpu.memory_space<hbm>>
      %dma_start3A_105 = tpu.memref_squeeze %dma_start3A_104 : memref<1x40x128xi32, #tpu.memory_space<hbm>> -> memref<40x128xi32, #tpu.memory_space<hbm>>
      %dma_start3A_106 = arith.constant 0 : i32
      %dma_start3A_107 = arith.constant 0 : i32
      %dma_start3A_108 = tpu.memref_slice %arg3[%add3A, %dma_start3A_106, %dma_start3A_107] : memref<32x40x128xi32, #tpu.memory_space<hbm>> -> memref<1x40x128xi32, #tpu.memory_space<hbm>>
      %dma_start3A_109 = tpu.memref_squeeze %dma_start3A_108 : memref<1x40x128xi32, #tpu.memory_space<hbm>> -> memref<40x128xi32, #tpu.memory_space<hbm>>
      tpu.enqueue_dma source(%dma_start3A_109 : memref<40x128xi32, #tpu.memory_space<hbm>>) target(%arg7 : memref<40x128xi32, #tpu.memory_space<vmem>>) target_semaphore(%run_scoped3A : memref<!tpu.dma_semaphore, #tpu.memory_space<semaphore_mem>>)
      %dma_wait3A_110 = arith.constant 0 : i32
      %dma_wait3A_111 = arith.constant 0 : i32
      %dma_wait3A_112 = tpu.memref_slice %arg3[%add3A, %dma_wait3A_110, %dma_wait3A_111] : memref<32x40x128xi32, #tpu.memory_space<hbm>> -> memref<1x40x128xi32, #tpu.memory_space<hbm>>
      %dma_wait3A_113 = tpu.memref_squeeze %dma_wait3A_112 : memref<1x40x128xi32, #tpu.memory_space<hbm>> -> memref<40x128xi32, #tpu.memory_space<hbm>>
      %dma_wait3A_114 = arith.constant 0 : i32
      %dma_wait3A_115 = arith.constant 0 : i32
      %dma_wait3A_116 = tpu.memref_slice %arg3[%add3A, %dma_wait3A_114, %dma_wait3A_115] : memref<32x40x128xi32, #tpu.memory_space<hbm>> -> memref<1x40x128xi32, #tpu.memory_space<hbm>>
      %dma_wait3A_117 = tpu.memref_squeeze %dma_wait3A_116 : memref<1x40x128xi32, #tpu.memory_space<hbm>> -> memref<40x128xi32, #tpu.memory_space<hbm>>
      tpu.wait_dma2 semaphore(%run_scoped3A : memref<!tpu.dma_semaphore, #tpu.memory_space<semaphore_mem>>) src(%dma_wait3A_117 : memref<40x128xi32, #tpu.memory_space<hbm>>) dst(%arg7 : memref<40x128xi32, #tpu.memory_space<vmem>>)
      tpu.yield
    }) : () -> ()
    "tpu.region"() ({
      %run_scoped3A = tpu.sem_alloc : memref<!tpu.dma_semaphore, #tpu.memory_space<semaphore_mem>>
      %dma_start3A_102 = arith.constant 0 : i32
      %dma_start3A_103 = arith.constant 0 : i32
      %dma_start3A_104 = tpu.memref_slice %arg4[%add3A, %dma_start3A_102, %dma_start3A_103] : memref<32x40x128xi32, #tpu.memory_space<hbm>> -> memref<1x40x128xi32, #tpu.memory_space<hbm>>
      %dma_start3A_105 = tpu.memref_squeeze %dma_start3A_104 : memref<1x40x128xi32, #tpu.memory_space<hbm>> -> memref<40x128xi32, #tpu.memory_space<hbm>>
      %dma_start3A_106 = arith.constant 0 : i32
      %dma_start3A_107 = arith.constant 0 : i32
      %dma_start3A_108 = tpu.memref_slice %arg4[%add3A, %dma_start3A_106, %dma_start3A_107] : memref<32x40x128xi32, #tpu.memory_space<hbm>> -> memref<1x40x128xi32, #tpu.memory_space<hbm>>
      %dma_start3A_109 = tpu.memref_squeeze %dma_start3A_108 : memref<1x40x128xi32, #tpu.memory_space<hbm>> -> memref<40x128xi32, #tpu.memory_space<hbm>>
      tpu.enqueue_dma source(%dma_start3A_109 : memref<40x128xi32, #tpu.memory_space<hbm>>) target(%arg8 : memref<40x128xi32, #tpu.memory_space<vmem>>) target_semaphore(%run_scoped3A : memref<!tpu.dma_semaphore, #tpu.memory_space<semaphore_mem>>)
      %dma_wait3A_110 = arith.constant 0 : i32
      %dma_wait3A_111 = arith.constant 0 : i32
      %dma_wait3A_112 = tpu.memref_slice %arg4[%add3A, %dma_wait3A_110, %dma_wait3A_111] : memref<32x40x128xi32, #tpu.memory_space<hbm>> -> memref<1x40x128xi32, #tpu.memory_space<hbm>>
      %dma_wait3A_113 = tpu.memref_squeeze %dma_wait3A_112 : memref<1x40x128xi32, #tpu.memory_space<hbm>> -> memref<40x128xi32, #tpu.memory_space<hbm>>
      %dma_wait3A_114 = arith.constant 0 : i32
      %dma_wait3A_115 = arith.constant 0 : i32
      %dma_wait3A_116 = tpu.memref_slice %arg4[%add3A, %dma_wait3A_114, %dma_wait3A_115] : memref<32x40x128xi32, #tpu.memory_space<hbm>> -> memref<1x40x128xi32, #tpu.memory_space<hbm>>
      %dma_wait3A_117 = tpu.memref_squeeze %dma_wait3A_116 : memref<1x40x128xi32, #tpu.memory_space<hbm>> -> memref<40x128xi32, #tpu.memory_space<hbm>>
      tpu.wait_dma2 semaphore(%run_scoped3A : memref<!tpu.dma_semaphore, #tpu.memory_space<semaphore_mem>>) src(%dma_wait3A_117 : memref<40x128xi32, #tpu.memory_space<hbm>>) dst(%arg8 : memref<40x128xi32, #tpu.memory_space<vmem>>)
      tpu.yield
    }) : () -> ()
    %barrier3A = arith.constant 0 : index
    tpu.barrier barrier_id(%barrier3A)
    %dma_start3A = arith.constant 0 : i32
    %dma_start3A_3 = arith.constant 0 : i32
    %dma_start3A_4 = arith.constant 0 : i32
    %dma_start3A_5 = arith.constant 0 : i32
    %dma_start3A_6 = tpu.memref_slice %arg9[%dma_start3A_3, %dma_start3A_4, %dma_start3A_5] : memref<4x128x48xf32, #tpu.memory_space<vmem>> -> memref<1x128x48xf32, #tpu.memory_space<vmem>>
    %dma_start3A_7 = tpu.memref_squeeze %dma_start3A_6 : memref<1x128x48xf32, #tpu.memory_space<vmem>> -> memref<128x48xf32, #tpu.memory_space<vmem>>
    %dma_start3A_8 = arith.constant 0 : i32
    %dma_start3A_9 = tpu.memref_slice %arg7[%dma_start3A, %dma_start3A_8] : memref<40x128xi32, #tpu.memory_space<vmem>> -> memref<1x128xi32, #tpu.memory_space<vmem>>
    %dma_start3A_10 = tpu.memref_squeeze %dma_start3A_9 : memref<1x128xi32, #tpu.memory_space<vmem>> -> memref<128xi32, #tpu.memory_space<vmem>>
    %dma_start3A_11 = arith.constant 0 : i32
    %dma_start3A_12 = arith.constant 0 : i32
    %dma_start3A_13 = tpu.memref_slice %arg10[%dma_start3A_11, %dma_start3A_12] : memref<10240x48xf32, #tpu.memory_space<vmem_shared>> -> memref<10240x48xf32, #tpu.memory_space<vmem_shared>>
    tpu.enqueue_indirect_dma source(%dma_start3A_13 : memref<10240x48xf32, #tpu.memory_space<vmem_shared>>) target(%dma_start3A_7 : memref<128x48xf32, #tpu.memory_space<vmem>>) offsets(%dma_start3A_10 : memref<128xi32, #tpu.memory_space<vmem>>) semaphore(%arg12 : memref<!tpu.dma_semaphore, #tpu.memory_space<semaphore_mem>>)
    %dma_start3A_14 = arith.constant 1 : i32
    %dma_start3A_15 = arith.constant 1 : i32
    %dma_start3A_16 = arith.constant 0 : i32
    %dma_start3A_17 = arith.constant 0 : i32
    %dma_start3A_18 = tpu.memref_slice %arg9[%dma_start3A_15, %dma_start3A_16, %dma_start3A_17] : memref<4x128x48xf32, #tpu.memory_space<vmem>> -> memref<1x128x48xf32, #tpu.memory_space<vmem>>
    %dma_start3A_19 = tpu.memref_squeeze %dma_start3A_18 : memref<1x128x48xf32, #tpu.memory_space<vmem>> -> memref<128x48xf32, #tpu.memory_space<vmem>>
    %dma_start3A_20 = arith.constant 0 : i32
    %dma_start3A_21 = tpu.memref_slice %arg7[%dma_start3A_14, %dma_start3A_20] : memref<40x128xi32, #tpu.memory_space<vmem>> -> memref<1x128xi32, #tpu.memory_space<vmem>>
    %dma_start3A_22 = tpu.memref_squeeze %dma_start3A_21 : memref<1x128xi32, #tpu.memory_space<vmem>> -> memref<128xi32, #tpu.memory_space<vmem>>
    %dma_start3A_23 = arith.constant 0 : i32
    %dma_start3A_24 = arith.constant 0 : i32
    %dma_start3A_25 = tpu.memref_slice %arg10[%dma_start3A_23, %dma_start3A_24] : memref<10240x48xf32, #tpu.memory_space<vmem_shared>> -> memref<10240x48xf32, #tpu.memory_space<vmem_shared>>
    tpu.enqueue_indirect_dma source(%dma_start3A_25 : memref<10240x48xf32, #tpu.memory_space<vmem_shared>>) target(%dma_start3A_19 : memref<128x48xf32, #tpu.memory_space<vmem>>) offsets(%dma_start3A_22 : memref<128xi32, #tpu.memory_space<vmem>>) semaphore(%arg13 : memref<!tpu.dma_semaphore, #tpu.memory_space<semaphore_mem>>)
    %dma_start3A_26 = arith.constant 2 : i32
    %dma_start3A_27 = arith.constant 2 : i32
    %dma_start3A_28 = arith.constant 0 : i32
    %dma_start3A_29 = arith.constant 0 : i32
    %dma_start3A_30 = tpu.memref_slice %arg9[%dma_start3A_27, %dma_start3A_28, %dma_start3A_29] : memref<4x128x48xf32, #tpu.memory_space<vmem>> -> memref<1x128x48xf32, #tpu.memory_space<vmem>>
    %dma_start3A_31 = tpu.memref_squeeze %dma_start3A_30 : memref<1x128x48xf32, #tpu.memory_space<vmem>> -> memref<128x48xf32, #tpu.memory_space<vmem>>
    %dma_start3A_32 = arith.constant 0 : i32
    %dma_start3A_33 = tpu.memref_slice %arg7[%dma_start3A_26, %dma_start3A_32] : memref<40x128xi32, #tpu.memory_space<vmem>> -> memref<1x128xi32, #tpu.memory_space<vmem>>
    %dma_start3A_34 = tpu.memref_squeeze %dma_start3A_33 : memref<1x128xi32, #tpu.memory_space<vmem>> -> memref<128xi32, #tpu.memory_space<vmem>>
    %dma_start3A_35 = arith.constant 0 : i32
    %dma_start3A_36 = arith.constant 0 : i32
    %dma_start3A_37 = tpu.memref_slice %arg10[%dma_start3A_35, %dma_start3A_36] : memref<10240x48xf32, #tpu.memory_space<vmem_shared>> -> memref<10240x48xf32, #tpu.memory_space<vmem_shared>>
    tpu.enqueue_indirect_dma source(%dma_start3A_37 : memref<10240x48xf32, #tpu.memory_space<vmem_shared>>) target(%dma_start3A_31 : memref<128x48xf32, #tpu.memory_space<vmem>>) offsets(%dma_start3A_34 : memref<128xi32, #tpu.memory_space<vmem>>) semaphore(%arg14 : memref<!tpu.dma_semaphore, #tpu.memory_space<semaphore_mem>>)
    %dma_start3A_38 = arith.constant 3 : i32
    %dma_start3A_39 = arith.constant 3 : i32
    %dma_start3A_40 = arith.constant 0 : i32
    %dma_start3A_41 = arith.constant 0 : i32
    %dma_start3A_42 = tpu.memref_slice %arg9[%dma_start3A_39, %dma_start3A_40, %dma_start3A_41] : memref<4x128x48xf32, #tpu.memory_space<vmem>> -> memref<1x128x48xf32, #tpu.memory_space<vmem>>
    %dma_start3A_43 = tpu.memref_squeeze %dma_start3A_42 : memref<1x128x48xf32, #tpu.memory_space<vmem>> -> memref<128x48xf32, #tpu.memory_space<vmem>>
    %dma_start3A_44 = arith.constant 0 : i32
    %dma_start3A_45 = tpu.memref_slice %arg7[%dma_start3A_38, %dma_start3A_44] : memref<40x128xi32, #tpu.memory_space<vmem>> -> memref<1x128xi32, #tpu.memory_space<vmem>>
    %dma_start3A_46 = tpu.memref_squeeze %dma_start3A_45 : memref<1x128xi32, #tpu.memory_space<vmem>> -> memref<128xi32, #tpu.memory_space<vmem>>
    %dma_start3A_47 = arith.constant 0 : i32
    %dma_start3A_48 = arith.constant 0 : i32
    %dma_start3A_49 = tpu.memref_slice %arg10[%dma_start3A_47, %dma_start3A_48] : memref<10240x48xf32, #tpu.memory_space<vmem_shared>> -> memref<10240x48xf32, #tpu.memory_space<vmem_shared>>
    tpu.enqueue_indirect_dma source(%dma_start3A_49 : memref<10240x48xf32, #tpu.memory_space<vmem_shared>>) target(%dma_start3A_43 : memref<128x48xf32, #tpu.memory_space<vmem>>) offsets(%dma_start3A_46 : memref<128xi32, #tpu.memory_space<vmem>>) semaphore(%arg15 : memref<!tpu.dma_semaphore, #tpu.memory_space<semaphore_mem>>)
    %scan3A = arith.constant 0 : i32
    %scan3A_50 = arith.constant 10 : i32
    %scan3A_51 = arith.addi %scan3A, %scan3A_50 : i32
    %scan3A_52 = arith.constant 1 : i32
    scf.for %scan3A_102 = %scan3A to %scan3A_51 step %scan3A_52  : i32 {
      %mul3A_103 = arith.constant 1 : i32
      %mul3A_104 = arith.muli %scan3A_102, %mul3A_103 : i32
      %add3A_105 = arith.constant 0 : i32
      %add3A_106 = arith.addi %add3A_105, %mul3A_104 : i32
      %mul3A_107 = arith.constant 4 : i32
      %mul3A_108 = arith.muli %add3A_106, %mul3A_107 : i32
      %add3A_109 = arith.constant 0 : i32
      %add3A_110 = arith.addi %mul3A_108, %add3A_109 : i32
      %dma_wait3A_111 = arith.constant 0 : i32
      %dma_wait3A_112 = arith.constant 0 : i32
      %dma_wait3A_113 = arith.constant 0 : i32
      %dma_wait3A_114 = tpu.memref_slice %arg9[%dma_wait3A_111, %dma_wait3A_112, %dma_wait3A_113] : memref<4x128x48xf32, #tpu.memory_space<vmem>> -> memref<1x128x48xf32, #tpu.memory_space<vmem>>
      %dma_wait3A_115 = tpu.memref_squeeze %dma_wait3A_114 : memref<1x128x48xf32, #tpu.memory_space<vmem>> -> memref<128x48xf32, #tpu.memory_space<vmem>>
      %dma_wait3A_116 = arith.constant 0 : i32
      %dma_wait3A_117 = tpu.memref_slice %arg7[%add3A_110, %dma_wait3A_116] : memref<40x128xi32, #tpu.memory_space<vmem>> -> memref<1x128xi32, #tpu.memory_space<vmem>>
      %dma_wait3A_118 = tpu.memref_squeeze %dma_wait3A_117 : memref<1x128xi32, #tpu.memory_space<vmem>> -> memref<128xi32, #tpu.memory_space<vmem>>
      %dma_wait3A_119 = arith.constant 0 : i32
      %dma_wait3A_120 = arith.constant 0 : i32
      %dma_wait3A_121 = tpu.memref_slice %arg10[%dma_wait3A_119, %dma_wait3A_120] : memref<10240x48xf32, #tpu.memory_space<vmem_shared>> -> memref<10240x48xf32, #tpu.memory_space<vmem_shared>>
      tpu.wait_indirect_dma semaphore(%arg12 : memref<!tpu.dma_semaphore, #tpu.memory_space<semaphore_mem>>) src(%dma_wait3A_121 : memref<10240x48xf32, #tpu.memory_space<vmem_shared>>) dst(%dma_wait3A_115 : memref<128x48xf32, #tpu.memory_space<vmem>>)
      %dma_start3A_122 = arith.constant 0 : i32
      %dma_start3A_123 = arith.constant 0 : i32
      %dma_start3A_124 = arith.constant 0 : i32
      %dma_start3A_125 = tpu.memref_slice %arg9[%dma_start3A_122, %dma_start3A_123, %dma_start3A_124] : memref<4x128x48xf32, #tpu.memory_space<vmem>> -> memref<1x128x48xf32, #tpu.memory_space<vmem>>
      %dma_start3A_126 = tpu.memref_squeeze %dma_start3A_125 : memref<1x128x48xf32, #tpu.memory_space<vmem>> -> memref<128x48xf32, #tpu.memory_space<vmem>>
      %dma_start3A_127 = arith.constant 0 : i32
      %dma_start3A_128 = tpu.memref_slice %arg8[%add3A_110, %dma_start3A_127] : memref<40x128xi32, #tpu.memory_space<vmem>> -> memref<1x128xi32, #tpu.memory_space<vmem>>
      %dma_start3A_129 = tpu.memref_squeeze %dma_start3A_128 : memref<1x128xi32, #tpu.memory_space<vmem>> -> memref<128xi32, #tpu.memory_space<vmem>>
      %dma_start3A_130 = arith.constant 0 : i32
      %dma_start3A_131 = arith.constant 0 : i32
      %dma_start3A_132 = tpu.memref_slice %arg11[%dma_start3A_130, %dma_start3A_131] : memref<10240x48xf32, #tpu.memory_space<vmem_shared>> -> memref<10240x48xf32, #tpu.memory_space<vmem_shared>>
      tpu.enqueue_indirect_dma source(%dma_start3A_126 : memref<128x48xf32, #tpu.memory_space<vmem>>) target(%dma_start3A_132 : memref<10240x48xf32, #tpu.memory_space<vmem_shared>>) offsets(%dma_start3A_129 : memref<128xi32, #tpu.memory_space<vmem>>) semaphore(%arg16 : memref<!tpu.dma_semaphore, #tpu.memory_space<semaphore_mem>>) {add = true}
      %ge3A = arith.constant 1 : i32
      %ge3A_133 = arith.cmpi sge, %add3A_110, %ge3A : i32
      %add3A_134 = arith.constant 4 : i32
      %add3A_135 = arith.addi %add3A_110, %add3A_134 : i32
      %sub3A = arith.constant 1 : i32
      %sub3A_136 = arith.subi %add3A_135, %sub3A : i32
      %lt3A = arith.constant 40 : i32
      %lt3A_137 = arith.cmpi slt, %sub3A_136, %lt3A : i32
      %and3A = arith.andi %ge3A_133, %lt3A_137 : i1
      %convert_element_type3A = arith.extui %and3A : i1 to i32
      %cond3A = arith.constant 0 : i32
      %cond3A_138 = arith.cmpi ne, %convert_element_type3A, %cond3A : i32
      scf.if %cond3A_138 {
        %sub3A_247 = arith.constant 1 : i32
        %sub3A_248 = arith.subi %add3A_110, %sub3A_247 : i32
        %dma_wait3A_249 = arith.constant 3 : i32
        %dma_wait3A_250 = arith.constant 0 : i32
        %dma_wait3A_251 = arith.constant 0 : i32
        %dma_wait3A_252 = tpu.memref_slice %arg9[%dma_wait3A_249, %dma_wait3A_250, %dma_wait3A_251] : memref<4x128x48xf32, #tpu.memory_space<vmem>> -> memref<1x128x48xf32, #tpu.memory_space<vmem>>
        %dma_wait3A_253 = tpu.memref_squeeze %dma_wait3A_252 : memref<1x128x48xf32, #tpu.memory_space<vmem>> -> memref<128x48xf32, #tpu.memory_space<vmem>>
        %dma_wait3A_254 = arith.constant 0 : i32
        %dma_wait3A_255 = tpu.memref_slice %arg8[%sub3A_248, %dma_wait3A_254] : memref<40x128xi32, #tpu.memory_space<vmem>> -> memref<1x128xi32, #tpu.memory_space<vmem>>
        %dma_wait3A_256 = tpu.memref_squeeze %dma_wait3A_255 : memref<1x128xi32, #tpu.memory_space<vmem>> -> memref<128xi32, #tpu.memory_space<vmem>>
        %dma_wait3A_257 = arith.constant 0 : i32
        %dma_wait3A_258 = arith.constant 0 : i32
        %dma_wait3A_259 = tpu.memref_slice %arg11[%dma_wait3A_257, %dma_wait3A_258] : memref<10240x48xf32, #tpu.memory_space<vmem_shared>> -> memref<10240x48xf32, #tpu.memory_space<vmem_shared>>
        tpu.wait_indirect_dma semaphore(%arg19 : memref<!tpu.dma_semaphore, #tpu.memory_space<semaphore_mem>>) src(%dma_wait3A_253 : memref<128x48xf32, #tpu.memory_space<vmem>>) dst(%dma_wait3A_259 : memref<10240x48xf32, #tpu.memory_space<vmem_shared>>)
        %add3A_260 = arith.constant 4 : i32
        %add3A_261 = arith.addi %add3A_110, %add3A_260 : i32
        %sub3A_262 = arith.constant 1 : i32
        %sub3A_263 = arith.subi %add3A_261, %sub3A_262 : i32
        %dma_start3A_264 = arith.constant 3 : i32
        %dma_start3A_265 = arith.constant 0 : i32
        %dma_start3A_266 = arith.constant 0 : i32
        %dma_start3A_267 = tpu.memref_slice %arg9[%dma_start3A_264, %dma_start3A_265, %dma_start3A_266] : memref<4x128x48xf32, #tpu.memory_space<vmem>> -> memref<1x128x48xf32, #tpu.memory_space<vmem>>
        %dma_start3A_268 = tpu.memref_squeeze %dma_start3A_267 : memref<1x128x48xf32, #tpu.memory_space<vmem>> -> memref<128x48xf32, #tpu.memory_space<vmem>>
        %dma_start3A_269 = arith.constant 0 : i32
        %dma_start3A_270 = tpu.memref_slice %arg7[%sub3A_263, %dma_start3A_269] : memref<40x128xi32, #tpu.memory_space<vmem>> -> memref<1x128xi32, #tpu.memory_space<vmem>>
        %dma_start3A_271 = tpu.memref_squeeze %dma_start3A_270 : memref<1x128xi32, #tpu.memory_space<vmem>> -> memref<128xi32, #tpu.memory_space<vmem>>
        %dma_start3A_272 = arith.constant 0 : i32
        %dma_start3A_273 = arith.constant 0 : i32
        %dma_start3A_274 = tpu.memref_slice %arg10[%dma_start3A_272, %dma_start3A_273] : memref<10240x48xf32, #tpu.memory_space<vmem_shared>> -> memref<10240x48xf32, #tpu.memory_space<vmem_shared>>
        tpu.enqueue_indirect_dma source(%dma_start3A_274 : memref<10240x48xf32, #tpu.memory_space<vmem_shared>>) target(%dma_start3A_268 : memref<128x48xf32, #tpu.memory_space<vmem>>) offsets(%dma_start3A_271 : memref<128xi32, #tpu.memory_space<vmem>>) semaphore(%arg15 : memref<!tpu.dma_semaphore, #tpu.memory_space<semaphore_mem>>)
      } else {
      }
      %add3A_139 = arith.constant 1 : i32
      %add3A_140 = arith.addi %mul3A_108, %add3A_139 : i32
      %dma_wait3A_141 = arith.constant 1 : i32
      %dma_wait3A_142 = arith.constant 0 : i32
      %dma_wait3A_143 = arith.constant 0 : i32
      %dma_wait3A_144 = tpu.memref_slice %arg9[%dma_wait3A_141, %dma_wait3A_142, %dma_wait3A_143] : memref<4x128x48xf32, #tpu.memory_space<vmem>> -> memref<1x128x48xf32, #tpu.memory_space<vmem>>
      %dma_wait3A_145 = tpu.memref_squeeze %dma_wait3A_144 : memref<1x128x48xf32, #tpu.memory_space<vmem>> -> memref<128x48xf32, #tpu.memory_space<vmem>>
      %dma_wait3A_146 = arith.constant 0 : i32
      %dma_wait3A_147 = tpu.memref_slice %arg7[%add3A_140, %dma_wait3A_146] : memref<40x128xi32, #tpu.memory_space<vmem>> -> memref<1x128xi32, #tpu.memory_space<vmem>>
      %dma_wait3A_148 = tpu.memref_squeeze %dma_wait3A_147 : memref<1x128xi32, #tpu.memory_space<vmem>> -> memref<128xi32, #tpu.memory_space<vmem>>
      %dma_wait3A_149 = arith.constant 0 : i32
      %dma_wait3A_150 = arith.constant 0 : i32
      %dma_wait3A_151 = tpu.memref_slice %arg10[%dma_wait3A_149, %dma_wait3A_150] : memref<10240x48xf32, #tpu.memory_space<vmem_shared>> -> memref<10240x48xf32, #tpu.memory_space<vmem_shared>>
      tpu.wait_indirect_dma semaphore(%arg13 : memref<!tpu.dma_semaphore, #tpu.memory_space<semaphore_mem>>) src(%dma_wait3A_151 : memref<10240x48xf32, #tpu.memory_space<vmem_shared>>) dst(%dma_wait3A_145 : memref<128x48xf32, #tpu.memory_space<vmem>>)
      %dma_start3A_152 = arith.constant 1 : i32
      %dma_start3A_153 = arith.constant 0 : i32
      %dma_start3A_154 = arith.constant 0 : i32
      %dma_start3A_155 = tpu.memref_slice %arg9[%dma_start3A_152, %dma_start3A_153, %dma_start3A_154] : memref<4x128x48xf32, #tpu.memory_space<vmem>> -> memref<1x128x48xf32, #tpu.memory_space<vmem>>
      %dma_start3A_156 = tpu.memref_squeeze %dma_start3A_155 : memref<1x128x48xf32, #tpu.memory_space<vmem>> -> memref<128x48xf32, #tpu.memory_space<vmem>>
      %dma_start3A_157 = arith.constant 0 : i32
      %dma_start3A_158 = tpu.memref_slice %arg8[%add3A_140, %dma_start3A_157] : memref<40x128xi32, #tpu.memory_space<vmem>> -> memref<1x128xi32, #tpu.memory_space<vmem>>
      %dma_start3A_159 = tpu.memref_squeeze %dma_start3A_158 : memref<1x128xi32, #tpu.memory_space<vmem>> -> memref<128xi32, #tpu.memory_space<vmem>>
      %dma_start3A_160 = arith.constant 0 : i32
      %dma_start3A_161 = arith.constant 0 : i32
      %dma_start3A_162 = tpu.memref_slice %arg11[%dma_start3A_160, %dma_start3A_161] : memref<10240x48xf32, #tpu.memory_space<vmem_shared>> -> memref<10240x48xf32, #tpu.memory_space<vmem_shared>>
      tpu.enqueue_indirect_dma source(%dma_start3A_156 : memref<128x48xf32, #tpu.memory_space<vmem>>) target(%dma_start3A_162 : memref<10240x48xf32, #tpu.memory_space<vmem_shared>>) offsets(%dma_start3A_159 : memref<128xi32, #tpu.memory_space<vmem>>) semaphore(%arg17 : memref<!tpu.dma_semaphore, #tpu.memory_space<semaphore_mem>>) {add = true}
      %ge3A_163 = arith.constant 1 : i32
      %ge3A_164 = arith.cmpi sge, %add3A_140, %ge3A_163 : i32
      %add3A_165 = arith.constant 4 : i32
      %add3A_166 = arith.addi %add3A_140, %add3A_165 : i32
      %sub3A_167 = arith.constant 1 : i32
      %sub3A_168 = arith.subi %add3A_166, %sub3A_167 : i32
      %lt3A_169 = arith.constant 40 : i32
      %lt3A_170 = arith.cmpi slt, %sub3A_168, %lt3A_169 : i32
      %and3A_171 = arith.andi %ge3A_164, %lt3A_170 : i1
      %convert_element_type3A_172 = arith.extui %and3A_171 : i1 to i32
      %cond3A_173 = arith.constant 0 : i32
      %cond3A_174 = arith.cmpi ne, %convert_element_type3A_172, %cond3A_173 : i32
      scf.if %cond3A_174 {
        %sub3A_247 = arith.constant 1 : i32
        %sub3A_248 = arith.subi %add3A_140, %sub3A_247 : i32
        %dma_wait3A_249 = arith.constant 0 : i32
        %dma_wait3A_250 = arith.constant 0 : i32
        %dma_wait3A_251 = arith.constant 0 : i32
        %dma_wait3A_252 = tpu.memref_slice %arg9[%dma_wait3A_249, %dma_wait3A_250, %dma_wait3A_251] : memref<4x128x48xf32, #tpu.memory_space<vmem>> -> memref<1x128x48xf32, #tpu.memory_space<vmem>>
        %dma_wait3A_253 = tpu.memref_squeeze %dma_wait3A_252 : memref<1x128x48xf32, #tpu.memory_space<vmem>> -> memref<128x48xf32, #tpu.memory_space<vmem>>
        %dma_wait3A_254 = arith.constant 0 : i32
        %dma_wait3A_255 = tpu.memref_slice %arg8[%sub3A_248, %dma_wait3A_254] : memref<40x128xi32, #tpu.memory_space<vmem>> -> memref<1x128xi32, #tpu.memory_space<vmem>>
        %dma_wait3A_256 = tpu.memref_squeeze %dma_wait3A_255 : memref<1x128xi32, #tpu.memory_space<vmem>> -> memref<128xi32, #tpu.memory_space<vmem>>
        %dma_wait3A_257 = arith.constant 0 : i32
        %dma_wait3A_258 = arith.constant 0 : i32
        %dma_wait3A_259 = tpu.memref_slice %arg11[%dma_wait3A_257, %dma_wait3A_258] : memref<10240x48xf32, #tpu.memory_space<vmem_shared>> -> memref<10240x48xf32, #tpu.memory_space<vmem_shared>>
        tpu.wait_indirect_dma semaphore(%arg16 : memref<!tpu.dma_semaphore, #tpu.memory_space<semaphore_mem>>) src(%dma_wait3A_253 : memref<128x48xf32, #tpu.memory_space<vmem>>) dst(%dma_wait3A_259 : memref<10240x48xf32, #tpu.memory_space<vmem_shared>>)
        %add3A_260 = arith.constant 4 : i32
        %add3A_261 = arith.addi %add3A_140, %add3A_260 : i32
        %sub3A_262 = arith.constant 1 : i32
        %sub3A_263 = arith.subi %add3A_261, %sub3A_262 : i32
        %dma_start3A_264 = arith.constant 0 : i32
        %dma_start3A_265 = arith.constant 0 : i32
        %dma_start3A_266 = arith.constant 0 : i32
        %dma_start3A_267 = tpu.memref_slice %arg9[%dma_start3A_264, %dma_start3A_265, %dma_start3A_266] : memref<4x128x48xf32, #tpu.memory_space<vmem>> -> memref<1x128x48xf32, #tpu.memory_space<vmem>>
        %dma_start3A_268 = tpu.memref_squeeze %dma_start3A_267 : memref<1x128x48xf32, #tpu.memory_space<vmem>> -> memref<128x48xf32, #tpu.memory_space<vmem>>
        %dma_start3A_269 = arith.constant 0 : i32
        %dma_start3A_270 = tpu.memref_slice %arg7[%sub3A_263, %dma_start3A_269] : memref<40x128xi32, #tpu.memory_space<vmem>> -> memref<1x128xi32, #tpu.memory_space<vmem>>
        %dma_start3A_271 = tpu.memref_squeeze %dma_start3A_270 : memref<1x128xi32, #tpu.memory_space<vmem>> -> memref<128xi32, #tpu.memory_space<vmem>>
        %dma_start3A_272 = arith.constant 0 : i32
        %dma_start3A_273 = arith.constant 0 : i32
        %dma_start3A_274 = tpu.memref_slice %arg10[%dma_start3A_272, %dma_start3A_273] : memref<10240x48xf32, #tpu.memory_space<vmem_shared>> -> memref<10240x48xf32, #tpu.memory_space<vmem_shared>>
        tpu.enqueue_indirect_dma source(%dma_start3A_274 : memref<10240x48xf32, #tpu.memory_space<vmem_shared>>) target(%dma_start3A_268 : memref<128x48xf32, #tpu.memory_space<vmem>>) offsets(%dma_start3A_271 : memref<128xi32, #tpu.memory_space<vmem>>) semaphore(%arg12 : memref<!tpu.dma_semaphore, #tpu.memory_space<semaphore_mem>>)
      } else {
      }
      %add3A_175 = arith.constant 2 : i32
      %add3A_176 = arith.addi %mul3A_108, %add3A_175 : i32
      %dma_wait3A_177 = arith.constant 2 : i32
      %dma_wait3A_178 = arith.constant 0 : i32
      %dma_wait3A_179 = arith.constant 0 : i32
      %dma_wait3A_180 = tpu.memref_slice %arg9[%dma_wait3A_177, %dma_wait3A_178, %dma_wait3A_179] : memref<4x128x48xf32, #tpu.memory_space<vmem>> -> memref<1x128x48xf32, #tpu.memory_space<vmem>>
      %dma_wait3A_181 = tpu.memref_squeeze %dma_wait3A_180 : memref<1x128x48xf32, #tpu.memory_space<vmem>> -> memref<128x48xf32, #tpu.memory_space<vmem>>
      %dma_wait3A_182 = arith.constant 0 : i32
      %dma_wait3A_183 = tpu.memref_slice %arg7[%add3A_176, %dma_wait3A_182] : memref<40x128xi32, #tpu.memory_space<vmem>> -> memref<1x128xi32, #tpu.memory_space<vmem>>
      %dma_wait3A_184 = tpu.memref_squeeze %dma_wait3A_183 : memref<1x128xi32, #tpu.memory_space<vmem>> -> memref<128xi32, #tpu.memory_space<vmem>>
      %dma_wait3A_185 = arith.constant 0 : i32
      %dma_wait3A_186 = arith.constant 0 : i32
      %dma_wait3A_187 = tpu.memref_slice %arg10[%dma_wait3A_185, %dma_wait3A_186] : memref<10240x48xf32, #tpu.memory_space<vmem_shared>> -> memref<10240x48xf32, #tpu.memory_space<vmem_shared>>
      tpu.wait_indirect_dma semaphore(%arg14 : memref<!tpu.dma_semaphore, #tpu.memory_space<semaphore_mem>>) src(%dma_wait3A_187 : memref<10240x48xf32, #tpu.memory_space<vmem_shared>>) dst(%dma_wait3A_181 : memref<128x48xf32, #tpu.memory_space<vmem>>)
      %dma_start3A_188 = arith.constant 2 : i32
      %dma_start3A_189 = arith.constant 0 : i32
      %dma_start3A_190 = arith.constant 0 : i32
      %dma_start3A_191 = tpu.memref_slice %arg9[%dma_start3A_188, %dma_start3A_189, %dma_start3A_190] : memref<4x128x48xf32, #tpu.memory_space<vmem>> -> memref<1x128x48xf32, #tpu.memory_space<vmem>>
      %dma_start3A_192 = tpu.memref_squeeze %dma_start3A_191 : memref<1x128x48xf32, #tpu.memory_space<vmem>> -> memref<128x48xf32, #tpu.memory_space<vmem>>
      %dma_start3A_193 = arith.constant 0 : i32
      %dma_start3A_194 = tpu.memref_slice %arg8[%add3A_176, %dma_start3A_193] : memref<40x128xi32, #tpu.memory_space<vmem>> -> memref<1x128xi32, #tpu.memory_space<vmem>>
      %dma_start3A_195 = tpu.memref_squeeze %dma_start3A_194 : memref<1x128xi32, #tpu.memory_space<vmem>> -> memref<128xi32, #tpu.memory_space<vmem>>
      %dma_start3A_196 = arith.constant 0 : i32
      %dma_start3A_197 = arith.constant 0 : i32
      %dma_start3A_198 = tpu.memref_slice %arg11[%dma_start3A_196, %dma_start3A_197] : memref<10240x48xf32, #tpu.memory_space<vmem_shared>> -> memref<10240x48xf32, #tpu.memory_space<vmem_shared>>
      tpu.enqueue_indirect_dma source(%dma_start3A_192 : memref<128x48xf32, #tpu.memory_space<vmem>>) target(%dma_start3A_198 : memref<10240x48xf32, #tpu.memory_space<vmem_shared>>) offsets(%dma_start3A_195 : memref<128xi32, #tpu.memory_space<vmem>>) semaphore(%arg18 : memref<!tpu.dma_semaphore, #tpu.memory_space<semaphore_mem>>) {add = true}
      %ge3A_199 = arith.constant 1 : i32
      %ge3A_200 = arith.cmpi sge, %add3A_176, %ge3A_199 : i32
      %add3A_201 = arith.constant 4 : i32
      %add3A_202 = arith.addi %add3A_176, %add3A_201 : i32
      %sub3A_203 = arith.constant 1 : i32
      %sub3A_204 = arith.subi %add3A_202, %sub3A_203 : i32
      %lt3A_205 = arith.constant 40 : i32
      %lt3A_206 = arith.cmpi slt, %sub3A_204, %lt3A_205 : i32
      %and3A_207 = arith.andi %ge3A_200, %lt3A_206 : i1
      %convert_element_type3A_208 = arith.extui %and3A_207 : i1 to i32
      %cond3A_209 = arith.constant 0 : i32
      %cond3A_210 = arith.cmpi ne, %convert_element_type3A_208, %cond3A_209 : i32
      scf.if %cond3A_210 {
        %sub3A_247 = arith.constant 1 : i32
        %sub3A_248 = arith.subi %add3A_176, %sub3A_247 : i32
        %dma_wait3A_249 = arith.constant 1 : i32
        %dma_wait3A_250 = arith.constant 0 : i32
        %dma_wait3A_251 = arith.constant 0 : i32
        %dma_wait3A_252 = tpu.memref_slice %arg9[%dma_wait3A_249, %dma_wait3A_250, %dma_wait3A_251] : memref<4x128x48xf32, #tpu.memory_space<vmem>> -> memref<1x128x48xf32, #tpu.memory_space<vmem>>
        %dma_wait3A_253 = tpu.memref_squeeze %dma_wait3A_252 : memref<1x128x48xf32, #tpu.memory_space<vmem>> -> memref<128x48xf32, #tpu.memory_space<vmem>>
        %dma_wait3A_254 = arith.constant 0 : i32
        %dma_wait3A_255 = tpu.memref_slice %arg8[%sub3A_248, %dma_wait3A_254] : memref<40x128xi32, #tpu.memory_space<vmem>> -> memref<1x128xi32, #tpu.memory_space<vmem>>
        %dma_wait3A_256 = tpu.memref_squeeze %dma_wait3A_255 : memref<1x128xi32, #tpu.memory_space<vmem>> -> memref<128xi32, #tpu.memory_space<vmem>>
        %dma_wait3A_257 = arith.constant 0 : i32
        %dma_wait3A_258 = arith.constant 0 : i32
        %dma_wait3A_259 = tpu.memref_slice %arg11[%dma_wait3A_257, %dma_wait3A_258] : memref<10240x48xf32, #tpu.memory_space<vmem_shared>> -> memref<10240x48xf32, #tpu.memory_space<vmem_shared>>
        tpu.wait_indirect_dma semaphore(%arg17 : memref<!tpu.dma_semaphore, #tpu.memory_space<semaphore_mem>>) src(%dma_wait3A_253 : memref<128x48xf32, #tpu.memory_space<vmem>>) dst(%dma_wait3A_259 : memref<10240x48xf32, #tpu.memory_space<vmem_shared>>)
        %add3A_260 = arith.constant 4 : i32
        %add3A_261 = arith.addi %add3A_176, %add3A_260 : i32
        %sub3A_262 = arith.constant 1 : i32
        %sub3A_263 = arith.subi %add3A_261, %sub3A_262 : i32
        %dma_start3A_264 = arith.constant 1 : i32
        %dma_start3A_265 = arith.constant 0 : i32
        %dma_start3A_266 = arith.constant 0 : i32
        %dma_start3A_267 = tpu.memref_slice %arg9[%dma_start3A_264, %dma_start3A_265, %dma_start3A_266] : memref<4x128x48xf32, #tpu.memory_space<vmem>> -> memref<1x128x48xf32, #tpu.memory_space<vmem>>
        %dma_start3A_268 = tpu.memref_squeeze %dma_start3A_267 : memref<1x128x48xf32, #tpu.memory_space<vmem>> -> memref<128x48xf32, #tpu.memory_space<vmem>>
        %dma_start3A_269 = arith.constant 0 : i32
        %dma_start3A_270 = tpu.memref_slice %arg7[%sub3A_263, %dma_start3A_269] : memref<40x128xi32, #tpu.memory_space<vmem>> -> memref<1x128xi32, #tpu.memory_space<vmem>>
        %dma_start3A_271 = tpu.memref_squeeze %dma_start3A_270 : memref<1x128xi32, #tpu.memory_space<vmem>> -> memref<128xi32, #tpu.memory_space<vmem>>
        %dma_start3A_272 = arith.constant 0 : i32
        %dma_start3A_273 = arith.constant 0 : i32
        %dma_start3A_274 = tpu.memref_slice %arg10[%dma_start3A_272, %dma_start3A_273] : memref<10240x48xf32, #tpu.memory_space<vmem_shared>> -> memref<10240x48xf32, #tpu.memory_space<vmem_shared>>
        tpu.enqueue_indirect_dma source(%dma_start3A_274 : memref<10240x48xf32, #tpu.memory_space<vmem_shared>>) target(%dma_start3A_268 : memref<128x48xf32, #tpu.memory_space<vmem>>) offsets(%dma_start3A_271 : memref<128xi32, #tpu.memory_space<vmem>>) semaphore(%arg13 : memref<!tpu.dma_semaphore, #tpu.memory_space<semaphore_mem>>)
      } else {
      }
      %add3A_211 = arith.constant 3 : i32
      %add3A_212 = arith.addi %mul3A_108, %add3A_211 : i32
      %dma_wait3A_213 = arith.constant 3 : i32
      %dma_wait3A_214 = arith.constant 0 : i32
      %dma_wait3A_215 = arith.constant 0 : i32
      %dma_wait3A_216 = tpu.memref_slice %arg9[%dma_wait3A_213, %dma_wait3A_214, %dma_wait3A_215] : memref<4x128x48xf32, #tpu.memory_space<vmem>> -> memref<1x128x48xf32, #tpu.memory_space<vmem>>
      %dma_wait3A_217 = tpu.memref_squeeze %dma_wait3A_216 : memref<1x128x48xf32, #tpu.memory_space<vmem>> -> memref<128x48xf32, #tpu.memory_space<vmem>>
      %dma_wait3A_218 = arith.constant 0 : i32
      %dma_wait3A_219 = tpu.memref_slice %arg7[%add3A_212, %dma_wait3A_218] : memref<40x128xi32, #tpu.memory_space<vmem>> -> memref<1x128xi32, #tpu.memory_space<vmem>>
      %dma_wait3A_220 = tpu.memref_squeeze %dma_wait3A_219 : memref<1x128xi32, #tpu.memory_space<vmem>> -> memref<128xi32, #tpu.memory_space<vmem>>
      %dma_wait3A_221 = arith.constant 0 : i32
      %dma_wait3A_222 = arith.constant 0 : i32
      %dma_wait3A_223 = tpu.memref_slice %arg10[%dma_wait3A_221, %dma_wait3A_222] : memref<10240x48xf32, #tpu.memory_space<vmem_shared>> -> memref<10240x48xf32, #tpu.memory_space<vmem_shared>>
      tpu.wait_indirect_dma semaphore(%arg15 : memref<!tpu.dma_semaphore, #tpu.memory_space<semaphore_mem>>) src(%dma_wait3A_223 : memref<10240x48xf32, #tpu.memory_space<vmem_shared>>) dst(%dma_wait3A_217 : memref<128x48xf32, #tpu.memory_space<vmem>>)
      %dma_start3A_224 = arith.constant 3 : i32
      %dma_start3A_225 = arith.constant 0 : i32
      %dma_start3A_226 = arith.constant 0 : i32
      %dma_start3A_227 = tpu.memref_slice %arg9[%dma_start3A_224, %dma_start3A_225, %dma_start3A_226] : memref<4x128x48xf32, #tpu.memory_space<vmem>> -> memref<1x128x48xf32, #tpu.memory_space<vmem>>
      %dma_start3A_228 = tpu.memref_squeeze %dma_start3A_227 : memref<1x128x48xf32, #tpu.memory_space<vmem>> -> memref<128x48xf32, #tpu.memory_space<vmem>>
      %dma_start3A_229 = arith.constant 0 : i32
      %dma_start3A_230 = tpu.memref_slice %arg8[%add3A_212, %dma_start3A_229] : memref<40x128xi32, #tpu.memory_space<vmem>> -> memref<1x128xi32, #tpu.memory_space<vmem>>
      %dma_start3A_231 = tpu.memref_squeeze %dma_start3A_230 : memref<1x128xi32, #tpu.memory_space<vmem>> -> memref<128xi32, #tpu.memory_space<vmem>>
      %dma_start3A_232 = arith.constant 0 : i32
      %dma_start3A_233 = arith.constant 0 : i32
      %dma_start3A_234 = tpu.memref_slice %arg11[%dma_start3A_232, %dma_start3A_233] : memref<10240x48xf32, #tpu.memory_space<vmem_shared>> -> memref<10240x48xf32, #tpu.memory_space<vmem_shared>>
      tpu.enqueue_indirect_dma source(%dma_start3A_228 : memref<128x48xf32, #tpu.memory_space<vmem>>) target(%dma_start3A_234 : memref<10240x48xf32, #tpu.memory_space<vmem_shared>>) offsets(%dma_start3A_231 : memref<128xi32, #tpu.memory_space<vmem>>) semaphore(%arg19 : memref<!tpu.dma_semaphore, #tpu.memory_space<semaphore_mem>>) {add = true}
      %ge3A_235 = arith.constant 1 : i32
      %ge3A_236 = arith.cmpi sge, %add3A_212, %ge3A_235 : i32
      %add3A_237 = arith.constant 4 : i32
      %add3A_238 = arith.addi %add3A_212, %add3A_237 : i32
      %sub3A_239 = arith.constant 1 : i32
      %sub3A_240 = arith.subi %add3A_238, %sub3A_239 : i32
      %lt3A_241 = arith.constant 40 : i32
      %lt3A_242 = arith.cmpi slt, %sub3A_240, %lt3A_241 : i32
      %and3A_243 = arith.andi %ge3A_236, %lt3A_242 : i1
      %convert_element_type3A_244 = arith.extui %and3A_243 : i1 to i32
      %cond3A_245 = arith.constant 0 : i32
      %cond3A_246 = arith.cmpi ne, %convert_element_type3A_244, %cond3A_245 : i32
      scf.if %cond3A_246 {
        %sub3A_247 = arith.constant 1 : i32
        %sub3A_248 = arith.subi %add3A_212, %sub3A_247 : i32
        %dma_wait3A_249 = arith.constant 2 : i32
        %dma_wait3A_250 = arith.constant 0 : i32
        %dma_wait3A_251 = arith.constant 0 : i32
        %dma_wait3A_252 = tpu.memref_slice %arg9[%dma_wait3A_249, %dma_wait3A_250, %dma_wait3A_251] : memref<4x128x48xf32, #tpu.memory_space<vmem>> -> memref<1x128x48xf32, #tpu.memory_space<vmem>>
        %dma_wait3A_253 = tpu.memref_squeeze %dma_wait3A_252 : memref<1x128x48xf32, #tpu.memory_space<vmem>> -> memref<128x48xf32, #tpu.memory_space<vmem>>
        %dma_wait3A_254 = arith.constant 0 : i32
        %dma_wait3A_255 = tpu.memref_slice %arg8[%sub3A_248, %dma_wait3A_254] : memref<40x128xi32, #tpu.memory_space<vmem>> -> memref<1x128xi32, #tpu.memory_space<vmem>>
        %dma_wait3A_256 = tpu.memref_squeeze %dma_wait3A_255 : memref<1x128xi32, #tpu.memory_space<vmem>> -> memref<128xi32, #tpu.memory_space<vmem>>
        %dma_wait3A_257 = arith.constant 0 : i32
        %dma_wait3A_258 = arith.constant 0 : i32
        %dma_wait3A_259 = tpu.memref_slice %arg11[%dma_wait3A_257, %dma_wait3A_258] : memref<10240x48xf32, #tpu.memory_space<vmem_shared>> -> memref<10240x48xf32, #tpu.memory_space<vmem_shared>>
        tpu.wait_indirect_dma semaphore(%arg18 : memref<!tpu.dma_semaphore, #tpu.memory_space<semaphore_mem>>) src(%dma_wait3A_253 : memref<128x48xf32, #tpu.memory_space<vmem>>) dst(%dma_wait3A_259 : memref<10240x48xf32, #tpu.memory_space<vmem_shared>>)
        %add3A_260 = arith.constant 4 : i32
        %add3A_261 = arith.addi %add3A_212, %add3A_260 : i32
        %sub3A_262 = arith.constant 1 : i32
        %sub3A_263 = arith.subi %add3A_261, %sub3A_262 : i32
        %dma_start3A_264 = arith.constant 2 : i32
        %dma_start3A_265 = arith.constant 0 : i32
        %dma_start3A_266 = arith.constant 0 : i32
        %dma_start3A_267 = tpu.memref_slice %arg9[%dma_start3A_264, %dma_start3A_265, %dma_start3A_266] : memref<4x128x48xf32, #tpu.memory_space<vmem>> -> memref<1x128x48xf32, #tpu.memory_space<vmem>>
        %dma_start3A_268 = tpu.memref_squeeze %dma_start3A_267 : memref<1x128x48xf32, #tpu.memory_space<vmem>> -> memref<128x48xf32, #tpu.memory_space<vmem>>
        %dma_start3A_269 = arith.constant 0 : i32
        %dma_start3A_270 = tpu.memref_slice %arg7[%sub3A_263, %dma_start3A_269] : memref<40x128xi32, #tpu.memory_space<vmem>> -> memref<1x128xi32, #tpu.memory_space<vmem>>
        %dma_start3A_271 = tpu.memref_squeeze %dma_start3A_270 : memref<1x128xi32, #tpu.memory_space<vmem>> -> memref<128xi32, #tpu.memory_space<vmem>>
        %dma_start3A_272 = arith.constant 0 : i32
        %dma_start3A_273 = arith.constant 0 : i32
        %dma_start3A_274 = tpu.memref_slice %arg10[%dma_start3A_272, %dma_start3A_273] : memref<10240x48xf32, #tpu.memory_space<vmem_shared>> -> memref<10240x48xf32, #tpu.memory_space<vmem_shared>>
        tpu.enqueue_indirect_dma source(%dma_start3A_274 : memref<10240x48xf32, #tpu.memory_space<vmem_shared>>) target(%dma_start3A_268 : memref<128x48xf32, #tpu.memory_space<vmem>>) offsets(%dma_start3A_271 : memref<128xi32, #tpu.memory_space<vmem>>) semaphore(%arg14 : memref<!tpu.dma_semaphore, #tpu.memory_space<semaphore_mem>>)
      } else {
      }
    }
    %scan3A_53 = arith.constant 10 : i32
    %dma_wait3A = arith.constant 0 : i32
    %dma_wait3A_54 = arith.constant 36 : i32
    %dma_wait3A_55 = arith.constant 0 : i32
    %dma_wait3A_56 = arith.constant 0 : i32
    %dma_wait3A_57 = tpu.memref_slice %arg9[%dma_wait3A, %dma_wait3A_55, %dma_wait3A_56] : memref<4x128x48xf32, #tpu.memory_space<vmem>> -> memref<1x128x48xf32, #tpu.memory_space<vmem>>
    %dma_wait3A_58 = tpu.memref_squeeze %dma_wait3A_57 : memref<1x128x48xf32, #tpu.memory_space<vmem>> -> memref<128x48xf32, #tpu.memory_space<vmem>>
    %dma_wait3A_59 = arith.constant 0 : i32
    %dma_wait3A_60 = tpu.memref_slice %arg8[%dma_wait3A_54, %dma_wait3A_59] : memref<40x128xi32, #tpu.memory_space<vmem>> -> memref<1x128xi32, #tpu.memory_space<vmem>>
    %dma_wait3A_61 = tpu.memref_squeeze %dma_wait3A_60 : memref<1x128xi32, #tpu.memory_space<vmem>> -> memref<128xi32, #tpu.memory_space<vmem>>
    %dma_wait3A_62 = arith.constant 0 : i32
    %dma_wait3A_63 = arith.constant 0 : i32
    %dma_wait3A_64 = tpu.memref_slice %arg11[%dma_wait3A_62, %dma_wait3A_63] : memref<10240x48xf32, #tpu.memory_space<vmem_shared>> -> memref<10240x48xf32, #tpu.memory_space<vmem_shared>>
    tpu.wait_indirect_dma semaphore(%arg16 : memref<!tpu.dma_semaphore, #tpu.memory_space<semaphore_mem>>) src(%dma_wait3A_58 : memref<128x48xf32, #tpu.memory_space<vmem>>) dst(%dma_wait3A_64 : memref<10240x48xf32, #tpu.memory_space<vmem_shared>>)
    %dma_wait3A_65 = arith.constant 1 : i32
    %dma_wait3A_66 = arith.constant 37 : i32
    %dma_wait3A_67 = arith.constant 0 : i32
    %dma_wait3A_68 = arith.constant 0 : i32
    %dma_wait3A_69 = tpu.memref_slice %arg9[%dma_wait3A_65, %dma_wait3A_67, %dma_wait3A_68] : memref<4x128x48xf32, #tpu.memory_space<vmem>> -> memref<1x128x48xf32, #tpu.memory_space<vmem>>
    %dma_wait3A_70 = tpu.memref_squeeze %dma_wait3A_69 : memref<1x128x48xf32, #tpu.memory_space<vmem>> -> memref<128x48xf32, #tpu.memory_space<vmem>>
    %dma_wait3A_71 = arith.constant 0 : i32
    %dma_wait3A_72 = tpu.memref_slice %arg8[%dma_wait3A_66, %dma_wait3A_71] : memref<40x128xi32, #tpu.memory_space<vmem>> -> memref<1x128xi32, #tpu.memory_space<vmem>>
    %dma_wait3A_73 = tpu.memref_squeeze %dma_wait3A_72 : memref<1x128xi32, #tpu.memory_space<vmem>> -> memref<128xi32, #tpu.memory_space<vmem>>
    %dma_wait3A_74 = arith.constant 0 : i32
    %dma_wait3A_75 = arith.constant 0 : i32
    %dma_wait3A_76 = tpu.memref_slice %arg11[%dma_wait3A_74, %dma_wait3A_75] : memref<10240x48xf32, #tpu.memory_space<vmem_shared>> -> memref<10240x48xf32, #tpu.memory_space<vmem_shared>>
    tpu.wait_indirect_dma semaphore(%arg17 : memref<!tpu.dma_semaphore, #tpu.memory_space<semaphore_mem>>) src(%dma_wait3A_70 : memref<128x48xf32, #tpu.memory_space<vmem>>) dst(%dma_wait3A_76 : memref<10240x48xf32, #tpu.memory_space<vmem_shared>>)
    %dma_wait3A_77 = arith.constant 2 : i32
    %dma_wait3A_78 = arith.constant 38 : i32
    %dma_wait3A_79 = arith.constant 0 : i32
    %dma_wait3A_80 = arith.constant 0 : i32
    %dma_wait3A_81 = tpu.memref_slice %arg9[%dma_wait3A_77, %dma_wait3A_79, %dma_wait3A_80] : memref<4x128x48xf32, #tpu.memory_space<vmem>> -> memref<1x128x48xf32, #tpu.memory_space<vmem>>
    %dma_wait3A_82 = tpu.memref_squeeze %dma_wait3A_81 : memref<1x128x48xf32, #tpu.memory_space<vmem>> -> memref<128x48xf32, #tpu.memory_space<vmem>>
    %dma_wait3A_83 = arith.constant 0 : i32
    %dma_wait3A_84 = tpu.memref_slice %arg8[%dma_wait3A_78, %dma_wait3A_83] : memref<40x128xi32, #tpu.memory_space<vmem>> -> memref<1x128xi32, #tpu.memory_space<vmem>>
    %dma_wait3A_85 = tpu.memref_squeeze %dma_wait3A_84 : memref<1x128xi32, #tpu.memory_space<vmem>> -> memref<128xi32, #tpu.memory_space<vmem>>
    %dma_wait3A_86 = arith.constant 0 : i32
    %dma_wait3A_87 = arith.constant 0 : i32
    %dma_wait3A_88 = tpu.memref_slice %arg11[%dma_wait3A_86, %dma_wait3A_87] : memref<10240x48xf32, #tpu.memory_space<vmem_shared>> -> memref<10240x48xf32, #tpu.memory_space<vmem_shared>>
    tpu.wait_indirect_dma semaphore(%arg18 : memref<!tpu.dma_semaphore, #tpu.memory_space<semaphore_mem>>) src(%dma_wait3A_82 : memref<128x48xf32, #tpu.memory_space<vmem>>) dst(%dma_wait3A_88 : memref<10240x48xf32, #tpu.memory_space<vmem_shared>>)
    %dma_wait3A_89 = arith.constant 3 : i32
    %dma_wait3A_90 = arith.constant 39 : i32
    %dma_wait3A_91 = arith.constant 0 : i32
    %dma_wait3A_92 = arith.constant 0 : i32
    %dma_wait3A_93 = tpu.memref_slice %arg9[%dma_wait3A_89, %dma_wait3A_91, %dma_wait3A_92] : memref<4x128x48xf32, #tpu.memory_space<vmem>> -> memref<1x128x48xf32, #tpu.memory_space<vmem>>
    %dma_wait3A_94 = tpu.memref_squeeze %dma_wait3A_93 : memref<1x128x48xf32, #tpu.memory_space<vmem>> -> memref<128x48xf32, #tpu.memory_space<vmem>>
    %dma_wait3A_95 = arith.constant 0 : i32
    %dma_wait3A_96 = tpu.memref_slice %arg8[%dma_wait3A_90, %dma_wait3A_95] : memref<40x128xi32, #tpu.memory_space<vmem>> -> memref<1x128xi32, #tpu.memory_space<vmem>>
    %dma_wait3A_97 = tpu.memref_squeeze %dma_wait3A_96 : memref<1x128xi32, #tpu.memory_space<vmem>> -> memref<128xi32, #tpu.memory_space<vmem>>
    %dma_wait3A_98 = arith.constant 0 : i32
    %dma_wait3A_99 = arith.constant 0 : i32
    %dma_wait3A_100 = tpu.memref_slice %arg11[%dma_wait3A_98, %dma_wait3A_99] : memref<10240x48xf32, #tpu.memory_space<vmem_shared>> -> memref<10240x48xf32, #tpu.memory_space<vmem_shared>>
    tpu.wait_indirect_dma semaphore(%arg19 : memref<!tpu.dma_semaphore, #tpu.memory_space<semaphore_mem>>) src(%dma_wait3A_94 : memref<128x48xf32, #tpu.memory_space<vmem>>) dst(%dma_wait3A_100 : memref<10240x48xf32, #tpu.memory_space<vmem_shared>>)
    %barrier3A_101 = arith.constant 0 : index
    tpu.barrier barrier_id(%barrier3A_101)
    "tpu.region"() ({
      %run_scoped3A = tpu.sem_alloc : memref<!tpu.dma_semaphore, #tpu.memory_space<semaphore_mem>>
      %dma_start3A_102 = arith.constant 0 : i32
      %dma_start3A_103 = tpu.memref_slice %arg6[%arg0, %mul3A_2, %dma_start3A_102] : memref<2x10240x128xf32, #tpu.memory_space<hbm>> -> memref<1x640x48xf32, #tpu.memory_space<hbm>>
      %dma_start3A_104 = tpu.memref_squeeze %dma_start3A_103 : memref<1x640x48xf32, #tpu.memory_space<hbm>> -> memref<640x48xf32, #tpu.memory_space<hbm>>
      %dma_start3A_105 = arith.constant 0 : i32
      %dma_start3A_106 = tpu.memref_slice %arg11[%mul3A_2, %dma_start3A_105] : memref<10240x48xf32, #tpu.memory_space<vmem_shared>> -> memref<640x48xf32, #tpu.memory_space<vmem_shared>>
      tpu.enqueue_dma source(%dma_start3A_106 : memref<640x48xf32, #tpu.memory_space<vmem_shared>>) target(%dma_start3A_104 : memref<640x48xf32, #tpu.memory_space<hbm>>) target_semaphore(%run_scoped3A : memref<!tpu.dma_semaphore, #tpu.memory_space<semaphore_mem>>)
      %dma_wait3A_107 = arith.constant 0 : i32
      %dma_wait3A_108 = tpu.memref_slice %arg6[%arg0, %mul3A_2, %dma_wait3A_107] : memref<2x10240x128xf32, #tpu.memory_space<hbm>> -> memref<1x640x48xf32, #tpu.memory_space<hbm>>
      %dma_wait3A_109 = tpu.memref_squeeze %dma_wait3A_108 : memref<1x640x48xf32, #tpu.memory_space<hbm>> -> memref<640x48xf32, #tpu.memory_space<hbm>>
      %dma_wait3A_110 = arith.constant 0 : i32
      %dma_wait3A_111 = tpu.memref_slice %arg11[%mul3A_2, %dma_wait3A_110] : memref<10240x48xf32, #tpu.memory_space<vmem_shared>> -> memref<640x48xf32, #tpu.memory_space<vmem_shared>>
      tpu.wait_dma2 semaphore(%run_scoped3A : memref<!tpu.dma_semaphore, #tpu.memory_space<semaphore_mem>>) src(%dma_wait3A_111 : memref<640x48xf32, #tpu.memory_space<vmem_shared>>) dst(%dma_wait3A_109 : memref<640x48xf32, #tpu.memory_space<hbm>>)
      tpu.yield
    }) : () -> ()
    return
  }
}

#map = affine_map<(d0, d1) -> (0, 0)>
#map1 = affine_map<(d0, d1) -> (0, 0, 0)>
module attributes {stable_mosaic.version = 14 : i64} {
  func.func @agg_kernel(%arg0: i32, %arg1: i32, %arg2: memref<10240x128xf32, #tpu.memory_space<hbm>>, %arg3: memref<32x40x128xi32, #tpu.memory_space<hbm>>, %arg4: memref<32x40x128xi32, #tpu.memory_space<hbm>>, %arg5: memref<640x64xf32, #tpu.memory_space<hbm>>, %arg6: memref<2x10240x128xf32, #tpu.memory_space<hbm>>, %arg7: memref<40x128xi32, #tpu.memory_space<vmem>>, %arg8: memref<40x128xi32, #tpu.memory_space<vmem>>, %arg9: memref<4x128x64xf32, #tpu.memory_space<vmem>>, %arg10: memref<10240x64xf32, #tpu.memory_space<vmem_shared>>, %arg11: memref<10240x64xf32, #tpu.memory_space<vmem_shared>>, %arg12: memref<!tpu.dma_semaphore, #tpu.memory_space<semaphore_mem>>, %arg13: memref<!tpu.dma_semaphore, #tpu.memory_space<semaphore_mem>>, %arg14: memref<!tpu.dma_semaphore, #tpu.memory_space<semaphore_mem>>, %arg15: memref<!tpu.dma_semaphore, #tpu.memory_space<semaphore_mem>>, %arg16: memref<!tpu.dma_semaphore, #tpu.memory_space<semaphore_mem>>, %arg17: memref<!tpu.dma_semaphore, #tpu.memory_space<semaphore_mem>>, %arg18: memref<!tpu.dma_semaphore, #tpu.memory_space<semaphore_mem>>, %arg19: memref<!tpu.dma_semaphore, #tpu.memory_space<semaphore_mem>>) attributes {dimension_semantics = [#tpu.dimension_semantics<core_parallel>, #tpu.dimension_semantics<subcore_parallel>], iteration_bounds = array<i64: 2, 16>, scalar_prefetch = 0 : i64, scratch_operands = 13 : i64, tpu.core_type = #tpu.core_type<sc_vector_subcore>, window_params = [{transform_indices = #map}, {transform_indices = #map1}, {transform_indices = #map1}, {transform_indices = #map}, {transform_indices = #map1}]} {
    %mul3A = arith.constant 16 : i32
    %mul3A_0 = arith.muli %arg0, %mul3A : i32
    %add3A = arith.addi %mul3A_0, %arg1 : i32
    %mul3A_1 = arith.constant 640 : i32
    %mul3A_2 = arith.muli %arg1, %mul3A_1 : i32
    "tpu.region"() ({
      %run_scoped3A = tpu.sem_alloc : memref<!tpu.dma_semaphore, #tpu.memory_space<semaphore_mem>>
      %dma_start3A_102 = arith.constant 0 : i32
      %dma_start3A_103 = tpu.memref_slice %arg11[%mul3A_2, %dma_start3A_102] : memref<10240x64xf32, #tpu.memory_space<vmem_shared>> -> memref<640x64xf32, #tpu.memory_space<vmem_shared>>
      tpu.enqueue_dma source(%arg5 : memref<640x64xf32, #tpu.memory_space<hbm>>) target(%dma_start3A_103 : memref<640x64xf32, #tpu.memory_space<vmem_shared>>) target_semaphore(%run_scoped3A : memref<!tpu.dma_semaphore, #tpu.memory_space<semaphore_mem>>)
      %dma_wait3A_104 = arith.constant 0 : i32
      %dma_wait3A_105 = tpu.memref_slice %arg11[%mul3A_2, %dma_wait3A_104] : memref<10240x64xf32, #tpu.memory_space<vmem_shared>> -> memref<640x64xf32, #tpu.memory_space<vmem_shared>>
      tpu.wait_dma2 semaphore(%run_scoped3A : memref<!tpu.dma_semaphore, #tpu.memory_space<semaphore_mem>>) src(%arg5 : memref<640x64xf32, #tpu.memory_space<hbm>>) dst(%dma_wait3A_105 : memref<640x64xf32, #tpu.memory_space<vmem_shared>>)
      tpu.yield
    }) : () -> ()
    "tpu.region"() ({
      %run_scoped3A = tpu.sem_alloc : memref<!tpu.dma_semaphore, #tpu.memory_space<semaphore_mem>>
      %dma_start3A_102 = arith.constant 0 : i32
      %dma_start3A_103 = tpu.memref_slice %arg10[%mul3A_2, %dma_start3A_102] : memref<10240x64xf32, #tpu.memory_space<vmem_shared>> -> memref<640x64xf32, #tpu.memory_space<vmem_shared>>
      %dma_start3A_104 = arith.constant 0 : i32
      %dma_start3A_105 = tpu.memref_slice %arg2[%mul3A_2, %dma_start3A_104] : memref<10240x128xf32, #tpu.memory_space<hbm>> -> memref<640x64xf32, #tpu.memory_space<hbm>>
      tpu.enqueue_dma source(%dma_start3A_105 : memref<640x64xf32, #tpu.memory_space<hbm>>) target(%dma_start3A_103 : memref<640x64xf32, #tpu.memory_space<vmem_shared>>) target_semaphore(%run_scoped3A : memref<!tpu.dma_semaphore, #tpu.memory_space<semaphore_mem>>)
      %dma_wait3A_106 = arith.constant 0 : i32
      %dma_wait3A_107 = tpu.memref_slice %arg10[%mul3A_2, %dma_wait3A_106] : memref<10240x64xf32, #tpu.memory_space<vmem_shared>> -> memref<640x64xf32, #tpu.memory_space<vmem_shared>>
      %dma_wait3A_108 = arith.constant 0 : i32
      %dma_wait3A_109 = tpu.memref_slice %arg2[%mul3A_2, %dma_wait3A_108] : memref<10240x128xf32, #tpu.memory_space<hbm>> -> memref<640x64xf32, #tpu.memory_space<hbm>>
      tpu.wait_dma2 semaphore(%run_scoped3A : memref<!tpu.dma_semaphore, #tpu.memory_space<semaphore_mem>>) src(%dma_wait3A_109 : memref<640x64xf32, #tpu.memory_space<hbm>>) dst(%dma_wait3A_107 : memref<640x64xf32, #tpu.memory_space<vmem_shared>>)
      tpu.yield
    }) : () -> ()
    "tpu.region"() ({
      %run_scoped3A = tpu.sem_alloc : memref<!tpu.dma_semaphore, #tpu.memory_space<semaphore_mem>>
      %dma_start3A_102 = arith.constant 0 : i32
      %dma_start3A_103 = arith.constant 0 : i32
      %dma_start3A_104 = tpu.memref_slice %arg3[%add3A, %dma_start3A_102, %dma_start3A_103] : memref<32x40x128xi32, #tpu.memory_space<hbm>> -> memref<1x40x128xi32, #tpu.memory_space<hbm>>
      %dma_start3A_105 = tpu.memref_squeeze %dma_start3A_104 : memref<1x40x128xi32, #tpu.memory_space<hbm>> -> memref<40x128xi32, #tpu.memory_space<hbm>>
      %dma_start3A_106 = arith.constant 0 : i32
      %dma_start3A_107 = arith.constant 0 : i32
      %dma_start3A_108 = tpu.memref_slice %arg3[%add3A, %dma_start3A_106, %dma_start3A_107] : memref<32x40x128xi32, #tpu.memory_space<hbm>> -> memref<1x40x128xi32, #tpu.memory_space<hbm>>
      %dma_start3A_109 = tpu.memref_squeeze %dma_start3A_108 : memref<1x40x128xi32, #tpu.memory_space<hbm>> -> memref<40x128xi32, #tpu.memory_space<hbm>>
      tpu.enqueue_dma source(%dma_start3A_109 : memref<40x128xi32, #tpu.memory_space<hbm>>) target(%arg7 : memref<40x128xi32, #tpu.memory_space<vmem>>) target_semaphore(%run_scoped3A : memref<!tpu.dma_semaphore, #tpu.memory_space<semaphore_mem>>)
      %dma_wait3A_110 = arith.constant 0 : i32
      %dma_wait3A_111 = arith.constant 0 : i32
      %dma_wait3A_112 = tpu.memref_slice %arg3[%add3A, %dma_wait3A_110, %dma_wait3A_111] : memref<32x40x128xi32, #tpu.memory_space<hbm>> -> memref<1x40x128xi32, #tpu.memory_space<hbm>>
      %dma_wait3A_113 = tpu.memref_squeeze %dma_wait3A_112 : memref<1x40x128xi32, #tpu.memory_space<hbm>> -> memref<40x128xi32, #tpu.memory_space<hbm>>
      %dma_wait3A_114 = arith.constant 0 : i32
      %dma_wait3A_115 = arith.constant 0 : i32
      %dma_wait3A_116 = tpu.memref_slice %arg3[%add3A, %dma_wait3A_114, %dma_wait3A_115] : memref<32x40x128xi32, #tpu.memory_space<hbm>> -> memref<1x40x128xi32, #tpu.memory_space<hbm>>
      %dma_wait3A_117 = tpu.memref_squeeze %dma_wait3A_116 : memref<1x40x128xi32, #tpu.memory_space<hbm>> -> memref<40x128xi32, #tpu.memory_space<hbm>>
      tpu.wait_dma2 semaphore(%run_scoped3A : memref<!tpu.dma_semaphore, #tpu.memory_space<semaphore_mem>>) src(%dma_wait3A_117 : memref<40x128xi32, #tpu.memory_space<hbm>>) dst(%arg7 : memref<40x128xi32, #tpu.memory_space<vmem>>)
      tpu.yield
    }) : () -> ()
    "tpu.region"() ({
      %run_scoped3A = tpu.sem_alloc : memref<!tpu.dma_semaphore, #tpu.memory_space<semaphore_mem>>
      %dma_start3A_102 = arith.constant 0 : i32
      %dma_start3A_103 = arith.constant 0 : i32
      %dma_start3A_104 = tpu.memref_slice %arg4[%add3A, %dma_start3A_102, %dma_start3A_103] : memref<32x40x128xi32, #tpu.memory_space<hbm>> -> memref<1x40x128xi32, #tpu.memory_space<hbm>>
      %dma_start3A_105 = tpu.memref_squeeze %dma_start3A_104 : memref<1x40x128xi32, #tpu.memory_space<hbm>> -> memref<40x128xi32, #tpu.memory_space<hbm>>
      %dma_start3A_106 = arith.constant 0 : i32
      %dma_start3A_107 = arith.constant 0 : i32
      %dma_start3A_108 = tpu.memref_slice %arg4[%add3A, %dma_start3A_106, %dma_start3A_107] : memref<32x40x128xi32, #tpu.memory_space<hbm>> -> memref<1x40x128xi32, #tpu.memory_space<hbm>>
      %dma_start3A_109 = tpu.memref_squeeze %dma_start3A_108 : memref<1x40x128xi32, #tpu.memory_space<hbm>> -> memref<40x128xi32, #tpu.memory_space<hbm>>
      tpu.enqueue_dma source(%dma_start3A_109 : memref<40x128xi32, #tpu.memory_space<hbm>>) target(%arg8 : memref<40x128xi32, #tpu.memory_space<vmem>>) target_semaphore(%run_scoped3A : memref<!tpu.dma_semaphore, #tpu.memory_space<semaphore_mem>>)
      %dma_wait3A_110 = arith.constant 0 : i32
      %dma_wait3A_111 = arith.constant 0 : i32
      %dma_wait3A_112 = tpu.memref_slice %arg4[%add3A, %dma_wait3A_110, %dma_wait3A_111] : memref<32x40x128xi32, #tpu.memory_space<hbm>> -> memref<1x40x128xi32, #tpu.memory_space<hbm>>
      %dma_wait3A_113 = tpu.memref_squeeze %dma_wait3A_112 : memref<1x40x128xi32, #tpu.memory_space<hbm>> -> memref<40x128xi32, #tpu.memory_space<hbm>>
      %dma_wait3A_114 = arith.constant 0 : i32
      %dma_wait3A_115 = arith.constant 0 : i32
      %dma_wait3A_116 = tpu.memref_slice %arg4[%add3A, %dma_wait3A_114, %dma_wait3A_115] : memref<32x40x128xi32, #tpu.memory_space<hbm>> -> memref<1x40x128xi32, #tpu.memory_space<hbm>>
      %dma_wait3A_117 = tpu.memref_squeeze %dma_wait3A_116 : memref<1x40x128xi32, #tpu.memory_space<hbm>> -> memref<40x128xi32, #tpu.memory_space<hbm>>
      tpu.wait_dma2 semaphore(%run_scoped3A : memref<!tpu.dma_semaphore, #tpu.memory_space<semaphore_mem>>) src(%dma_wait3A_117 : memref<40x128xi32, #tpu.memory_space<hbm>>) dst(%arg8 : memref<40x128xi32, #tpu.memory_space<vmem>>)
      tpu.yield
    }) : () -> ()
    %barrier3A = arith.constant 0 : index
    tpu.barrier barrier_id(%barrier3A)
    %dma_start3A = arith.constant 0 : i32
    %dma_start3A_3 = arith.constant 0 : i32
    %dma_start3A_4 = arith.constant 0 : i32
    %dma_start3A_5 = arith.constant 0 : i32
    %dma_start3A_6 = tpu.memref_slice %arg9[%dma_start3A_3, %dma_start3A_4, %dma_start3A_5] : memref<4x128x64xf32, #tpu.memory_space<vmem>> -> memref<1x128x64xf32, #tpu.memory_space<vmem>>
    %dma_start3A_7 = tpu.memref_squeeze %dma_start3A_6 : memref<1x128x64xf32, #tpu.memory_space<vmem>> -> memref<128x64xf32, #tpu.memory_space<vmem>>
    %dma_start3A_8 = arith.constant 0 : i32
    %dma_start3A_9 = tpu.memref_slice %arg7[%dma_start3A, %dma_start3A_8] : memref<40x128xi32, #tpu.memory_space<vmem>> -> memref<1x128xi32, #tpu.memory_space<vmem>>
    %dma_start3A_10 = tpu.memref_squeeze %dma_start3A_9 : memref<1x128xi32, #tpu.memory_space<vmem>> -> memref<128xi32, #tpu.memory_space<vmem>>
    %dma_start3A_11 = arith.constant 0 : i32
    %dma_start3A_12 = arith.constant 0 : i32
    %dma_start3A_13 = tpu.memref_slice %arg10[%dma_start3A_11, %dma_start3A_12] : memref<10240x64xf32, #tpu.memory_space<vmem_shared>> -> memref<10240x64xf32, #tpu.memory_space<vmem_shared>>
    tpu.enqueue_indirect_dma source(%dma_start3A_13 : memref<10240x64xf32, #tpu.memory_space<vmem_shared>>) target(%dma_start3A_7 : memref<128x64xf32, #tpu.memory_space<vmem>>) offsets(%dma_start3A_10 : memref<128xi32, #tpu.memory_space<vmem>>) semaphore(%arg12 : memref<!tpu.dma_semaphore, #tpu.memory_space<semaphore_mem>>)
    %dma_start3A_14 = arith.constant 1 : i32
    %dma_start3A_15 = arith.constant 1 : i32
    %dma_start3A_16 = arith.constant 0 : i32
    %dma_start3A_17 = arith.constant 0 : i32
    %dma_start3A_18 = tpu.memref_slice %arg9[%dma_start3A_15, %dma_start3A_16, %dma_start3A_17] : memref<4x128x64xf32, #tpu.memory_space<vmem>> -> memref<1x128x64xf32, #tpu.memory_space<vmem>>
    %dma_start3A_19 = tpu.memref_squeeze %dma_start3A_18 : memref<1x128x64xf32, #tpu.memory_space<vmem>> -> memref<128x64xf32, #tpu.memory_space<vmem>>
    %dma_start3A_20 = arith.constant 0 : i32
    %dma_start3A_21 = tpu.memref_slice %arg7[%dma_start3A_14, %dma_start3A_20] : memref<40x128xi32, #tpu.memory_space<vmem>> -> memref<1x128xi32, #tpu.memory_space<vmem>>
    %dma_start3A_22 = tpu.memref_squeeze %dma_start3A_21 : memref<1x128xi32, #tpu.memory_space<vmem>> -> memref<128xi32, #tpu.memory_space<vmem>>
    %dma_start3A_23 = arith.constant 0 : i32
    %dma_start3A_24 = arith.constant 0 : i32
    %dma_start3A_25 = tpu.memref_slice %arg10[%dma_start3A_23, %dma_start3A_24] : memref<10240x64xf32, #tpu.memory_space<vmem_shared>> -> memref<10240x64xf32, #tpu.memory_space<vmem_shared>>
    tpu.enqueue_indirect_dma source(%dma_start3A_25 : memref<10240x64xf32, #tpu.memory_space<vmem_shared>>) target(%dma_start3A_19 : memref<128x64xf32, #tpu.memory_space<vmem>>) offsets(%dma_start3A_22 : memref<128xi32, #tpu.memory_space<vmem>>) semaphore(%arg13 : memref<!tpu.dma_semaphore, #tpu.memory_space<semaphore_mem>>)
    %dma_start3A_26 = arith.constant 2 : i32
    %dma_start3A_27 = arith.constant 2 : i32
    %dma_start3A_28 = arith.constant 0 : i32
    %dma_start3A_29 = arith.constant 0 : i32
    %dma_start3A_30 = tpu.memref_slice %arg9[%dma_start3A_27, %dma_start3A_28, %dma_start3A_29] : memref<4x128x64xf32, #tpu.memory_space<vmem>> -> memref<1x128x64xf32, #tpu.memory_space<vmem>>
    %dma_start3A_31 = tpu.memref_squeeze %dma_start3A_30 : memref<1x128x64xf32, #tpu.memory_space<vmem>> -> memref<128x64xf32, #tpu.memory_space<vmem>>
    %dma_start3A_32 = arith.constant 0 : i32
    %dma_start3A_33 = tpu.memref_slice %arg7[%dma_start3A_26, %dma_start3A_32] : memref<40x128xi32, #tpu.memory_space<vmem>> -> memref<1x128xi32, #tpu.memory_space<vmem>>
    %dma_start3A_34 = tpu.memref_squeeze %dma_start3A_33 : memref<1x128xi32, #tpu.memory_space<vmem>> -> memref<128xi32, #tpu.memory_space<vmem>>
    %dma_start3A_35 = arith.constant 0 : i32
    %dma_start3A_36 = arith.constant 0 : i32
    %dma_start3A_37 = tpu.memref_slice %arg10[%dma_start3A_35, %dma_start3A_36] : memref<10240x64xf32, #tpu.memory_space<vmem_shared>> -> memref<10240x64xf32, #tpu.memory_space<vmem_shared>>
    tpu.enqueue_indirect_dma source(%dma_start3A_37 : memref<10240x64xf32, #tpu.memory_space<vmem_shared>>) target(%dma_start3A_31 : memref<128x64xf32, #tpu.memory_space<vmem>>) offsets(%dma_start3A_34 : memref<128xi32, #tpu.memory_space<vmem>>) semaphore(%arg14 : memref<!tpu.dma_semaphore, #tpu.memory_space<semaphore_mem>>)
    %dma_start3A_38 = arith.constant 3 : i32
    %dma_start3A_39 = arith.constant 3 : i32
    %dma_start3A_40 = arith.constant 0 : i32
    %dma_start3A_41 = arith.constant 0 : i32
    %dma_start3A_42 = tpu.memref_slice %arg9[%dma_start3A_39, %dma_start3A_40, %dma_start3A_41] : memref<4x128x64xf32, #tpu.memory_space<vmem>> -> memref<1x128x64xf32, #tpu.memory_space<vmem>>
    %dma_start3A_43 = tpu.memref_squeeze %dma_start3A_42 : memref<1x128x64xf32, #tpu.memory_space<vmem>> -> memref<128x64xf32, #tpu.memory_space<vmem>>
    %dma_start3A_44 = arith.constant 0 : i32
    %dma_start3A_45 = tpu.memref_slice %arg7[%dma_start3A_38, %dma_start3A_44] : memref<40x128xi32, #tpu.memory_space<vmem>> -> memref<1x128xi32, #tpu.memory_space<vmem>>
    %dma_start3A_46 = tpu.memref_squeeze %dma_start3A_45 : memref<1x128xi32, #tpu.memory_space<vmem>> -> memref<128xi32, #tpu.memory_space<vmem>>
    %dma_start3A_47 = arith.constant 0 : i32
    %dma_start3A_48 = arith.constant 0 : i32
    %dma_start3A_49 = tpu.memref_slice %arg10[%dma_start3A_47, %dma_start3A_48] : memref<10240x64xf32, #tpu.memory_space<vmem_shared>> -> memref<10240x64xf32, #tpu.memory_space<vmem_shared>>
    tpu.enqueue_indirect_dma source(%dma_start3A_49 : memref<10240x64xf32, #tpu.memory_space<vmem_shared>>) target(%dma_start3A_43 : memref<128x64xf32, #tpu.memory_space<vmem>>) offsets(%dma_start3A_46 : memref<128xi32, #tpu.memory_space<vmem>>) semaphore(%arg15 : memref<!tpu.dma_semaphore, #tpu.memory_space<semaphore_mem>>)
    %scan3A = arith.constant 0 : i32
    %scan3A_50 = arith.constant 10 : i32
    %scan3A_51 = arith.addi %scan3A, %scan3A_50 : i32
    %scan3A_52 = arith.constant 1 : i32
    scf.for %scan3A_102 = %scan3A to %scan3A_51 step %scan3A_52  : i32 {
      %mul3A_103 = arith.constant 1 : i32
      %mul3A_104 = arith.muli %scan3A_102, %mul3A_103 : i32
      %add3A_105 = arith.constant 0 : i32
      %add3A_106 = arith.addi %add3A_105, %mul3A_104 : i32
      %mul3A_107 = arith.constant 4 : i32
      %mul3A_108 = arith.muli %add3A_106, %mul3A_107 : i32
      %add3A_109 = arith.constant 0 : i32
      %add3A_110 = arith.addi %mul3A_108, %add3A_109 : i32
      %dma_wait3A_111 = arith.constant 0 : i32
      %dma_wait3A_112 = arith.constant 0 : i32
      %dma_wait3A_113 = arith.constant 0 : i32
      %dma_wait3A_114 = tpu.memref_slice %arg9[%dma_wait3A_111, %dma_wait3A_112, %dma_wait3A_113] : memref<4x128x64xf32, #tpu.memory_space<vmem>> -> memref<1x128x64xf32, #tpu.memory_space<vmem>>
      %dma_wait3A_115 = tpu.memref_squeeze %dma_wait3A_114 : memref<1x128x64xf32, #tpu.memory_space<vmem>> -> memref<128x64xf32, #tpu.memory_space<vmem>>
      %dma_wait3A_116 = arith.constant 0 : i32
      %dma_wait3A_117 = tpu.memref_slice %arg7[%add3A_110, %dma_wait3A_116] : memref<40x128xi32, #tpu.memory_space<vmem>> -> memref<1x128xi32, #tpu.memory_space<vmem>>
      %dma_wait3A_118 = tpu.memref_squeeze %dma_wait3A_117 : memref<1x128xi32, #tpu.memory_space<vmem>> -> memref<128xi32, #tpu.memory_space<vmem>>
      %dma_wait3A_119 = arith.constant 0 : i32
      %dma_wait3A_120 = arith.constant 0 : i32
      %dma_wait3A_121 = tpu.memref_slice %arg10[%dma_wait3A_119, %dma_wait3A_120] : memref<10240x64xf32, #tpu.memory_space<vmem_shared>> -> memref<10240x64xf32, #tpu.memory_space<vmem_shared>>
      tpu.wait_indirect_dma semaphore(%arg12 : memref<!tpu.dma_semaphore, #tpu.memory_space<semaphore_mem>>) src(%dma_wait3A_121 : memref<10240x64xf32, #tpu.memory_space<vmem_shared>>) dst(%dma_wait3A_115 : memref<128x64xf32, #tpu.memory_space<vmem>>)
      %dma_start3A_122 = arith.constant 0 : i32
      %dma_start3A_123 = arith.constant 0 : i32
      %dma_start3A_124 = arith.constant 0 : i32
      %dma_start3A_125 = tpu.memref_slice %arg9[%dma_start3A_122, %dma_start3A_123, %dma_start3A_124] : memref<4x128x64xf32, #tpu.memory_space<vmem>> -> memref<1x128x64xf32, #tpu.memory_space<vmem>>
      %dma_start3A_126 = tpu.memref_squeeze %dma_start3A_125 : memref<1x128x64xf32, #tpu.memory_space<vmem>> -> memref<128x64xf32, #tpu.memory_space<vmem>>
      %dma_start3A_127 = arith.constant 0 : i32
      %dma_start3A_128 = tpu.memref_slice %arg8[%add3A_110, %dma_start3A_127] : memref<40x128xi32, #tpu.memory_space<vmem>> -> memref<1x128xi32, #tpu.memory_space<vmem>>
      %dma_start3A_129 = tpu.memref_squeeze %dma_start3A_128 : memref<1x128xi32, #tpu.memory_space<vmem>> -> memref<128xi32, #tpu.memory_space<vmem>>
      %dma_start3A_130 = arith.constant 0 : i32
      %dma_start3A_131 = arith.constant 0 : i32
      %dma_start3A_132 = tpu.memref_slice %arg11[%dma_start3A_130, %dma_start3A_131] : memref<10240x64xf32, #tpu.memory_space<vmem_shared>> -> memref<10240x64xf32, #tpu.memory_space<vmem_shared>>
      tpu.enqueue_indirect_dma source(%dma_start3A_126 : memref<128x64xf32, #tpu.memory_space<vmem>>) target(%dma_start3A_132 : memref<10240x64xf32, #tpu.memory_space<vmem_shared>>) offsets(%dma_start3A_129 : memref<128xi32, #tpu.memory_space<vmem>>) semaphore(%arg16 : memref<!tpu.dma_semaphore, #tpu.memory_space<semaphore_mem>>) {add = true}
      %ge3A = arith.constant 1 : i32
      %ge3A_133 = arith.cmpi sge, %add3A_110, %ge3A : i32
      %add3A_134 = arith.constant 4 : i32
      %add3A_135 = arith.addi %add3A_110, %add3A_134 : i32
      %sub3A = arith.constant 1 : i32
      %sub3A_136 = arith.subi %add3A_135, %sub3A : i32
      %lt3A = arith.constant 40 : i32
      %lt3A_137 = arith.cmpi slt, %sub3A_136, %lt3A : i32
      %and3A = arith.andi %ge3A_133, %lt3A_137 : i1
      %convert_element_type3A = arith.extui %and3A : i1 to i32
      %cond3A = arith.constant 0 : i32
      %cond3A_138 = arith.cmpi ne, %convert_element_type3A, %cond3A : i32
      scf.if %cond3A_138 {
        %sub3A_247 = arith.constant 1 : i32
        %sub3A_248 = arith.subi %add3A_110, %sub3A_247 : i32
        %dma_wait3A_249 = arith.constant 3 : i32
        %dma_wait3A_250 = arith.constant 0 : i32
        %dma_wait3A_251 = arith.constant 0 : i32
        %dma_wait3A_252 = tpu.memref_slice %arg9[%dma_wait3A_249, %dma_wait3A_250, %dma_wait3A_251] : memref<4x128x64xf32, #tpu.memory_space<vmem>> -> memref<1x128x64xf32, #tpu.memory_space<vmem>>
        %dma_wait3A_253 = tpu.memref_squeeze %dma_wait3A_252 : memref<1x128x64xf32, #tpu.memory_space<vmem>> -> memref<128x64xf32, #tpu.memory_space<vmem>>
        %dma_wait3A_254 = arith.constant 0 : i32
        %dma_wait3A_255 = tpu.memref_slice %arg8[%sub3A_248, %dma_wait3A_254] : memref<40x128xi32, #tpu.memory_space<vmem>> -> memref<1x128xi32, #tpu.memory_space<vmem>>
        %dma_wait3A_256 = tpu.memref_squeeze %dma_wait3A_255 : memref<1x128xi32, #tpu.memory_space<vmem>> -> memref<128xi32, #tpu.memory_space<vmem>>
        %dma_wait3A_257 = arith.constant 0 : i32
        %dma_wait3A_258 = arith.constant 0 : i32
        %dma_wait3A_259 = tpu.memref_slice %arg11[%dma_wait3A_257, %dma_wait3A_258] : memref<10240x64xf32, #tpu.memory_space<vmem_shared>> -> memref<10240x64xf32, #tpu.memory_space<vmem_shared>>
        tpu.wait_indirect_dma semaphore(%arg19 : memref<!tpu.dma_semaphore, #tpu.memory_space<semaphore_mem>>) src(%dma_wait3A_253 : memref<128x64xf32, #tpu.memory_space<vmem>>) dst(%dma_wait3A_259 : memref<10240x64xf32, #tpu.memory_space<vmem_shared>>)
        %add3A_260 = arith.constant 4 : i32
        %add3A_261 = arith.addi %add3A_110, %add3A_260 : i32
        %sub3A_262 = arith.constant 1 : i32
        %sub3A_263 = arith.subi %add3A_261, %sub3A_262 : i32
        %dma_start3A_264 = arith.constant 3 : i32
        %dma_start3A_265 = arith.constant 0 : i32
        %dma_start3A_266 = arith.constant 0 : i32
        %dma_start3A_267 = tpu.memref_slice %arg9[%dma_start3A_264, %dma_start3A_265, %dma_start3A_266] : memref<4x128x64xf32, #tpu.memory_space<vmem>> -> memref<1x128x64xf32, #tpu.memory_space<vmem>>
        %dma_start3A_268 = tpu.memref_squeeze %dma_start3A_267 : memref<1x128x64xf32, #tpu.memory_space<vmem>> -> memref<128x64xf32, #tpu.memory_space<vmem>>
        %dma_start3A_269 = arith.constant 0 : i32
        %dma_start3A_270 = tpu.memref_slice %arg7[%sub3A_263, %dma_start3A_269] : memref<40x128xi32, #tpu.memory_space<vmem>> -> memref<1x128xi32, #tpu.memory_space<vmem>>
        %dma_start3A_271 = tpu.memref_squeeze %dma_start3A_270 : memref<1x128xi32, #tpu.memory_space<vmem>> -> memref<128xi32, #tpu.memory_space<vmem>>
        %dma_start3A_272 = arith.constant 0 : i32
        %dma_start3A_273 = arith.constant 0 : i32
        %dma_start3A_274 = tpu.memref_slice %arg10[%dma_start3A_272, %dma_start3A_273] : memref<10240x64xf32, #tpu.memory_space<vmem_shared>> -> memref<10240x64xf32, #tpu.memory_space<vmem_shared>>
        tpu.enqueue_indirect_dma source(%dma_start3A_274 : memref<10240x64xf32, #tpu.memory_space<vmem_shared>>) target(%dma_start3A_268 : memref<128x64xf32, #tpu.memory_space<vmem>>) offsets(%dma_start3A_271 : memref<128xi32, #tpu.memory_space<vmem>>) semaphore(%arg15 : memref<!tpu.dma_semaphore, #tpu.memory_space<semaphore_mem>>)
      } else {
      }
      %add3A_139 = arith.constant 1 : i32
      %add3A_140 = arith.addi %mul3A_108, %add3A_139 : i32
      %dma_wait3A_141 = arith.constant 1 : i32
      %dma_wait3A_142 = arith.constant 0 : i32
      %dma_wait3A_143 = arith.constant 0 : i32
      %dma_wait3A_144 = tpu.memref_slice %arg9[%dma_wait3A_141, %dma_wait3A_142, %dma_wait3A_143] : memref<4x128x64xf32, #tpu.memory_space<vmem>> -> memref<1x128x64xf32, #tpu.memory_space<vmem>>
      %dma_wait3A_145 = tpu.memref_squeeze %dma_wait3A_144 : memref<1x128x64xf32, #tpu.memory_space<vmem>> -> memref<128x64xf32, #tpu.memory_space<vmem>>
      %dma_wait3A_146 = arith.constant 0 : i32
      %dma_wait3A_147 = tpu.memref_slice %arg7[%add3A_140, %dma_wait3A_146] : memref<40x128xi32, #tpu.memory_space<vmem>> -> memref<1x128xi32, #tpu.memory_space<vmem>>
      %dma_wait3A_148 = tpu.memref_squeeze %dma_wait3A_147 : memref<1x128xi32, #tpu.memory_space<vmem>> -> memref<128xi32, #tpu.memory_space<vmem>>
      %dma_wait3A_149 = arith.constant 0 : i32
      %dma_wait3A_150 = arith.constant 0 : i32
      %dma_wait3A_151 = tpu.memref_slice %arg10[%dma_wait3A_149, %dma_wait3A_150] : memref<10240x64xf32, #tpu.memory_space<vmem_shared>> -> memref<10240x64xf32, #tpu.memory_space<vmem_shared>>
      tpu.wait_indirect_dma semaphore(%arg13 : memref<!tpu.dma_semaphore, #tpu.memory_space<semaphore_mem>>) src(%dma_wait3A_151 : memref<10240x64xf32, #tpu.memory_space<vmem_shared>>) dst(%dma_wait3A_145 : memref<128x64xf32, #tpu.memory_space<vmem>>)
      %dma_start3A_152 = arith.constant 1 : i32
      %dma_start3A_153 = arith.constant 0 : i32
      %dma_start3A_154 = arith.constant 0 : i32
      %dma_start3A_155 = tpu.memref_slice %arg9[%dma_start3A_152, %dma_start3A_153, %dma_start3A_154] : memref<4x128x64xf32, #tpu.memory_space<vmem>> -> memref<1x128x64xf32, #tpu.memory_space<vmem>>
      %dma_start3A_156 = tpu.memref_squeeze %dma_start3A_155 : memref<1x128x64xf32, #tpu.memory_space<vmem>> -> memref<128x64xf32, #tpu.memory_space<vmem>>
      %dma_start3A_157 = arith.constant 0 : i32
      %dma_start3A_158 = tpu.memref_slice %arg8[%add3A_140, %dma_start3A_157] : memref<40x128xi32, #tpu.memory_space<vmem>> -> memref<1x128xi32, #tpu.memory_space<vmem>>
      %dma_start3A_159 = tpu.memref_squeeze %dma_start3A_158 : memref<1x128xi32, #tpu.memory_space<vmem>> -> memref<128xi32, #tpu.memory_space<vmem>>
      %dma_start3A_160 = arith.constant 0 : i32
      %dma_start3A_161 = arith.constant 0 : i32
      %dma_start3A_162 = tpu.memref_slice %arg11[%dma_start3A_160, %dma_start3A_161] : memref<10240x64xf32, #tpu.memory_space<vmem_shared>> -> memref<10240x64xf32, #tpu.memory_space<vmem_shared>>
      tpu.enqueue_indirect_dma source(%dma_start3A_156 : memref<128x64xf32, #tpu.memory_space<vmem>>) target(%dma_start3A_162 : memref<10240x64xf32, #tpu.memory_space<vmem_shared>>) offsets(%dma_start3A_159 : memref<128xi32, #tpu.memory_space<vmem>>) semaphore(%arg17 : memref<!tpu.dma_semaphore, #tpu.memory_space<semaphore_mem>>) {add = true}
      %ge3A_163 = arith.constant 1 : i32
      %ge3A_164 = arith.cmpi sge, %add3A_140, %ge3A_163 : i32
      %add3A_165 = arith.constant 4 : i32
      %add3A_166 = arith.addi %add3A_140, %add3A_165 : i32
      %sub3A_167 = arith.constant 1 : i32
      %sub3A_168 = arith.subi %add3A_166, %sub3A_167 : i32
      %lt3A_169 = arith.constant 40 : i32
      %lt3A_170 = arith.cmpi slt, %sub3A_168, %lt3A_169 : i32
      %and3A_171 = arith.andi %ge3A_164, %lt3A_170 : i1
      %convert_element_type3A_172 = arith.extui %and3A_171 : i1 to i32
      %cond3A_173 = arith.constant 0 : i32
      %cond3A_174 = arith.cmpi ne, %convert_element_type3A_172, %cond3A_173 : i32
      scf.if %cond3A_174 {
        %sub3A_247 = arith.constant 1 : i32
        %sub3A_248 = arith.subi %add3A_140, %sub3A_247 : i32
        %dma_wait3A_249 = arith.constant 0 : i32
        %dma_wait3A_250 = arith.constant 0 : i32
        %dma_wait3A_251 = arith.constant 0 : i32
        %dma_wait3A_252 = tpu.memref_slice %arg9[%dma_wait3A_249, %dma_wait3A_250, %dma_wait3A_251] : memref<4x128x64xf32, #tpu.memory_space<vmem>> -> memref<1x128x64xf32, #tpu.memory_space<vmem>>
        %dma_wait3A_253 = tpu.memref_squeeze %dma_wait3A_252 : memref<1x128x64xf32, #tpu.memory_space<vmem>> -> memref<128x64xf32, #tpu.memory_space<vmem>>
        %dma_wait3A_254 = arith.constant 0 : i32
        %dma_wait3A_255 = tpu.memref_slice %arg8[%sub3A_248, %dma_wait3A_254] : memref<40x128xi32, #tpu.memory_space<vmem>> -> memref<1x128xi32, #tpu.memory_space<vmem>>
        %dma_wait3A_256 = tpu.memref_squeeze %dma_wait3A_255 : memref<1x128xi32, #tpu.memory_space<vmem>> -> memref<128xi32, #tpu.memory_space<vmem>>
        %dma_wait3A_257 = arith.constant 0 : i32
        %dma_wait3A_258 = arith.constant 0 : i32
        %dma_wait3A_259 = tpu.memref_slice %arg11[%dma_wait3A_257, %dma_wait3A_258] : memref<10240x64xf32, #tpu.memory_space<vmem_shared>> -> memref<10240x64xf32, #tpu.memory_space<vmem_shared>>
        tpu.wait_indirect_dma semaphore(%arg16 : memref<!tpu.dma_semaphore, #tpu.memory_space<semaphore_mem>>) src(%dma_wait3A_253 : memref<128x64xf32, #tpu.memory_space<vmem>>) dst(%dma_wait3A_259 : memref<10240x64xf32, #tpu.memory_space<vmem_shared>>)
        %add3A_260 = arith.constant 4 : i32
        %add3A_261 = arith.addi %add3A_140, %add3A_260 : i32
        %sub3A_262 = arith.constant 1 : i32
        %sub3A_263 = arith.subi %add3A_261, %sub3A_262 : i32
        %dma_start3A_264 = arith.constant 0 : i32
        %dma_start3A_265 = arith.constant 0 : i32
        %dma_start3A_266 = arith.constant 0 : i32
        %dma_start3A_267 = tpu.memref_slice %arg9[%dma_start3A_264, %dma_start3A_265, %dma_start3A_266] : memref<4x128x64xf32, #tpu.memory_space<vmem>> -> memref<1x128x64xf32, #tpu.memory_space<vmem>>
        %dma_start3A_268 = tpu.memref_squeeze %dma_start3A_267 : memref<1x128x64xf32, #tpu.memory_space<vmem>> -> memref<128x64xf32, #tpu.memory_space<vmem>>
        %dma_start3A_269 = arith.constant 0 : i32
        %dma_start3A_270 = tpu.memref_slice %arg7[%sub3A_263, %dma_start3A_269] : memref<40x128xi32, #tpu.memory_space<vmem>> -> memref<1x128xi32, #tpu.memory_space<vmem>>
        %dma_start3A_271 = tpu.memref_squeeze %dma_start3A_270 : memref<1x128xi32, #tpu.memory_space<vmem>> -> memref<128xi32, #tpu.memory_space<vmem>>
        %dma_start3A_272 = arith.constant 0 : i32
        %dma_start3A_273 = arith.constant 0 : i32
        %dma_start3A_274 = tpu.memref_slice %arg10[%dma_start3A_272, %dma_start3A_273] : memref<10240x64xf32, #tpu.memory_space<vmem_shared>> -> memref<10240x64xf32, #tpu.memory_space<vmem_shared>>
        tpu.enqueue_indirect_dma source(%dma_start3A_274 : memref<10240x64xf32, #tpu.memory_space<vmem_shared>>) target(%dma_start3A_268 : memref<128x64xf32, #tpu.memory_space<vmem>>) offsets(%dma_start3A_271 : memref<128xi32, #tpu.memory_space<vmem>>) semaphore(%arg12 : memref<!tpu.dma_semaphore, #tpu.memory_space<semaphore_mem>>)
      } else {
      }
      %add3A_175 = arith.constant 2 : i32
      %add3A_176 = arith.addi %mul3A_108, %add3A_175 : i32
      %dma_wait3A_177 = arith.constant 2 : i32
      %dma_wait3A_178 = arith.constant 0 : i32
      %dma_wait3A_179 = arith.constant 0 : i32
      %dma_wait3A_180 = tpu.memref_slice %arg9[%dma_wait3A_177, %dma_wait3A_178, %dma_wait3A_179] : memref<4x128x64xf32, #tpu.memory_space<vmem>> -> memref<1x128x64xf32, #tpu.memory_space<vmem>>
      %dma_wait3A_181 = tpu.memref_squeeze %dma_wait3A_180 : memref<1x128x64xf32, #tpu.memory_space<vmem>> -> memref<128x64xf32, #tpu.memory_space<vmem>>
      %dma_wait3A_182 = arith.constant 0 : i32
      %dma_wait3A_183 = tpu.memref_slice %arg7[%add3A_176, %dma_wait3A_182] : memref<40x128xi32, #tpu.memory_space<vmem>> -> memref<1x128xi32, #tpu.memory_space<vmem>>
      %dma_wait3A_184 = tpu.memref_squeeze %dma_wait3A_183 : memref<1x128xi32, #tpu.memory_space<vmem>> -> memref<128xi32, #tpu.memory_space<vmem>>
      %dma_wait3A_185 = arith.constant 0 : i32
      %dma_wait3A_186 = arith.constant 0 : i32
      %dma_wait3A_187 = tpu.memref_slice %arg10[%dma_wait3A_185, %dma_wait3A_186] : memref<10240x64xf32, #tpu.memory_space<vmem_shared>> -> memref<10240x64xf32, #tpu.memory_space<vmem_shared>>
      tpu.wait_indirect_dma semaphore(%arg14 : memref<!tpu.dma_semaphore, #tpu.memory_space<semaphore_mem>>) src(%dma_wait3A_187 : memref<10240x64xf32, #tpu.memory_space<vmem_shared>>) dst(%dma_wait3A_181 : memref<128x64xf32, #tpu.memory_space<vmem>>)
      %dma_start3A_188 = arith.constant 2 : i32
      %dma_start3A_189 = arith.constant 0 : i32
      %dma_start3A_190 = arith.constant 0 : i32
      %dma_start3A_191 = tpu.memref_slice %arg9[%dma_start3A_188, %dma_start3A_189, %dma_start3A_190] : memref<4x128x64xf32, #tpu.memory_space<vmem>> -> memref<1x128x64xf32, #tpu.memory_space<vmem>>
      %dma_start3A_192 = tpu.memref_squeeze %dma_start3A_191 : memref<1x128x64xf32, #tpu.memory_space<vmem>> -> memref<128x64xf32, #tpu.memory_space<vmem>>
      %dma_start3A_193 = arith.constant 0 : i32
      %dma_start3A_194 = tpu.memref_slice %arg8[%add3A_176, %dma_start3A_193] : memref<40x128xi32, #tpu.memory_space<vmem>> -> memref<1x128xi32, #tpu.memory_space<vmem>>
      %dma_start3A_195 = tpu.memref_squeeze %dma_start3A_194 : memref<1x128xi32, #tpu.memory_space<vmem>> -> memref<128xi32, #tpu.memory_space<vmem>>
      %dma_start3A_196 = arith.constant 0 : i32
      %dma_start3A_197 = arith.constant 0 : i32
      %dma_start3A_198 = tpu.memref_slice %arg11[%dma_start3A_196, %dma_start3A_197] : memref<10240x64xf32, #tpu.memory_space<vmem_shared>> -> memref<10240x64xf32, #tpu.memory_space<vmem_shared>>
      tpu.enqueue_indirect_dma source(%dma_start3A_192 : memref<128x64xf32, #tpu.memory_space<vmem>>) target(%dma_start3A_198 : memref<10240x64xf32, #tpu.memory_space<vmem_shared>>) offsets(%dma_start3A_195 : memref<128xi32, #tpu.memory_space<vmem>>) semaphore(%arg18 : memref<!tpu.dma_semaphore, #tpu.memory_space<semaphore_mem>>) {add = true}
      %ge3A_199 = arith.constant 1 : i32
      %ge3A_200 = arith.cmpi sge, %add3A_176, %ge3A_199 : i32
      %add3A_201 = arith.constant 4 : i32
      %add3A_202 = arith.addi %add3A_176, %add3A_201 : i32
      %sub3A_203 = arith.constant 1 : i32
      %sub3A_204 = arith.subi %add3A_202, %sub3A_203 : i32
      %lt3A_205 = arith.constant 40 : i32
      %lt3A_206 = arith.cmpi slt, %sub3A_204, %lt3A_205 : i32
      %and3A_207 = arith.andi %ge3A_200, %lt3A_206 : i1
      %convert_element_type3A_208 = arith.extui %and3A_207 : i1 to i32
      %cond3A_209 = arith.constant 0 : i32
      %cond3A_210 = arith.cmpi ne, %convert_element_type3A_208, %cond3A_209 : i32
      scf.if %cond3A_210 {
        %sub3A_247 = arith.constant 1 : i32
        %sub3A_248 = arith.subi %add3A_176, %sub3A_247 : i32
        %dma_wait3A_249 = arith.constant 1 : i32
        %dma_wait3A_250 = arith.constant 0 : i32
        %dma_wait3A_251 = arith.constant 0 : i32
        %dma_wait3A_252 = tpu.memref_slice %arg9[%dma_wait3A_249, %dma_wait3A_250, %dma_wait3A_251] : memref<4x128x64xf32, #tpu.memory_space<vmem>> -> memref<1x128x64xf32, #tpu.memory_space<vmem>>
        %dma_wait3A_253 = tpu.memref_squeeze %dma_wait3A_252 : memref<1x128x64xf32, #tpu.memory_space<vmem>> -> memref<128x64xf32, #tpu.memory_space<vmem>>
        %dma_wait3A_254 = arith.constant 0 : i32
        %dma_wait3A_255 = tpu.memref_slice %arg8[%sub3A_248, %dma_wait3A_254] : memref<40x128xi32, #tpu.memory_space<vmem>> -> memref<1x128xi32, #tpu.memory_space<vmem>>
        %dma_wait3A_256 = tpu.memref_squeeze %dma_wait3A_255 : memref<1x128xi32, #tpu.memory_space<vmem>> -> memref<128xi32, #tpu.memory_space<vmem>>
        %dma_wait3A_257 = arith.constant 0 : i32
        %dma_wait3A_258 = arith.constant 0 : i32
        %dma_wait3A_259 = tpu.memref_slice %arg11[%dma_wait3A_257, %dma_wait3A_258] : memref<10240x64xf32, #tpu.memory_space<vmem_shared>> -> memref<10240x64xf32, #tpu.memory_space<vmem_shared>>
        tpu.wait_indirect_dma semaphore(%arg17 : memref<!tpu.dma_semaphore, #tpu.memory_space<semaphore_mem>>) src(%dma_wait3A_253 : memref<128x64xf32, #tpu.memory_space<vmem>>) dst(%dma_wait3A_259 : memref<10240x64xf32, #tpu.memory_space<vmem_shared>>)
        %add3A_260 = arith.constant 4 : i32
        %add3A_261 = arith.addi %add3A_176, %add3A_260 : i32
        %sub3A_262 = arith.constant 1 : i32
        %sub3A_263 = arith.subi %add3A_261, %sub3A_262 : i32
        %dma_start3A_264 = arith.constant 1 : i32
        %dma_start3A_265 = arith.constant 0 : i32
        %dma_start3A_266 = arith.constant 0 : i32
        %dma_start3A_267 = tpu.memref_slice %arg9[%dma_start3A_264, %dma_start3A_265, %dma_start3A_266] : memref<4x128x64xf32, #tpu.memory_space<vmem>> -> memref<1x128x64xf32, #tpu.memory_space<vmem>>
        %dma_start3A_268 = tpu.memref_squeeze %dma_start3A_267 : memref<1x128x64xf32, #tpu.memory_space<vmem>> -> memref<128x64xf32, #tpu.memory_space<vmem>>
        %dma_start3A_269 = arith.constant 0 : i32
        %dma_start3A_270 = tpu.memref_slice %arg7[%sub3A_263, %dma_start3A_269] : memref<40x128xi32, #tpu.memory_space<vmem>> -> memref<1x128xi32, #tpu.memory_space<vmem>>
        %dma_start3A_271 = tpu.memref_squeeze %dma_start3A_270 : memref<1x128xi32, #tpu.memory_space<vmem>> -> memref<128xi32, #tpu.memory_space<vmem>>
        %dma_start3A_272 = arith.constant 0 : i32
        %dma_start3A_273 = arith.constant 0 : i32
        %dma_start3A_274 = tpu.memref_slice %arg10[%dma_start3A_272, %dma_start3A_273] : memref<10240x64xf32, #tpu.memory_space<vmem_shared>> -> memref<10240x64xf32, #tpu.memory_space<vmem_shared>>
        tpu.enqueue_indirect_dma source(%dma_start3A_274 : memref<10240x64xf32, #tpu.memory_space<vmem_shared>>) target(%dma_start3A_268 : memref<128x64xf32, #tpu.memory_space<vmem>>) offsets(%dma_start3A_271 : memref<128xi32, #tpu.memory_space<vmem>>) semaphore(%arg13 : memref<!tpu.dma_semaphore, #tpu.memory_space<semaphore_mem>>)
      } else {
      }
      %add3A_211 = arith.constant 3 : i32
      %add3A_212 = arith.addi %mul3A_108, %add3A_211 : i32
      %dma_wait3A_213 = arith.constant 3 : i32
      %dma_wait3A_214 = arith.constant 0 : i32
      %dma_wait3A_215 = arith.constant 0 : i32
      %dma_wait3A_216 = tpu.memref_slice %arg9[%dma_wait3A_213, %dma_wait3A_214, %dma_wait3A_215] : memref<4x128x64xf32, #tpu.memory_space<vmem>> -> memref<1x128x64xf32, #tpu.memory_space<vmem>>
      %dma_wait3A_217 = tpu.memref_squeeze %dma_wait3A_216 : memref<1x128x64xf32, #tpu.memory_space<vmem>> -> memref<128x64xf32, #tpu.memory_space<vmem>>
      %dma_wait3A_218 = arith.constant 0 : i32
      %dma_wait3A_219 = tpu.memref_slice %arg7[%add3A_212, %dma_wait3A_218] : memref<40x128xi32, #tpu.memory_space<vmem>> -> memref<1x128xi32, #tpu.memory_space<vmem>>
      %dma_wait3A_220 = tpu.memref_squeeze %dma_wait3A_219 : memref<1x128xi32, #tpu.memory_space<vmem>> -> memref<128xi32, #tpu.memory_space<vmem>>
      %dma_wait3A_221 = arith.constant 0 : i32
      %dma_wait3A_222 = arith.constant 0 : i32
      %dma_wait3A_223 = tpu.memref_slice %arg10[%dma_wait3A_221, %dma_wait3A_222] : memref<10240x64xf32, #tpu.memory_space<vmem_shared>> -> memref<10240x64xf32, #tpu.memory_space<vmem_shared>>
      tpu.wait_indirect_dma semaphore(%arg15 : memref<!tpu.dma_semaphore, #tpu.memory_space<semaphore_mem>>) src(%dma_wait3A_223 : memref<10240x64xf32, #tpu.memory_space<vmem_shared>>) dst(%dma_wait3A_217 : memref<128x64xf32, #tpu.memory_space<vmem>>)
      %dma_start3A_224 = arith.constant 3 : i32
      %dma_start3A_225 = arith.constant 0 : i32
      %dma_start3A_226 = arith.constant 0 : i32
      %dma_start3A_227 = tpu.memref_slice %arg9[%dma_start3A_224, %dma_start3A_225, %dma_start3A_226] : memref<4x128x64xf32, #tpu.memory_space<vmem>> -> memref<1x128x64xf32, #tpu.memory_space<vmem>>
      %dma_start3A_228 = tpu.memref_squeeze %dma_start3A_227 : memref<1x128x64xf32, #tpu.memory_space<vmem>> -> memref<128x64xf32, #tpu.memory_space<vmem>>
      %dma_start3A_229 = arith.constant 0 : i32
      %dma_start3A_230 = tpu.memref_slice %arg8[%add3A_212, %dma_start3A_229] : memref<40x128xi32, #tpu.memory_space<vmem>> -> memref<1x128xi32, #tpu.memory_space<vmem>>
      %dma_start3A_231 = tpu.memref_squeeze %dma_start3A_230 : memref<1x128xi32, #tpu.memory_space<vmem>> -> memref<128xi32, #tpu.memory_space<vmem>>
      %dma_start3A_232 = arith.constant 0 : i32
      %dma_start3A_233 = arith.constant 0 : i32
      %dma_start3A_234 = tpu.memref_slice %arg11[%dma_start3A_232, %dma_start3A_233] : memref<10240x64xf32, #tpu.memory_space<vmem_shared>> -> memref<10240x64xf32, #tpu.memory_space<vmem_shared>>
      tpu.enqueue_indirect_dma source(%dma_start3A_228 : memref<128x64xf32, #tpu.memory_space<vmem>>) target(%dma_start3A_234 : memref<10240x64xf32, #tpu.memory_space<vmem_shared>>) offsets(%dma_start3A_231 : memref<128xi32, #tpu.memory_space<vmem>>) semaphore(%arg19 : memref<!tpu.dma_semaphore, #tpu.memory_space<semaphore_mem>>) {add = true}
      %ge3A_235 = arith.constant 1 : i32
      %ge3A_236 = arith.cmpi sge, %add3A_212, %ge3A_235 : i32
      %add3A_237 = arith.constant 4 : i32
      %add3A_238 = arith.addi %add3A_212, %add3A_237 : i32
      %sub3A_239 = arith.constant 1 : i32
      %sub3A_240 = arith.subi %add3A_238, %sub3A_239 : i32
      %lt3A_241 = arith.constant 40 : i32
      %lt3A_242 = arith.cmpi slt, %sub3A_240, %lt3A_241 : i32
      %and3A_243 = arith.andi %ge3A_236, %lt3A_242 : i1
      %convert_element_type3A_244 = arith.extui %and3A_243 : i1 to i32
      %cond3A_245 = arith.constant 0 : i32
      %cond3A_246 = arith.cmpi ne, %convert_element_type3A_244, %cond3A_245 : i32
      scf.if %cond3A_246 {
        %sub3A_247 = arith.constant 1 : i32
        %sub3A_248 = arith.subi %add3A_212, %sub3A_247 : i32
        %dma_wait3A_249 = arith.constant 2 : i32
        %dma_wait3A_250 = arith.constant 0 : i32
        %dma_wait3A_251 = arith.constant 0 : i32
        %dma_wait3A_252 = tpu.memref_slice %arg9[%dma_wait3A_249, %dma_wait3A_250, %dma_wait3A_251] : memref<4x128x64xf32, #tpu.memory_space<vmem>> -> memref<1x128x64xf32, #tpu.memory_space<vmem>>
        %dma_wait3A_253 = tpu.memref_squeeze %dma_wait3A_252 : memref<1x128x64xf32, #tpu.memory_space<vmem>> -> memref<128x64xf32, #tpu.memory_space<vmem>>
        %dma_wait3A_254 = arith.constant 0 : i32
        %dma_wait3A_255 = tpu.memref_slice %arg8[%sub3A_248, %dma_wait3A_254] : memref<40x128xi32, #tpu.memory_space<vmem>> -> memref<1x128xi32, #tpu.memory_space<vmem>>
        %dma_wait3A_256 = tpu.memref_squeeze %dma_wait3A_255 : memref<1x128xi32, #tpu.memory_space<vmem>> -> memref<128xi32, #tpu.memory_space<vmem>>
        %dma_wait3A_257 = arith.constant 0 : i32
        %dma_wait3A_258 = arith.constant 0 : i32
        %dma_wait3A_259 = tpu.memref_slice %arg11[%dma_wait3A_257, %dma_wait3A_258] : memref<10240x64xf32, #tpu.memory_space<vmem_shared>> -> memref<10240x64xf32, #tpu.memory_space<vmem_shared>>
        tpu.wait_indirect_dma semaphore(%arg18 : memref<!tpu.dma_semaphore, #tpu.memory_space<semaphore_mem>>) src(%dma_wait3A_253 : memref<128x64xf32, #tpu.memory_space<vmem>>) dst(%dma_wait3A_259 : memref<10240x64xf32, #tpu.memory_space<vmem_shared>>)
        %add3A_260 = arith.constant 4 : i32
        %add3A_261 = arith.addi %add3A_212, %add3A_260 : i32
        %sub3A_262 = arith.constant 1 : i32
        %sub3A_263 = arith.subi %add3A_261, %sub3A_262 : i32
        %dma_start3A_264 = arith.constant 2 : i32
        %dma_start3A_265 = arith.constant 0 : i32
        %dma_start3A_266 = arith.constant 0 : i32
        %dma_start3A_267 = tpu.memref_slice %arg9[%dma_start3A_264, %dma_start3A_265, %dma_start3A_266] : memref<4x128x64xf32, #tpu.memory_space<vmem>> -> memref<1x128x64xf32, #tpu.memory_space<vmem>>
        %dma_start3A_268 = tpu.memref_squeeze %dma_start3A_267 : memref<1x128x64xf32, #tpu.memory_space<vmem>> -> memref<128x64xf32, #tpu.memory_space<vmem>>
        %dma_start3A_269 = arith.constant 0 : i32
        %dma_start3A_270 = tpu.memref_slice %arg7[%sub3A_263, %dma_start3A_269] : memref<40x128xi32, #tpu.memory_space<vmem>> -> memref<1x128xi32, #tpu.memory_space<vmem>>
        %dma_start3A_271 = tpu.memref_squeeze %dma_start3A_270 : memref<1x128xi32, #tpu.memory_space<vmem>> -> memref<128xi32, #tpu.memory_space<vmem>>
        %dma_start3A_272 = arith.constant 0 : i32
        %dma_start3A_273 = arith.constant 0 : i32
        %dma_start3A_274 = tpu.memref_slice %arg10[%dma_start3A_272, %dma_start3A_273] : memref<10240x64xf32, #tpu.memory_space<vmem_shared>> -> memref<10240x64xf32, #tpu.memory_space<vmem_shared>>
        tpu.enqueue_indirect_dma source(%dma_start3A_274 : memref<10240x64xf32, #tpu.memory_space<vmem_shared>>) target(%dma_start3A_268 : memref<128x64xf32, #tpu.memory_space<vmem>>) offsets(%dma_start3A_271 : memref<128xi32, #tpu.memory_space<vmem>>) semaphore(%arg14 : memref<!tpu.dma_semaphore, #tpu.memory_space<semaphore_mem>>)
      } else {
      }
    }
    %scan3A_53 = arith.constant 10 : i32
    %dma_wait3A = arith.constant 0 : i32
    %dma_wait3A_54 = arith.constant 36 : i32
    %dma_wait3A_55 = arith.constant 0 : i32
    %dma_wait3A_56 = arith.constant 0 : i32
    %dma_wait3A_57 = tpu.memref_slice %arg9[%dma_wait3A, %dma_wait3A_55, %dma_wait3A_56] : memref<4x128x64xf32, #tpu.memory_space<vmem>> -> memref<1x128x64xf32, #tpu.memory_space<vmem>>
    %dma_wait3A_58 = tpu.memref_squeeze %dma_wait3A_57 : memref<1x128x64xf32, #tpu.memory_space<vmem>> -> memref<128x64xf32, #tpu.memory_space<vmem>>
    %dma_wait3A_59 = arith.constant 0 : i32
    %dma_wait3A_60 = tpu.memref_slice %arg8[%dma_wait3A_54, %dma_wait3A_59] : memref<40x128xi32, #tpu.memory_space<vmem>> -> memref<1x128xi32, #tpu.memory_space<vmem>>
    %dma_wait3A_61 = tpu.memref_squeeze %dma_wait3A_60 : memref<1x128xi32, #tpu.memory_space<vmem>> -> memref<128xi32, #tpu.memory_space<vmem>>
    %dma_wait3A_62 = arith.constant 0 : i32
    %dma_wait3A_63 = arith.constant 0 : i32
    %dma_wait3A_64 = tpu.memref_slice %arg11[%dma_wait3A_62, %dma_wait3A_63] : memref<10240x64xf32, #tpu.memory_space<vmem_shared>> -> memref<10240x64xf32, #tpu.memory_space<vmem_shared>>
    tpu.wait_indirect_dma semaphore(%arg16 : memref<!tpu.dma_semaphore, #tpu.memory_space<semaphore_mem>>) src(%dma_wait3A_58 : memref<128x64xf32, #tpu.memory_space<vmem>>) dst(%dma_wait3A_64 : memref<10240x64xf32, #tpu.memory_space<vmem_shared>>)
    %dma_wait3A_65 = arith.constant 1 : i32
    %dma_wait3A_66 = arith.constant 37 : i32
    %dma_wait3A_67 = arith.constant 0 : i32
    %dma_wait3A_68 = arith.constant 0 : i32
    %dma_wait3A_69 = tpu.memref_slice %arg9[%dma_wait3A_65, %dma_wait3A_67, %dma_wait3A_68] : memref<4x128x64xf32, #tpu.memory_space<vmem>> -> memref<1x128x64xf32, #tpu.memory_space<vmem>>
    %dma_wait3A_70 = tpu.memref_squeeze %dma_wait3A_69 : memref<1x128x64xf32, #tpu.memory_space<vmem>> -> memref<128x64xf32, #tpu.memory_space<vmem>>
    %dma_wait3A_71 = arith.constant 0 : i32
    %dma_wait3A_72 = tpu.memref_slice %arg8[%dma_wait3A_66, %dma_wait3A_71] : memref<40x128xi32, #tpu.memory_space<vmem>> -> memref<1x128xi32, #tpu.memory_space<vmem>>
    %dma_wait3A_73 = tpu.memref_squeeze %dma_wait3A_72 : memref<1x128xi32, #tpu.memory_space<vmem>> -> memref<128xi32, #tpu.memory_space<vmem>>
    %dma_wait3A_74 = arith.constant 0 : i32
    %dma_wait3A_75 = arith.constant 0 : i32
    %dma_wait3A_76 = tpu.memref_slice %arg11[%dma_wait3A_74, %dma_wait3A_75] : memref<10240x64xf32, #tpu.memory_space<vmem_shared>> -> memref<10240x64xf32, #tpu.memory_space<vmem_shared>>
    tpu.wait_indirect_dma semaphore(%arg17 : memref<!tpu.dma_semaphore, #tpu.memory_space<semaphore_mem>>) src(%dma_wait3A_70 : memref<128x64xf32, #tpu.memory_space<vmem>>) dst(%dma_wait3A_76 : memref<10240x64xf32, #tpu.memory_space<vmem_shared>>)
    %dma_wait3A_77 = arith.constant 2 : i32
    %dma_wait3A_78 = arith.constant 38 : i32
    %dma_wait3A_79 = arith.constant 0 : i32
    %dma_wait3A_80 = arith.constant 0 : i32
    %dma_wait3A_81 = tpu.memref_slice %arg9[%dma_wait3A_77, %dma_wait3A_79, %dma_wait3A_80] : memref<4x128x64xf32, #tpu.memory_space<vmem>> -> memref<1x128x64xf32, #tpu.memory_space<vmem>>
    %dma_wait3A_82 = tpu.memref_squeeze %dma_wait3A_81 : memref<1x128x64xf32, #tpu.memory_space<vmem>> -> memref<128x64xf32, #tpu.memory_space<vmem>>
    %dma_wait3A_83 = arith.constant 0 : i32
    %dma_wait3A_84 = tpu.memref_slice %arg8[%dma_wait3A_78, %dma_wait3A_83] : memref<40x128xi32, #tpu.memory_space<vmem>> -> memref<1x128xi32, #tpu.memory_space<vmem>>
    %dma_wait3A_85 = tpu.memref_squeeze %dma_wait3A_84 : memref<1x128xi32, #tpu.memory_space<vmem>> -> memref<128xi32, #tpu.memory_space<vmem>>
    %dma_wait3A_86 = arith.constant 0 : i32
    %dma_wait3A_87 = arith.constant 0 : i32
    %dma_wait3A_88 = tpu.memref_slice %arg11[%dma_wait3A_86, %dma_wait3A_87] : memref<10240x64xf32, #tpu.memory_space<vmem_shared>> -> memref<10240x64xf32, #tpu.memory_space<vmem_shared>>
    tpu.wait_indirect_dma semaphore(%arg18 : memref<!tpu.dma_semaphore, #tpu.memory_space<semaphore_mem>>) src(%dma_wait3A_82 : memref<128x64xf32, #tpu.memory_space<vmem>>) dst(%dma_wait3A_88 : memref<10240x64xf32, #tpu.memory_space<vmem_shared>>)
    %dma_wait3A_89 = arith.constant 3 : i32
    %dma_wait3A_90 = arith.constant 39 : i32
    %dma_wait3A_91 = arith.constant 0 : i32
    %dma_wait3A_92 = arith.constant 0 : i32
    %dma_wait3A_93 = tpu.memref_slice %arg9[%dma_wait3A_89, %dma_wait3A_91, %dma_wait3A_92] : memref<4x128x64xf32, #tpu.memory_space<vmem>> -> memref<1x128x64xf32, #tpu.memory_space<vmem>>
    %dma_wait3A_94 = tpu.memref_squeeze %dma_wait3A_93 : memref<1x128x64xf32, #tpu.memory_space<vmem>> -> memref<128x64xf32, #tpu.memory_space<vmem>>
    %dma_wait3A_95 = arith.constant 0 : i32
    %dma_wait3A_96 = tpu.memref_slice %arg8[%dma_wait3A_90, %dma_wait3A_95] : memref<40x128xi32, #tpu.memory_space<vmem>> -> memref<1x128xi32, #tpu.memory_space<vmem>>
    %dma_wait3A_97 = tpu.memref_squeeze %dma_wait3A_96 : memref<1x128xi32, #tpu.memory_space<vmem>> -> memref<128xi32, #tpu.memory_space<vmem>>
    %dma_wait3A_98 = arith.constant 0 : i32
    %dma_wait3A_99 = arith.constant 0 : i32
    %dma_wait3A_100 = tpu.memref_slice %arg11[%dma_wait3A_98, %dma_wait3A_99] : memref<10240x64xf32, #tpu.memory_space<vmem_shared>> -> memref<10240x64xf32, #tpu.memory_space<vmem_shared>>
    tpu.wait_indirect_dma semaphore(%arg19 : memref<!tpu.dma_semaphore, #tpu.memory_space<semaphore_mem>>) src(%dma_wait3A_94 : memref<128x64xf32, #tpu.memory_space<vmem>>) dst(%dma_wait3A_100 : memref<10240x64xf32, #tpu.memory_space<vmem_shared>>)
    %barrier3A_101 = arith.constant 0 : index
    tpu.barrier barrier_id(%barrier3A_101)
    "tpu.region"() ({
      %run_scoped3A = tpu.sem_alloc : memref<!tpu.dma_semaphore, #tpu.memory_space<semaphore_mem>>
      %dma_start3A_102 = arith.constant 0 : i32
      %dma_start3A_103 = tpu.memref_slice %arg6[%arg0, %mul3A_2, %dma_start3A_102] : memref<2x10240x128xf32, #tpu.memory_space<hbm>> -> memref<1x640x64xf32, #tpu.memory_space<hbm>>
      %dma_start3A_104 = tpu.memref_squeeze %dma_start3A_103 : memref<1x640x64xf32, #tpu.memory_space<hbm>> -> memref<640x64xf32, #tpu.memory_space<hbm>>
      %dma_start3A_105 = arith.constant 0 : i32
      %dma_start3A_106 = tpu.memref_slice %arg11[%mul3A_2, %dma_start3A_105] : memref<10240x64xf32, #tpu.memory_space<vmem_shared>> -> memref<640x64xf32, #tpu.memory_space<vmem_shared>>
      tpu.enqueue_dma source(%dma_start3A_106 : memref<640x64xf32, #tpu.memory_space<vmem_shared>>) target(%dma_start3A_104 : memref<640x64xf32, #tpu.memory_space<hbm>>) target_semaphore(%run_scoped3A : memref<!tpu.dma_semaphore, #tpu.memory_space<semaphore_mem>>)
      %dma_wait3A_107 = arith.constant 0 : i32
      %dma_wait3A_108 = tpu.memref_slice %arg6[%arg0, %mul3A_2, %dma_wait3A_107] : memref<2x10240x128xf32, #tpu.memory_space<hbm>> -> memref<1x640x64xf32, #tpu.memory_space<hbm>>
      %dma_wait3A_109 = tpu.memref_squeeze %dma_wait3A_108 : memref<1x640x64xf32, #tpu.memory_space<hbm>> -> memref<640x64xf32, #tpu.memory_space<hbm>>
      %dma_wait3A_110 = arith.constant 0 : i32
      %dma_wait3A_111 = tpu.memref_slice %arg11[%mul3A_2, %dma_wait3A_110] : memref<10240x64xf32, #tpu.memory_space<vmem_shared>> -> memref<640x64xf32, #tpu.memory_space<vmem_shared>>
      tpu.wait_dma2 semaphore(%run_scoped3A : memref<!tpu.dma_semaphore, #tpu.memory_space<semaphore_mem>>) src(%dma_wait3A_111 : memref<640x64xf32, #tpu.memory_space<vmem_shared>>) dst(%dma_wait3A_109 : memref<640x64xf32, #tpu.memory_space<hbm>>)
      tpu.yield
    }) : () -> ()
    return
  }
}

#map = affine_map<(d0, d1) -> (0, 0, 0)>
#map1 = affine_map<(d0, d1) -> (0, 0)>
module attributes {stable_mosaic.version = 14 : i64} {
  func.func @deg_kernel(%arg0: i32, %arg1: i32, %arg2: memref<32x40x128xi32, #tpu.memory_space<hbm>>, %arg3: memref<128x16xf32, #tpu.memory_space<hbm>>, %arg4: memref<640x16xf32, #tpu.memory_space<hbm>>, %arg5: memref<2x10240x16xf32, #tpu.memory_space<hbm>>, %arg6: memref<40x128xi32, #tpu.memory_space<vmem>>, %arg7: memref<128x16xf32, #tpu.memory_space<vmem>>, %arg8: memref<10240x16xf32, #tpu.memory_space<vmem_shared>>, %arg9: memref<!tpu.dma_semaphore, #tpu.memory_space<semaphore_mem>>) attributes {dimension_semantics = [#tpu.dimension_semantics<core_parallel>, #tpu.dimension_semantics<subcore_parallel>], iteration_bounds = array<i64: 2, 16>, scalar_prefetch = 0 : i64, scratch_operands = 4 : i64, tpu.core_type = #tpu.core_type<sc_vector_subcore>, window_params = [{transform_indices = #map}, {transform_indices = #map1}, {transform_indices = #map1}, {transform_indices = #map}]} {
    %mul3A = arith.constant 16 : i32
    %mul3A_0 = arith.muli %arg0, %mul3A : i32
    %add3A = arith.addi %mul3A_0, %arg1 : i32
    %mul3A_1 = arith.constant 640 : i32
    %mul3A_2 = arith.muli %arg1, %mul3A_1 : i32
    "tpu.region"() ({
      %run_scoped3A = tpu.sem_alloc : memref<!tpu.dma_semaphore, #tpu.memory_space<semaphore_mem>>
      %dma_start3A = arith.constant 0 : i32
      %dma_start3A_13 = tpu.memref_slice %arg8[%mul3A_2, %dma_start3A] : memref<10240x16xf32, #tpu.memory_space<vmem_shared>> -> memref<640x16xf32, #tpu.memory_space<vmem_shared>>
      tpu.enqueue_dma source(%arg4 : memref<640x16xf32, #tpu.memory_space<hbm>>) target(%dma_start3A_13 : memref<640x16xf32, #tpu.memory_space<vmem_shared>>) target_semaphore(%run_scoped3A : memref<!tpu.dma_semaphore, #tpu.memory_space<semaphore_mem>>)
      %dma_wait3A = arith.constant 0 : i32
      %dma_wait3A_14 = tpu.memref_slice %arg8[%mul3A_2, %dma_wait3A] : memref<10240x16xf32, #tpu.memory_space<vmem_shared>> -> memref<640x16xf32, #tpu.memory_space<vmem_shared>>
      tpu.wait_dma2 semaphore(%run_scoped3A : memref<!tpu.dma_semaphore, #tpu.memory_space<semaphore_mem>>) src(%arg4 : memref<640x16xf32, #tpu.memory_space<hbm>>) dst(%dma_wait3A_14 : memref<640x16xf32, #tpu.memory_space<vmem_shared>>)
      tpu.yield
    }) : () -> ()
    "tpu.region"() ({
      %run_scoped3A = tpu.sem_alloc : memref<!tpu.dma_semaphore, #tpu.memory_space<semaphore_mem>>
      tpu.enqueue_dma source(%arg3 : memref<128x16xf32, #tpu.memory_space<hbm>>) target(%arg7 : memref<128x16xf32, #tpu.memory_space<vmem>>) target_semaphore(%run_scoped3A : memref<!tpu.dma_semaphore, #tpu.memory_space<semaphore_mem>>)
      tpu.wait_dma2 semaphore(%run_scoped3A : memref<!tpu.dma_semaphore, #tpu.memory_space<semaphore_mem>>) src(%arg3 : memref<128x16xf32, #tpu.memory_space<hbm>>) dst(%arg7 : memref<128x16xf32, #tpu.memory_space<vmem>>)
      tpu.yield
    }) : () -> ()
    "tpu.region"() ({
      %run_scoped3A = tpu.sem_alloc : memref<!tpu.dma_semaphore, #tpu.memory_space<semaphore_mem>>
      %dma_start3A = arith.constant 0 : i32
      %dma_start3A_13 = arith.constant 0 : i32
      %dma_start3A_14 = tpu.memref_slice %arg2[%add3A, %dma_start3A, %dma_start3A_13] : memref<32x40x128xi32, #tpu.memory_space<hbm>> -> memref<1x40x128xi32, #tpu.memory_space<hbm>>
      %dma_start3A_15 = tpu.memref_squeeze %dma_start3A_14 : memref<1x40x128xi32, #tpu.memory_space<hbm>> -> memref<40x128xi32, #tpu.memory_space<hbm>>
      %dma_start3A_16 = arith.constant 0 : i32
      %dma_start3A_17 = arith.constant 0 : i32
      %dma_start3A_18 = tpu.memref_slice %arg2[%add3A, %dma_start3A_16, %dma_start3A_17] : memref<32x40x128xi32, #tpu.memory_space<hbm>> -> memref<1x40x128xi32, #tpu.memory_space<hbm>>
      %dma_start3A_19 = tpu.memref_squeeze %dma_start3A_18 : memref<1x40x128xi32, #tpu.memory_space<hbm>> -> memref<40x128xi32, #tpu.memory_space<hbm>>
      tpu.enqueue_dma source(%dma_start3A_19 : memref<40x128xi32, #tpu.memory_space<hbm>>) target(%arg6 : memref<40x128xi32, #tpu.memory_space<vmem>>) target_semaphore(%run_scoped3A : memref<!tpu.dma_semaphore, #tpu.memory_space<semaphore_mem>>)
      %dma_wait3A = arith.constant 0 : i32
      %dma_wait3A_20 = arith.constant 0 : i32
      %dma_wait3A_21 = tpu.memref_slice %arg2[%add3A, %dma_wait3A, %dma_wait3A_20] : memref<32x40x128xi32, #tpu.memory_space<hbm>> -> memref<1x40x128xi32, #tpu.memory_space<hbm>>
      %dma_wait3A_22 = tpu.memref_squeeze %dma_wait3A_21 : memref<1x40x128xi32, #tpu.memory_space<hbm>> -> memref<40x128xi32, #tpu.memory_space<hbm>>
      %dma_wait3A_23 = arith.constant 0 : i32
      %dma_wait3A_24 = arith.constant 0 : i32
      %dma_wait3A_25 = tpu.memref_slice %arg2[%add3A, %dma_wait3A_23, %dma_wait3A_24] : memref<32x40x128xi32, #tpu.memory_space<hbm>> -> memref<1x40x128xi32, #tpu.memory_space<hbm>>
      %dma_wait3A_26 = tpu.memref_squeeze %dma_wait3A_25 : memref<1x40x128xi32, #tpu.memory_space<hbm>> -> memref<40x128xi32, #tpu.memory_space<hbm>>
      tpu.wait_dma2 semaphore(%run_scoped3A : memref<!tpu.dma_semaphore, #tpu.memory_space<semaphore_mem>>) src(%dma_wait3A_26 : memref<40x128xi32, #tpu.memory_space<hbm>>) dst(%arg6 : memref<40x128xi32, #tpu.memory_space<vmem>>)
      tpu.yield
    }) : () -> ()
    %barrier3A = arith.constant 0 : index
    tpu.barrier barrier_id(%barrier3A)
    %scan3A = arith.constant 0 : i32
    %scan3A_3 = arith.constant 40 : i32
    %scan3A_4 = arith.addi %scan3A, %scan3A_3 : i32
    %scan3A_5 = arith.constant 1 : i32
    scf.for %scan3A_13 = %scan3A to %scan3A_4 step %scan3A_5  : i32 {
      %mul3A_14 = arith.constant 1 : i32
      %mul3A_15 = arith.muli %scan3A_13, %mul3A_14 : i32
      %add3A_16 = arith.constant 0 : i32
      %add3A_17 = arith.addi %add3A_16, %mul3A_15 : i32
      %dma_start3A = arith.constant 0 : i32
      %dma_start3A_18 = tpu.memref_slice %arg6[%add3A_17, %dma_start3A] : memref<40x128xi32, #tpu.memory_space<vmem>> -> memref<1x128xi32, #tpu.memory_space<vmem>>
      %dma_start3A_19 = tpu.memref_squeeze %dma_start3A_18 : memref<1x128xi32, #tpu.memory_space<vmem>> -> memref<128xi32, #tpu.memory_space<vmem>>
      %dma_start3A_20 = arith.constant 0 : i32
      %dma_start3A_21 = arith.constant 0 : i32
      %dma_start3A_22 = tpu.memref_slice %arg8[%dma_start3A_20, %dma_start3A_21] : memref<10240x16xf32, #tpu.memory_space<vmem_shared>> -> memref<10240x16xf32, #tpu.memory_space<vmem_shared>>
      tpu.enqueue_indirect_dma source(%arg7 : memref<128x16xf32, #tpu.memory_space<vmem>>) target(%dma_start3A_22 : memref<10240x16xf32, #tpu.memory_space<vmem_shared>>) offsets(%dma_start3A_19 : memref<128xi32, #tpu.memory_space<vmem>>) semaphore(%arg9 : memref<!tpu.dma_semaphore, #tpu.memory_space<semaphore_mem>>) {add = true}
    }
    %scan3A_6 = arith.constant 40 : i32
    %scan3A_7 = arith.constant 0 : i32
    %scan3A_8 = arith.constant 40 : i32
    %scan3A_9 = arith.addi %scan3A_7, %scan3A_8 : i32
    %scan3A_10 = arith.constant 1 : i32
    scf.for %scan3A_13 = %scan3A_7 to %scan3A_9 step %scan3A_10  : i32 {
      %mul3A_14 = arith.constant 1 : i32
      %mul3A_15 = arith.muli %scan3A_13, %mul3A_14 : i32
      %add3A_16 = arith.constant 0 : i32
      %add3A_17 = arith.addi %add3A_16, %mul3A_15 : i32
      %dma_wait3A = arith.constant 0 : i32
      %dma_wait3A_18 = tpu.memref_slice %arg6[%add3A_17, %dma_wait3A] : memref<40x128xi32, #tpu.memory_space<vmem>> -> memref<1x128xi32, #tpu.memory_space<vmem>>
      %dma_wait3A_19 = tpu.memref_squeeze %dma_wait3A_18 : memref<1x128xi32, #tpu.memory_space<vmem>> -> memref<128xi32, #tpu.memory_space<vmem>>
      %dma_wait3A_20 = arith.constant 0 : i32
      %dma_wait3A_21 = arith.constant 0 : i32
      %dma_wait3A_22 = tpu.memref_slice %arg8[%dma_wait3A_20, %dma_wait3A_21] : memref<10240x16xf32, #tpu.memory_space<vmem_shared>> -> memref<10240x16xf32, #tpu.memory_space<vmem_shared>>
      tpu.wait_indirect_dma semaphore(%arg9 : memref<!tpu.dma_semaphore, #tpu.memory_space<semaphore_mem>>) src(%arg7 : memref<128x16xf32, #tpu.memory_space<vmem>>) dst(%dma_wait3A_22 : memref<10240x16xf32, #tpu.memory_space<vmem_shared>>)
    }
    %scan3A_11 = arith.constant 40 : i32
    %barrier3A_12 = arith.constant 0 : index
    tpu.barrier barrier_id(%barrier3A_12)
    "tpu.region"() ({
      %run_scoped3A = tpu.sem_alloc : memref<!tpu.dma_semaphore, #tpu.memory_space<semaphore_mem>>
      %dma_start3A = arith.constant 0 : i32
      %dma_start3A_13 = tpu.memref_slice %arg5[%arg0, %mul3A_2, %dma_start3A] : memref<2x10240x16xf32, #tpu.memory_space<hbm>> -> memref<1x640x16xf32, #tpu.memory_space<hbm>>
      %dma_start3A_14 = tpu.memref_squeeze %dma_start3A_13 : memref<1x640x16xf32, #tpu.memory_space<hbm>> -> memref<640x16xf32, #tpu.memory_space<hbm>>
      %dma_start3A_15 = arith.constant 0 : i32
      %dma_start3A_16 = tpu.memref_slice %arg8[%mul3A_2, %dma_start3A_15] : memref<10240x16xf32, #tpu.memory_space<vmem_shared>> -> memref<640x16xf32, #tpu.memory_space<vmem_shared>>
      tpu.enqueue_dma source(%dma_start3A_16 : memref<640x16xf32, #tpu.memory_space<vmem_shared>>) target(%dma_start3A_14 : memref<640x16xf32, #tpu.memory_space<hbm>>) target_semaphore(%run_scoped3A : memref<!tpu.dma_semaphore, #tpu.memory_space<semaphore_mem>>)
      %dma_wait3A = arith.constant 0 : i32
      %dma_wait3A_17 = tpu.memref_slice %arg5[%arg0, %mul3A_2, %dma_wait3A] : memref<2x10240x16xf32, #tpu.memory_space<hbm>> -> memref<1x640x16xf32, #tpu.memory_space<hbm>>
      %dma_wait3A_18 = tpu.memref_squeeze %dma_wait3A_17 : memref<1x640x16xf32, #tpu.memory_space<hbm>> -> memref<640x16xf32, #tpu.memory_space<hbm>>
      %dma_wait3A_19 = arith.constant 0 : i32
      %dma_wait3A_20 = tpu.memref_slice %arg8[%mul3A_2, %dma_wait3A_19] : memref<10240x16xf32, #tpu.memory_space<vmem_shared>> -> memref<640x16xf32, #tpu.memory_space<vmem_shared>>
      tpu.wait_dma2 semaphore(%run_scoped3A : memref<!tpu.dma_semaphore, #tpu.memory_space<semaphore_mem>>) src(%dma_wait3A_20 : memref<640x16xf32, #tpu.memory_space<vmem_shared>>) dst(%dma_wait3A_18 : memref<640x16xf32, #tpu.memory_space<hbm>>)
      tpu.yield
    }) : () -> ()
    return
  }
}

module attributes {stable_mosaic.version = 14 : i64} {
  func.func @body(%arg0: i32, %arg1: memref<2048x256xf32, #tpu.memory_space<vmem>>, %arg2: memref<256x64xf32, #tpu.memory_space<vmem>>, %arg3: memref<2048x64xf32, #tpu.memory_space<vmem>>) attributes {dimension_semantics = [#tpu.dimension_semantics<arbitrary>], iteration_bounds = array<i64: 5>, scalar_prefetch = 0 : i64, scratch_operands = 0 : i64, tpu.core_type = #tpu.core_type<tc>, window_params = [{transform_indices = @transform_0, window_bounds = array<i64: 2048, 256>}, {pipeline_mode = #tpu.pipeline_mode<synchronous>, transform_indices = @transform_1, window_bounds = array<i64: 256, 64>}, {transform_indices = @transform_2, window_bounds = array<i64: 2048, 64>}]} {
    %get3A = arith.constant 0 : index
    %get3A_0 = arith.constant 0 : index
    %get3A_1 = vector.load %arg1[%get3A, %get3A_0] : memref<2048x256xf32, #tpu.memory_space<vmem>>, vector<2048x256xf32>
    %get3A_2 = arith.constant 0 : index
    %get3A_3 = arith.constant 0 : index
    %get3A_4 = vector.load %arg2[%get3A_2, %get3A_3] : memref<256x64xf32, #tpu.memory_space<vmem>>, vector<256x64xf32>
    %dot_general3A = arith.constant dense<0.000000e+00> : vector<2048x64xf32>
    %dot_general3A_5 = tpu.matmul %get3A_1, %get3A_4, %dot_general3A {dimension_numbers = #tpu.dot_dimension_numbers<[1], [0], [0], [1], [0, 0, 1, 1], [], []>, transpose_lhs_hint = false} : vector<2048x256xf32>, vector<256x64xf32>, vector<2048x64xf32> -> vector<2048x64xf32>
    %swap3A = arith.constant 0 : index
    %swap3A_6 = arith.constant 0 : index
    %swap3A_7 = vector.load %arg3[%swap3A, %swap3A_6] : memref<2048x64xf32, #tpu.memory_space<vmem>>, vector<2048x64xf32>
    tpu.vector_store %arg3[%swap3A, %swap3A_6], %dot_general3A_5 {strides = array<i32>} : memref<2048x64xf32, #tpu.memory_space<vmem>>, vector<2048x64xf32>,
    return
  }
  func.func @transform_0(%arg0: i32) -> (i32, i32) {
    %c0_i32 = arith.constant 0 : i32
    %c0_i32_0 = arith.constant 0 : i32
    return %arg0, %c0_i32 : i32, i32
  }
  func.func @transform_1(%arg0: i32) -> (i32, i32) {
    %c0_i32 = arith.constant 0 : i32
    %c0_i32_0 = arith.constant 0 : i32
    %c0_i32_1 = arith.constant 0 : i32
    return %c0_i32, %c0_i32_0 : i32, i32
  }
  func.func @transform_2(%arg0: i32) -> (i32, i32) {
    %c0_i32 = arith.constant 0 : i32
    %c0_i32_0 = arith.constant 0 : i32
    return %arg0, %c0_i32 : i32, i32
  }
}

module attributes {stable_mosaic.version = 14 : i64} {
  func.func @body(%arg0: i32, %arg1: memref<2048x64xf32, #tpu.memory_space<vmem>>, %arg2: memref<2x2048x16xf32, #tpu.memory_space<vmem>>, %arg3: memref<2048x128xf32, #tpu.memory_space<vmem>>) attributes {dimension_semantics = [#tpu.dimension_semantics<arbitrary>], iteration_bounds = array<i64: 5>, scalar_prefetch = 0 : i64, scratch_operands = 0 : i64, tpu.core_type = #tpu.core_type<tc>, window_params = [{transform_indices = @transform_0, window_bounds = array<i64: 2048, 64>}, {transform_indices = @transform_1, window_bounds = array<i64: 2, 2048, 16>}, {transform_indices = @transform_2, window_bounds = array<i64: 2048, 128>}]} {
    %get3A = arith.constant 0 : index
    %get3A_0 = arith.constant 0 : index
    %get3A_1 = arith.constant 0 : index
    %get3A_2 = vector.load %arg2[%get3A, %get3A_0, %get3A_1] : memref<2x2048x16xf32, #tpu.memory_space<vmem>>, vector<1x2048x1xf32>
    %get3A_3 = vector.shape_cast %get3A_2 : vector<1x2048x1xf32> to vector<2048xf32>
    %get3A_4 = arith.constant 1 : index
    %get3A_5 = arith.constant 0 : index
    %get3A_6 = arith.constant 0 : index
    %get3A_7 = vector.load %arg2[%get3A_4, %get3A_5, %get3A_6] : memref<2x2048x16xf32, #tpu.memory_space<vmem>>, vector<1x2048x1xf32>
    %get3A_8 = vector.shape_cast %get3A_7 : vector<1x2048x1xf32> to vector<2048xf32>
    %add3A = arith.addf %get3A_3, %get3A_8 : vector<2048xf32>
    %max3A = arith.constant 1.000000e+00 : f32
    %max3A_9 = vector.broadcast %max3A : f32 to vector<2048xf32>
    %max3A_10 = arith.maximumf %add3A, %max3A_9 : vector<2048xf32>
    %rsqrt3A = math.rsqrt %max3A_10 : vector<2048xf32>
    %get3A_11 = arith.constant 0 : index
    %get3A_12 = arith.constant 0 : index
    %get3A_13 = vector.load %arg1[%get3A_11, %get3A_12] : memref<2048x64xf32, #tpu.memory_space<vmem>>, vector<2048x64xf32>
    %broadcast_in_dim3A = vector.shape_cast %rsqrt3A : vector<2048xf32> to vector<2048x1xf32>
    %mul3A = vector.broadcast %broadcast_in_dim3A : vector<2048x1xf32> to vector<2048x64xf32>
    %mul3A_14 = arith.mulf %get3A_13, %mul3A : vector<2048x64xf32>
    %swap3A = arith.constant 0 : index
    %swap3A_15 = arith.constant 0 : index
    %swap3A_16 = vector.load %arg3[%swap3A, %swap3A_15] : memref<2048x128xf32, #tpu.memory_space<vmem>>, vector<2048x64xf32>
    tpu.vector_store %arg3[%swap3A, %swap3A_15], %mul3A_14 {strides = array<i32>} : memref<2048x128xf32, #tpu.memory_space<vmem>>, vector<2048x64xf32>,
    return
  }
  func.func @transform_0(%arg0: i32) -> (i32, i32) {
    %c0_i32 = arith.constant 0 : i32
    %c0_i32_0 = arith.constant 0 : i32
    return %arg0, %c0_i32 : i32, i32
  }
  func.func @transform_1(%arg0: i32) -> (i32, i32, i32) {
    %c0_i32 = arith.constant 0 : i32
    %c0_i32_0 = arith.constant 0 : i32
    %c0_i32_1 = arith.constant 0 : i32
    return %c0_i32, %arg0, %c0_i32_0 : i32, i32, i32
  }
  func.func @transform_2(%arg0: i32) -> (i32, i32) {
    %c0_i32 = arith.constant 0 : i32
    %c0_i32_0 = arith.constant 0 : i32
    return %arg0, %c0_i32 : i32, i32
  }
}

module attributes {stable_mosaic.version = 14 : i64} {
  func.func @body(%arg0: i32, %arg1: memref<2x2048x128xf32, #tpu.memory_space<vmem>>, %arg2: memref<2048x128xf32, #tpu.memory_space<vmem>>, %arg3: memref<2x2048x16xf32, #tpu.memory_space<vmem>>, %arg4: memref<64x48xf32, #tpu.memory_space<vmem>>, %arg5: memref<1x64xf32, #tpu.memory_space<vmem>>, %arg6: memref<2048x128xf32, #tpu.memory_space<vmem>>) attributes {dimension_semantics = [#tpu.dimension_semantics<arbitrary>], iteration_bounds = array<i64: 5>, scalar_prefetch = 0 : i64, scratch_operands = 0 : i64, tpu.core_type = #tpu.core_type<tc>, window_params = [{transform_indices = @transform_0, window_bounds = array<i64: 2, 2048, 128>}, {transform_indices = @transform_1, window_bounds = array<i64: 2048, 128>}, {transform_indices = @transform_2, window_bounds = array<i64: 2, 2048, 16>}, {pipeline_mode = #tpu.pipeline_mode<synchronous>, transform_indices = @transform_3, window_bounds = array<i64: 64, 48>}, {pipeline_mode = #tpu.pipeline_mode<synchronous>, transform_indices = @transform_4, window_bounds = array<i64: 1, 64>}, {transform_indices = @transform_5, window_bounds = array<i64: 2048, 128>}]} {
    %get3A = arith.constant 0 : index
    %get3A_0 = arith.constant 0 : index
    %get3A_1 = arith.constant 0 : index
    %get3A_2 = vector.load %arg3[%get3A, %get3A_0, %get3A_1] : memref<2x2048x16xf32, #tpu.memory_space<vmem>>, vector<1x2048x1xf32>
    %get3A_3 = vector.shape_cast %get3A_2 : vector<1x2048x1xf32> to vector<2048xf32>
    %get3A_4 = arith.constant 1 : index
    %get3A_5 = arith.constant 0 : index
    %get3A_6 = arith.constant 0 : index
    %get3A_7 = vector.load %arg3[%get3A_4, %get3A_5, %get3A_6] : memref<2x2048x16xf32, #tpu.memory_space<vmem>>, vector<1x2048x1xf32>
    %get3A_8 = vector.shape_cast %get3A_7 : vector<1x2048x1xf32> to vector<2048xf32>
    %add3A = arith.addf %get3A_3, %get3A_8 : vector<2048xf32>
    %max3A = arith.constant 1.000000e+00 : f32
    %max3A_9 = vector.broadcast %max3A : f32 to vector<2048xf32>
    %max3A_10 = arith.maximumf %add3A, %max3A_9 : vector<2048xf32>
    %rsqrt3A = math.rsqrt %max3A_10 : vector<2048xf32>
    %get3A_11 = arith.constant 0 : index
    %get3A_12 = arith.constant 0 : index
    %get3A_13 = arith.constant 0 : index
    %get3A_14 = vector.load %arg1[%get3A_11, %get3A_12, %get3A_13] : memref<2x2048x128xf32, #tpu.memory_space<vmem>>, vector<1x2048x64xf32>
    %get3A_15 = vector.shape_cast %get3A_14 : vector<1x2048x64xf32> to vector<2048x64xf32>
    %get3A_16 = arith.constant 1 : index
    %get3A_17 = arith.constant 0 : index
    %get3A_18 = arith.constant 0 : index
    %get3A_19 = vector.load %arg1[%get3A_16, %get3A_17, %get3A_18] : memref<2x2048x128xf32, #tpu.memory_space<vmem>>, vector<1x2048x64xf32>
    %get3A_20 = vector.shape_cast %get3A_19 : vector<1x2048x64xf32> to vector<2048x64xf32>
    %add3A_21 = arith.addf %get3A_15, %get3A_20 : vector<2048x64xf32>
    %get3A_22 = arith.constant 0 : index
    %get3A_23 = arith.constant 0 : index
    %get3A_24 = vector.load %arg2[%get3A_22, %get3A_23] : memref<2048x128xf32, #tpu.memory_space<vmem>>, vector<2048x64xf32>
    %add3A_25 = arith.addf %add3A_21, %get3A_24 : vector<2048x64xf32>
    %broadcast_in_dim3A = vector.shape_cast %rsqrt3A : vector<2048xf32> to vector<2048x1xf32>
    %mul3A = vector.broadcast %broadcast_in_dim3A : vector<2048x1xf32> to vector<2048x64xf32>
    %mul3A_26 = arith.mulf %add3A_25, %mul3A : vector<2048x64xf32>
    %get3A_27 = arith.constant 0 : index
    %get3A_28 = arith.constant 0 : index
    %get3A_29 = vector.load %arg5[%get3A_27, %get3A_28] : memref<1x64xf32, #tpu.memory_space<vmem>>, vector<1x64xf32>
    %add3A_30 = vector.broadcast %get3A_29 : vector<1x64xf32> to vector<2048x64xf32>
    %add3A_31 = arith.addf %mul3A_26, %add3A_30 : vector<2048x64xf32>
    %max3A_32 = arith.constant 0.000000e+00 : f32
    %max3A_33 = vector.broadcast %max3A_32 : f32 to vector<2048x64xf32>
    %max3A_34 = arith.maximumf %add3A_31, %max3A_33 : vector<2048x64xf32>
    %get3A_35 = arith.constant 0 : index
    %get3A_36 = arith.constant 0 : index
    %get3A_37 = vector.load %arg4[%get3A_35, %get3A_36] : memref<64x48xf32, #tpu.memory_space<vmem>>, vector<64x48xf32>
    %dot_general3A = arith.constant dense<0.000000e+00> : vector<2048x48xf32>
    %dot_general3A_38 = tpu.matmul %max3A_34, %get3A_37, %dot_general3A {dimension_numbers = #tpu.dot_dimension_numbers<[1], [0], [0], [1], [0, 0, 1, 1], [], []>, transpose_lhs_hint = false} : vector<2048x64xf32>, vector<64x48xf32>, vector<2048x48xf32> -> vector<2048x48xf32>
    %broadcast_in_dim3A_39 = vector.shape_cast %rsqrt3A : vector<2048xf32> to vector<2048x1xf32>
    %mul3A_40 = vector.broadcast %broadcast_in_dim3A_39 : vector<2048x1xf32> to vector<2048x48xf32>
    %mul3A_41 = arith.mulf %dot_general3A_38, %mul3A_40 : vector<2048x48xf32>
    %swap3A = arith.constant 0 : index
    %swap3A_42 = arith.constant 0 : index
    %swap3A_43 = vector.load %arg6[%swap3A, %swap3A_42] : memref<2048x128xf32, #tpu.memory_space<vmem>>, vector<2048x48xf32>
    tpu.vector_store %arg6[%swap3A, %swap3A_42], %mul3A_41 {strides = array<i32>} : memref<2048x128xf32, #tpu.memory_space<vmem>>, vector<2048x48xf32>,
    return
  }
  func.func @transform_0(%arg0: i32) -> (i32, i32, i32) {
    %c0_i32 = arith.constant 0 : i32
    %c0_i32_0 = arith.constant 0 : i32
    %c0_i32_1 = arith.constant 0 : i32
    return %c0_i32, %arg0, %c0_i32_0 : i32, i32, i32
  }
  func.func @transform_1(%arg0: i32) -> (i32, i32) {
    %c0_i32 = arith.constant 0 : i32
    %c0_i32_0 = arith.constant 0 : i32
    return %arg0, %c0_i32 : i32, i32
  }
  func.func @transform_2(%arg0: i32) -> (i32, i32, i32) {
    %c0_i32 = arith.constant 0 : i32
    %c0_i32_0 = arith.constant 0 : i32
    %c0_i32_1 = arith.constant 0 : i32
    return %c0_i32, %arg0, %c0_i32_0 : i32, i32, i32
  }
  func.func @transform_3(%arg0: i32) -> (i32, i32) {
    %c0_i32 = arith.constant 0 : i32
    %c0_i32_0 = arith.constant 0 : i32
    %c0_i32_1 = arith.constant 0 : i32
    return %c0_i32, %c0_i32_0 : i32, i32
  }
  func.func @transform_4(%arg0: i32) -> (i32, i32) {
    %c0_i32 = arith.constant 0 : i32
    %c0_i32_0 = arith.constant 0 : i32
    %c0_i32_1 = arith.constant 0 : i32
    return %c0_i32, %c0_i32_0 : i32, i32
  }
  func.func @transform_5(%arg0: i32) -> (i32, i32) {
    %c0_i32 = arith.constant 0 : i32
    %c0_i32_0 = arith.constant 0 : i32
    return %arg0, %c0_i32 : i32, i32
  }
}

module attributes {stable_mosaic.version = 14 : i64} {
  func.func @body(%arg0: i32, %arg1: memref<2x2000x128xf32, #tpu.memory_space<vmem>>, %arg2: memref<2000x128xf32, #tpu.memory_space<vmem>>, %arg3: memref<2x2000x16xf32, #tpu.memory_space<vmem>>, %arg4: memref<1x48xf32, #tpu.memory_space<vmem>>, %arg5: memref<2000x40xf32, #tpu.memory_space<vmem>>) attributes {dimension_semantics = [#tpu.dimension_semantics<arbitrary>], iteration_bounds = array<i64: 5>, scalar_prefetch = 0 : i64, scratch_operands = 0 : i64, tpu.core_type = #tpu.core_type<tc>, window_params = [{transform_indices = @transform_0, window_bounds = array<i64: 2, 2000, 128>}, {transform_indices = @transform_1, window_bounds = array<i64: 2000, 128>}, {transform_indices = @transform_2, window_bounds = array<i64: 2, 2000, 16>}, {pipeline_mode = #tpu.pipeline_mode<synchronous>, transform_indices = @transform_3, window_bounds = array<i64: 1, 48>}, {transform_indices = @transform_4, window_bounds = array<i64: 2000, 40>}]} {
    %get3A = arith.constant 0 : index
    %get3A_0 = arith.constant 0 : index
    %get3A_1 = arith.constant 0 : index
    %get3A_2 = vector.load %arg3[%get3A, %get3A_0, %get3A_1] : memref<2x2000x16xf32, #tpu.memory_space<vmem>>, vector<1x2000x1xf32>
    %get3A_3 = vector.shape_cast %get3A_2 : vector<1x2000x1xf32> to vector<2000xf32>
    %get3A_4 = arith.constant 1 : index
    %get3A_5 = arith.constant 0 : index
    %get3A_6 = arith.constant 0 : index
    %get3A_7 = vector.load %arg3[%get3A_4, %get3A_5, %get3A_6] : memref<2x2000x16xf32, #tpu.memory_space<vmem>>, vector<1x2000x1xf32>
    %get3A_8 = vector.shape_cast %get3A_7 : vector<1x2000x1xf32> to vector<2000xf32>
    %add3A = arith.addf %get3A_3, %get3A_8 : vector<2000xf32>
    %max3A = arith.constant 1.000000e+00 : f32
    %max3A_9 = vector.broadcast %max3A : f32 to vector<2000xf32>
    %max3A_10 = arith.maximumf %add3A, %max3A_9 : vector<2000xf32>
    %rsqrt3A = math.rsqrt %max3A_10 : vector<2000xf32>
    %get3A_11 = arith.constant 0 : index
    %get3A_12 = arith.constant 0 : index
    %get3A_13 = arith.constant 0 : index
    %get3A_14 = vector.load %arg1[%get3A_11, %get3A_12, %get3A_13] : memref<2x2000x128xf32, #tpu.memory_space<vmem>>, vector<1x2000x48xf32>
    %get3A_15 = vector.shape_cast %get3A_14 : vector<1x2000x48xf32> to vector<2000x48xf32>
    %get3A_16 = arith.constant 1 : index
    %get3A_17 = arith.constant 0 : index
    %get3A_18 = arith.constant 0 : index
    %get3A_19 = vector.load %arg1[%get3A_16, %get3A_17, %get3A_18] : memref<2x2000x128xf32, #tpu.memory_space<vmem>>, vector<1x2000x48xf32>
    %get3A_20 = vector.shape_cast %get3A_19 : vector<1x2000x48xf32> to vector<2000x48xf32>
    %add3A_21 = arith.addf %get3A_15, %get3A_20 : vector<2000x48xf32>
    %get3A_22 = arith.constant 0 : index
    %get3A_23 = arith.constant 0 : index
    %get3A_24 = vector.load %arg2[%get3A_22, %get3A_23] : memref<2000x128xf32, #tpu.memory_space<vmem>>, vector<2000x48xf32>
    %add3A_25 = arith.addf %add3A_21, %get3A_24 : vector<2000x48xf32>
    %broadcast_in_dim3A = vector.shape_cast %rsqrt3A : vector<2000xf32> to vector<2000x1xf32>
    %mul3A = vector.broadcast %broadcast_in_dim3A : vector<2000x1xf32> to vector<2000x48xf32>
    %mul3A_26 = arith.mulf %add3A_25, %mul3A : vector<2000x48xf32>
    %get3A_27 = arith.constant 0 : index
    %get3A_28 = arith.constant 0 : index
    %get3A_29 = vector.load %arg4[%get3A_27, %get3A_28] : memref<1x48xf32, #tpu.memory_space<vmem>>, vector<1x48xf32>
    %add3A_30 = vector.broadcast %get3A_29 : vector<1x48xf32> to vector<2000x48xf32>
    %add3A_31 = arith.addf %mul3A_26, %add3A_30 : vector<2000x48xf32>
    %slice3A = vector.extract_strided_slice %add3A_31 {offsets = [0, 0], sizes = [2000, 40], strides = [1, 1]} : vector<2000x48xf32> to vector<2000x40xf32>
    %reduce_max3A = arith.constant dense<0xFF800000> : vector<2000xf32>
    %reduce_max3A_32 = vector.multi_reduction <maximumf>, %slice3A, %reduce_max3A [1] : vector<2000x40xf32> to vector<2000xf32>
    %broadcast_in_dim3A_33 = vector.shape_cast %reduce_max3A_32 : vector<2000xf32> to vector<2000x1xf32>
    %sub3A = vector.broadcast %broadcast_in_dim3A_33 : vector<2000x1xf32> to vector<2000x40xf32>
    %sub3A_34 = arith.subf %slice3A, %sub3A : vector<2000x40xf32>
    %exp3A = math.exp %sub3A_34 : vector<2000x40xf32>
    %reduce_sum3A = arith.constant dense<0.000000e+00> : vector<2000xf32>
    %reduce_sum3A_35 = vector.multi_reduction <add>, %exp3A, %reduce_sum3A [1] : vector<2000x40xf32> to vector<2000xf32>
    %broadcast_in_dim3A_36 = vector.shape_cast %reduce_sum3A_35 : vector<2000xf32> to vector<2000x1xf32>
    %log3A = math.log %broadcast_in_dim3A_36 : vector<2000x1xf32>
    %add3A_37 = arith.addf %log3A, %broadcast_in_dim3A_33 : vector<2000x1xf32>
    %sub3A_38 = vector.broadcast %add3A_37 : vector<2000x1xf32> to vector<2000x40xf32>
    %sub3A_39 = arith.subf %slice3A, %sub3A_38 : vector<2000x40xf32>
    %swap3A = arith.constant 0 : index
    %swap3A_40 = arith.constant 0 : index
    %swap3A_41 = vector.load %arg5[%swap3A, %swap3A_40] : memref<2000x40xf32, #tpu.memory_space<vmem>>, vector<2000x40xf32>
    tpu.vector_store %arg5[%swap3A, %swap3A_40], %sub3A_39 {strides = array<i32>} : memref<2000x40xf32, #tpu.memory_space<vmem>>, vector<2000x40xf32>,
    return
  }
  func.func @transform_0(%arg0: i32) -> (i32, i32, i32) {
    %c0_i32 = arith.constant 0 : i32
    %c0_i32_0 = arith.constant 0 : i32
    %c0_i32_1 = arith.constant 0 : i32
    return %c0_i32, %arg0, %c0_i32_0 : i32, i32, i32
  }
  func.func @transform_1(%arg0: i32) -> (i32, i32) {
    %c0_i32 = arith.constant 0 : i32
    %c0_i32_0 = arith.constant 0 : i32
    return %arg0, %c0_i32 : i32, i32
  }
  func.func @transform_2(%arg0: i32) -> (i32, i32, i32) {
    %c0_i32 = arith.constant 0 : i32
    %c0_i32_0 = arith.constant 0 : i32
    %c0_i32_1 = arith.constant 0 : i32
    return %c0_i32, %arg0, %c0_i32_0 : i32, i32, i32
  }
  func.func @transform_3(%arg0: i32) -> (i32, i32) {
    %c0_i32 = arith.constant 0 : i32
    %c0_i32_0 = arith.constant 0 : i32
    %c0_i32_1 = arith.constant 0 : i32
    return %c0_i32, %c0_i32_0 : i32, i32
  }
  func.func @transform_4(%arg0: i32) -> (i32, i32) {
    %c0_i32 = arith.constant 0 : i32
    %c0_i32_0 = arith.constant 0 : i32
    return %arg0, %c0_i32 : i32, i32
  }
}

</mosaic_0001>

<sc_bundles>
// kernel: kernel.12.cloned.1.call-start
scs
__scs_entry_jumppad:
0x0: {  	(pc) =	sbr.rel $0x88, $3  }
0x1: {  	(tag) =	ssettag $0x0;
	lr =	simm.s32 $0x1  }
0x2: {  	[smem:$0x3F9B] =	sst lr;
	_ =	strace $0xD0000000  }
0x3: {  	_ = 	snop  }
0x4: {  	_ = 	snop  }
0x5: {  	_ = 	snop  }
0x6: {  	_ = 	snop  }
0x7: {  	_ = 	snop  }
__scs_overlays_trampoline_lowered:
0x8: {  	[smem:$0x3FAA] =	sst s0  }
0x9: {  	[smem:$0x3FAB] =	sst s1  }
0xa: {  	[smem:$0x3FAC] =	sst s2  }
0xb: {  	[smem:$0x3FAD] =	sst s3  }
0xc: {  	[smem:$0x3FAE] =	sst s4  }
0xd: {  	[smem:$0x3FAF] =	sst s5  }
0xe: {  	[smem:$0x3FB0] =	sst s6  }
0xf: {  	[smem:$0x3FB1] =	sst s7  }
0x10: {  	[smem:$0x3FB2] =	sst s8  }
0x11: {  	[smem:$0x3FB3] =	sst s9;
	s0 =	simm.s32 @!p0 $0x0  }
0x12: {  	s1 =	sld [smem:$0x3F99];
	s0 =	simm.s32 @p0 $0x1  }
0x13: {  	[smem:$0x3FB4] =	sst s0;
	s0 =	simm.s32 @!p1 $0x0  }
0x14: {  	s2 =	sld [smem:$0x3F98];
	s0 =	simm.s32 @p1 $0x1  }
0x15: {  	[smem:$0x3FB5] =	sst s0;
	s0 =	simm.s32 @!p2 $0x0  }
0x16: {  	s3 =	sld [smem:$0x3FDB];
	s0 =	simm.s32 @p2 $0x1  }
0x17: {  	s4 =	simm.s32 $0x1BF5;
	[smem:$0x3FB7] =	sst s0  }
0x18: {  	s0 =	sld [smem:$0x3F9A];
	_ =	swait.ge [sflag:s4], $0x0  }
0x19: {  	s7 =	sld [smem:$0x3F9B]  }
0x1a: {  	s8 =	sadd.s32 $0xFFFFE003, lr  }
0x1b: {  	s9 =	sadd.s32 $0xFFFFFEF7, lr;
	s5 =	simm.s32 $0xFFFFFFFF;
	p2 =	slt.u32 s8, $0xFFFFF086  }
0x1c: {  	p1 =	slt.u32 s9, $0xF7A;
	s5 =	simm.s32 @!p2 $0x0  }
0x1d: {  	s5 =	simm.s32 @p1 $0x1;
	p0 =	seq.s32 s7, s2  }
0x1e: {  	s7 =	smul.u32 @!p0 $0xF7A, s2;
	p2 =	seq.s32 @!p0 s5, $0x0  }
0x1f: {  	s9 =	smul.u32 $0xF7A, s1;
	s8 =	simm.s32 @!p0 $0x1BF5;
	p2 =	por !p2, p0  }
0x20: {  	[sflag:s8] =	ssyncset.s32 @!p0 $0xFFFFF086;
	s6 =	sadd.s32 @!p0 s3, s7;
	s7 =	simm.s32 @!p0 $0x108  }
0x21: {  	s3 =	sadd.s32 s3, s9;
	s6 =	sadd.s32 @!p0 $0x88, s6;
	s7 =	simm.s32 @p2 $0x1082  }
0x22: {  	[simem:s7], [sflag:s8] =	dma.local @!p0 [hbm:s6], $0xF7A  }
0x23: {  	s9 =	sor.u32 $0xD0000000, s2;
	s6 =	simm.s32 $0x108;
	_ =	swait.ge @!p0 [sflag:s8], $0x0  }
0x24: {  	s3 =	sadd.s32 $0x88, s3;
	s6 =	simm.s32 @!p1 $0x1082;
	[sflag:s4] =	ssyncset.s32 $0xFFFFF086  }
0x25: {  	[simem:s6], [sflag:s4] =	dma.local [hbm:s3], $0xF7A  }
0x26: {  	[smem:$0x3F9B] =	sst s1;
	(tag) =	ssettag s2;
	_ =	strace s9  }
0x27: {  	s1 =	sld [smem:$0x3FAB]  }
0x28: {  	s2 =	sld [smem:$0x3FAC]  }
0x29: {  	s4 =	sld [smem:$0x3FAE]  }
0x2a: {  	p0 =	seq.s32 s5, $0x0;
	s5 =	sld [smem:$0x3FAF]  }
0x2b: {  	s6 =	sld [smem:$0x3FB0]  }
0x2c: {  	s7 =	sld [smem:$0x3FB1]  }
0x2d: {  	s3 =	simm.s32 $0x108;
	s8 =	sld [smem:$0x3FB2]  }
0x2e: {  	s3 =	simm.s32 @!p0 $0x1082;
	s9 =	sld [smem:$0x3FB3]  }
0x2f: {  	lr =	sadd.s32 s0, s3;
	s0 =	sld [smem:$0x3FAA]  }
0x30: {  	s3 =	sld [smem:$0x3FAD]  }
0x31: {  	[smem:$0x3FB6] =	sst s10  }
0x32: {  	s10 =	sld [smem:$0x3FB4];
	_ =	sdelay $0x3  }
0x33: {  	p0 =	seq.s32 s10, $0x1;
	s10 =	sld [smem:$0x3FB6];
	_ =	sdelay $0x3  }
0x34: {  	[smem:$0x3FB6] =	sst s10  }
0x35: {  	s10 =	sld [smem:$0x3FB5];
	_ =	sdelay $0x3  }
0x36: {  	p1 =	seq.s32 s10, $0x1;
	s10 =	sld [smem:$0x3FB6];
	_ =	sdelay $0x3  }
0x37: {  	[smem:$0x3FB6] =	sst s10  }
0x38: {  	s10 =	sld [smem:$0x3FB7]  }
0x39: {  	_ = 	snop;
	(pc) =	sbr.ind lr, $3  }
0x3a: {  	_ = 	snop  }
0x3b: {  	_ = 	snop  }
0x3c: {  	p2 =	seq.s32 s10, $0x1;
	s10 =	sld [smem:$0x3FB6]  }
0x3d: {  	_ =	shalt  }
0x3e: {  	_ =	shalt  }
0x3f: {  	_ =	shalt  }
0x40: {  	_ =	shalt  }
0x41: {  	_ =	shalt  }
0x42: {  	_ =	shalt  }
0x43: {  	_ =	shalt  }
0x44: {  	_ =	shalt  }
0x45: {  	_ =	shalt  }
0x46: {  	_ =	shalt  }
0x47: {  	_ =	shalt  }
0x48: {  	_ =	shalt  }
0x49: {  	_ =	shalt  }
0x4a: {  	_ =	shalt  }
0x4b: {  	_ =	shalt  }
0x4c: {  	_ =	shalt  }
0x4d: {  	_ =	shalt  }
0x4e: {  	_ =	shalt  }
0x4f: {  	_ =	shalt  }
0x50: {  	_ =	shalt  }
0x51: {  	_ =	shalt  }
0x52: {  	_ =	shalt  }
0x53: {  	_ =	shalt  }
0x54: {  	_ =	shalt  }
0x55: {  	_ =	shalt  }
0x56: {  	_ =	shalt  }
0x57: {  	_ =	shalt  }
0x58: {  	_ =	shalt  }
0x59: {  	_ =	shalt  }
0x5a: {  	_ =	shalt  }
0x5b: {  	_ =	shalt  }
0x5c: {  	_ =	shalt  }
0x5d: {  	_ =	shalt  }
0x5e: {  	_ =	shalt  }
0x5f: {  	_ =	shalt  }
0x60: {  	_ =	shalt  }
0x61: {  	_ =	shalt  }
0x62: {  	_ =	shalt  }
0x63: {  	_ =	shalt  }
0x64: {  	_ =	shalt  }
0x65: {  	_ =	shalt  }
0x66: {  	_ =	shalt  }
0x67: {  	_ =	shalt  }
0x68: {  	_ =	shalt  }
0x69: {  	_ =	shalt  }
0x6a: {  	_ =	shalt  }
0x6b: {  	_ =	shalt  }
0x6c: {  	_ =	shalt  }
0x6d: {  	_ =	shalt  }
0x6e: {  	_ =	shalt  }
0x6f: {  	_ =	shalt  }
0x70: {  	_ =	shalt  }
0x71: {  	_ =	shalt  }
0x72: {  	_ =	shalt  }
0x73: {  	_ =	shalt  }
0x74: {  	_ =	shalt  }
0x75: {  	_ =	shalt  }
0x76: {  	_ =	shalt  }
0x77: {  	_ =	shalt  }
0x78: {  	_ =	shalt  }
0x79: {  	_ =	shalt  }
0x7a: {  	_ =	shalt  }
0x7b: {  	_ =	shalt  }
0x7c: {  	_ =	shalt  }
0x7d: {  	_ =	shalt  }
0x7e: {  	_ =	shalt  }
0x7f: {  	_ =	shalt  }
0x80: {  	_ =	shalt  }
0x81: {  	_ =	shalt  }
0x82: {  	_ =	shalt  }
0x83: {  	_ =	shalt  }
0x84: {  	_ =	shalt  }
0x85: {  	_ =	shalt  }
0x86: {  	_ =	shalt  }
0x87: {  	_ =	shalt  }
.Lfunc_end0:
.L_simem_size_0:
called_computation.1_lowered:
.L_overlay_start_0:
0x88: {  	s2 =	sld [smem:$0x3FD9]  }
0x89: {  	s3 =	sld [smem:$0x3FFE];
	_ =	sdelay $0x1  }
0x8a: {  	s1 =	srdreg.scid  }
0x8b: {  	s0 =	sand.u32 $0x1, s1  }
0x8c: {  	s17 =	sshll.u32 s0, $0xA;
	s2 =	sadd.s32 s3, s2  }
0x8d: {  	s2 =	sadd.s32 s2, s17  }
0x8e: {  	[smem:$0x3FC2] =	sst s2  }
0x8f: {  	_ = 	snop  }
0x90: {  	s2 =	sld [smem:$0x3FD0];
	(tm) =	ssettm $0x1  }
0x91: {  	s18 =	sld [smem:$0x3FFB];
	_ =	sdelay $0x3  }
0x92: {  	_ =	strace s18  }
0x93: {  	s3 =	sld [smem:$0x3FFC];
	_ =	sdelay $0x3  }
0x94: {  	_ =	strace s3  }
0x95: {  	s3 =	sld [smem:$0x3FFD];
	_ =	sdelay $0x3  }
0x96: {  	_ =	strace s3  }
0x97: {  	_ =	strace $0x8FFFFFFF  }
0x98: {  	s19 =	sld [smem:$0x3FDB];
	_ =	sdelay $0x1  }
0x99: {  	s4 =	simm.s32 $_scs_section_size  }
0x9a: {  	s5 =	simm.s32 $_size__tile_overlayer_lowered;
	s6 =	simm.s32 $_tile_overlayer_lowered  }
0x9b: {  	s22 =	simm.s32 $0x1BFF;
	s21 =	sshll.u32 s6, $0x1;
	s3 =	sadd.s32 s4, s19  }
0x9c: {  	s7 =	simm.s32 $0x0;
	s20 =	sshll.u32 s5, $0x1;
	s5 =	sadd.s32 s21, s3  }
0x9d: {  	[timem:s7], [sflag:s22] =	dma.local [hbm:s5], s20  }
0x9e: {  	_ =	swait.ge [sflag:s22], s20  }
0x9f: {  	s4 =	ssub.s32 $0x0, s20;
	[sflag:s22] =	ssyncset.done $0x0  }
0xa0: {  	[sflag:s22] =	ssyncadd.s32 s4;
	_ =	sdelay $0x1  }
0xa1: {  	s23 =	simm.s32 $0x1B8B  }
0xa2: {  	_ =	swait.ge [sflag:s23], $0x1  }
0xa3: {  	[sflag:s23] =	ssyncset.done $0x0  }
0xa4: {  	s25 =	simm.s32 $0x1B8E;
	s24 =	sld [smem:$0x3FFE];
	[sflag:s23] =	ssyncadd.s32 $0xFFFFFFFF  }
0xa5: {  	s26 =	simm.s32 $execute0_lowered;
	[smem:$0x3FD2] =	sst s25  }
0xa6: {  	s5 =	sshll.u32 s26, $0x1;
	_ =	strace $0x80000049;
	[dreg:$0x1] =	wrdreg $0xFFFFFFFF  }
0xa7: {  	s28 =	simm.s32 $_size_execute0_lowered;
	s3 =	sadd.s32 s3, s5;
	[dreg:$0x0] =	wrdreg $0x0  }
0xa8: {  	s5 =	sshll.u32 s28, $0x1;
	[dreg:$0x2] =	wrdreg s3  }
0xa9: {  	[dreg:$0x3] =	wrdreg s5  }
0xaa: {  	[dreg:$0x4] =	wrdreg $0xC0  }
0xab: {  	_ =	task [dreg:s7], $0x5FFFF  }
0xac: {  	[dreg:$0x1] =	wrdreg $0xFFFFFFFF  }
0xad: {  	[dreg:$0x0] =	wrdreg $0x60  }
0xae: {  	[dreg:$0x2] =	wrdreg s24  }
0xaf: {  	[dreg:$0x3] =	wrdreg s2  }
0xb0: {  	[dreg:$0x4] =	wrdreg $0x148000  }
0xb1: {  	[dreg:$0x5] =	wrdreg $0xA8000  }
0xb2: {  	[dreg:$0x6] =	wrdreg $0x9  }
0xb3: {  	_ =	task.clear_ibuf [dreg:s7], $0x7FFFF;
	_ =	strace $0x90000049  }
0xb4: {  	s29 =	simm.s32 $0x9;
	_ =	strace $0x8000004B  }
0xb5: {  	_ =	swait.ge [sflag:s29], $0x1  }
0xb6: {  	[sflag:s29] =	ssyncadd.s32 $0xFFFFFFFF  }
0xb7: {  	_ =	strace $0x9000004B  }
0xb8: {  	_ =	sfence  }
0xb9: {  	s30 =	sld [smem:$0x0];
	_ =	sdelay $0x2  }
0xba: {  	s31 =	sshll.u32 s1, $0xD;
	s1 =	sshrl.u32 s1, $0x2  }
0xbb: {  	s3 =	sand.u32 $0x4000, s31;
	s1 =	sadd.s32 s1, s30  }
0xbc: {  	s0 =	sor.u32 s3, s0;
	s1 =	sshll.u32 s1, $0x11  }
0xbd: {  	s0 =	sor.u32 s1, s0  }
0xbe: {  	s0 =	sadd.s32 $0x8F2B, s0  }
0xbf: {  	[sflag:s0] =	ssyncadd.remote.s32 $0x1  }
0xc0: {  	_ =	sfence.sel $0xFFFF  }
0xc1: {  	[dreg:$0x0] =	wrdreg $0xFFFFFFFF;
	(pc) =	sbr.abs _section_cstart, $3  }
0xc2: {  	[dreg:$0x1] =	wrdreg $0xFFFFFFFF  }
0xc3: {  	_ =	task.clear_ibuf [dreg:s7], $0x2FFFF;
	_ =	strace $0x9FFFFFFF  }
0xc4: {  	(tm) =	ssettm $0x7FFFFFFF  }
0xc5: {  	_ =	shalt  }
tec
execute0_lowered:
.L_overlay_start_1:
0x0: {  	(tag) =	ssettag $0x1  }
0x1: {  	s0 =	rddreg [dreg:$0x0]  }
0x2: {  	s1 =	srdreg.scid;
	s3 =	rddreg [dreg:$0x2]  }
0x3: {  	s9 =	stileid.u32;
	s4 =	rddreg [dreg:$0x3]  }
0x4: {  	s5 =	simm.s32 $0x0;
	s13 =	simm.s32 $0x9;
	s15 =	simm.s32 $0x1  }
0x5: {  	s16 =	simm.s32 $0x8;
	s17 =	simm.s32 $0x10;
	s18 =	simm.s32 $0x1400  }
0x6: {  	s19 =	simm.s32 $0x80;
	s20 =	simm.s32 $0x2800;
	s21 =	simm.s32 $0x4800  }
0x7: {  	s23 =	simm.s32 $0x6800;
	s29 =	simm.s32 $0x5;
	s31 =	simm.s32 $0x3  }
0x8: {  	s22 =	simm.s32 $0x4;
	s28 =	simm.s32 $0x7;
	s6 =	smul.u32 $0x14000, s9  }
0x9: {  	s1 =	sand.u32 $0x1, s1;
	[smem:$0x7FF] =	sst s5;
	s24 =	smul.u32 $0xA000, s9  }
0xa: {  	s2 =	sshll.u32 s1, $0x4;
	s7 =	smul.u32 $0x140000, s1;
	_ =	strace $0x8000004A  }
0xb: {  	s1 =	ssub.s32 $0x2, s1;
	s2 =	sor.u32 s9, s2;
	s8 =	sshrl.u32 s6, $0x3  }
0xc: {  	s25 =	sshrl.u32 s1, $0x1;
	s9 =	sshll.u32 s9, $0x6;
	s12 =	sadd.s32 s24, s3  }
0xd: {  	s14 =	sadd.s32 s24, s4;
	s2 =	smul.u32 $0x280, s2;
	s8 =	sadd.s32 s8, s0  }
0xe: {  	s6 =	sadd.s32 s6, s7;
	s1 =	ssub.s32 s1, s25;
	s12 =	sshrl.u32 s12, $0x3  }
0xf: {  	s14 =	sshrl.u32 s14, $0x3;
	s25 =	simm.s32 $0x8800;
	s6 =	sshrl.u32 s6, $0x3  }
.Ltmp0:
0x10: {  	s26 =	sadd.s32 $0x5C400, s8;
	s11 =	smax.u32 s1, $0x1;
	(pc) =	sbr.rel .LBB2_1-.Ltmp0, $4  }
0x11: {  	s2 =	sadd.s32 s2, s0;
	s0 =	sadd.s32 s6, s0;
	s6 =	sor.u32 $0x1C09, s9  }
0x12: {  	[dreg:$0x5] =	wrdreg s26;
	s26 =	simm.s32 $0x2;
	s30 =	sadd.s32 $0x7400, s2  }
0x13: {  	s2 =	sadd.s32 $0x1C00, s2;
	s10 =	sadd.s32 $0x84400, s0;
	[dreg:$0x6] =	wrdreg s30  }
0x14: {  	s0 =	simm.s32 $0x6;
	[dreg:$0x7] =	wrdreg s2;
	s2 =	simm.s32 $0x0  }
.LBB2_4:
0x15: {  	_ =	swait.ge [sflag:s29], $0x2000  }
0x16: {  	[sflag:s29] =	ssyncset.done $0x0  }
0x17: {  	[sflag:s29] =	ssyncadd.s32 $0xFFFFE000  }
0x18: {  	_ =	swait.ge [sflag:s0], $0x2000  }
0x19: {  	[sflag:s0] =	ssyncset.done $0x0  }
0x1a: {  	[sflag:s0] =	ssyncadd.s32 $0xFFFFE000  }
0x1b: {  	_ =	swait.ge [sflag:s28], $0x2000  }
0x1c: {  	[sflag:s28] =	ssyncset.done $0x0  }
0x1d: {  	[sflag:s28] =	ssyncadd.s32 $0xFFFFE000  }
0x1e: {  	_ =	swait.ge [sflag:s16], $0x2000  }
0x1f: {  	s2 =	sadd.s32 $0x1, s2;
	[sflag:s16] =	ssyncset.done $0x0  }
0x20: {  	p0 =	sne.s32 s2, s11;
	[sflag:s16] =	ssyncadd.s32 $0xFFFFE000  }
.Ltmp1:
0x21: {  	[bflag:$0x0] =	sbarrier.arrive $0xFFFF;
	(pc) =	sbr.rel @!p0 .LBB2_5-.Ltmp1, $4  }
0x22: {  	[hbm:s10@s17], [sflag:s6] =	dma.strided [spmem:s12@s16], $0x1400, s15, $0x8   }
0x23: {  	_ =	swait.ge [sflag:s13], $0x1400  }
0x24: {  	[sflag:s13] =	ssyncset.done $0x0  }
0x25: {  	[sflag:s13] =	ssyncadd.s32 $0xFFFFEC00  }
.LBB2_1:
0x26: {  	s1 =	rddreg [dreg:$0x1]  }
0x27: {  	[spmem:s12], [sflag:s6] =	dma.local [hbm:s1], $0x1400  }
0x28: {  	_ =	swait.ge [sflag:s13], $0x1400  }
0x29: {  	[sflag:s13] =	ssyncset.done $0x0  }
0x2a: {  	s30 =	rddreg [dreg:$0x5];
	[sflag:s13] =	ssyncadd.s32 $0xFFFFEC00  }
0x2b: {  	[spmem:s14@s16], [sflag:s6] =	dma.strided [hbm:s30@s17], $0x1400, s15, $0x8   }
0x2c: {  	_ =	swait.ge [sflag:s13], $0x1400  }
0x2d: {  	[sflag:s13] =	ssyncset.done $0x0  }
0x2e: {  	s7 =	rddreg [dreg:$0x6];
	[sflag:s13] =	ssyncadd.s32 $0xFFFFEC00  }
0x2f: {  	[tilespmem:s5], [sflag:$0x9] =	stream.linear.gather [hbm4b:s7+s5], $0x1400, $0x38;
	[tilespmem:$0x1E800] =	vst v63  }
0x30: {  	_ =	swait.ge [sflag:s13], $0x1400  }
0x31: {  	[sflag:s13] =	ssyncset.done $0x0  }
0x32: {  	s8 =	rddreg [dreg:$0x7];
	[sflag:s13] =	ssyncadd.s32 $0xFFFFEC00  }
0x33: {  	[tilespmem:s18], [sflag:$0x9] =	stream.linear.gather [hbm4b:s8+s5], $0x1400, $0x38;
	[tilespmem:$0x1E800] =	vst v63  }
0x34: {  	_ =	swait.ge [sflag:s13], $0x1400  }
0x35: {  	[sflag:s13] =	ssyncset.done $0x0  }
0x36: {  	[sflag:s13] =	ssyncadd.s32 $0xFFFFEC00  }
0x37: {  	[bflag:$0x0] =	sbarrier.arrive $0xFFFF  }
0x38: {  	[tilespmem:s20], [sflag:$0x1] =	stream.indirect.gather [spmem:s4], $0x40, s5, s19, $0xb8;
	[tilespmem:$0x1E800] =	vst v63  }
0x39: {  	_ = 	snop  }
0x3a: {  	[tilespmem:s21], [sflag:$0x2] =	stream.indirect.gather [spmem:s4], $0x40, s19, s19, $0xb8;
	[tilespmem:$0x1E800] =	vst v63  }
0x3b: {  	s9 =	simm.s32 $0x100  }
0x3c: {  	[tilespmem:s23], [sflag:$0x3] =	stream.indirect.gather [spmem:s4], $0x40, s9, s19, $0xb8;
	[tilespmem:$0x1E800] =	vst v63  }
0x3d: {  	s24 =	simm.s32 $0x180  }
0x3e: {  	[tilespmem:s25], [sflag:$0x4] =	stream.indirect.gather [spmem:s4], $0x40, s24, s19, $0xb8;
	[tilespmem:$0x1E800] =	vst v63  }
0x3f: {  	_ =	swait.ge [sflag:s15], $0x2000  }
0x40: {  	[sflag:s15] =	ssyncset.done $0x0  }
0x41: {  	[sflag:s15] =	ssyncadd.s32 $0xFFFFE000  }
0x42: {  	[spmem:s3] =	stream.indirect.scatter.add.f32 [tilespmem:s20], [sflag:$0x5], $0x40, s18, s19, $0xb8;
	[tilespmem:$0x1E800] =	vst v63  }
0x43: {  	_ =	swait.ge [sflag:s26], $0x2000  }
0x44: {  	[sflag:s26] =	ssyncset.done $0x0  }
0x45: {  	s30 =	simm.s32 $0x1480;
	[sflag:s26] =	ssyncadd.s32 $0xFFFFE000  }
0x46: {  	[spmem:s3] =	stream.indirect.scatter.add.f32 [tilespmem:s21], [sflag:$0x6], $0x40, s30, s19, $0xb8;
	[tilespmem:$0x1E800] =	vst v63  }
0x47: {  	_ =	swait.ge [sflag:s29], $0x2000  }
0x48: {  	[sflag:s29] =	ssyncset.done $0x0  }
0x49: {  	s7 =	simm.s32 $0x200;
	[sflag:s29] =	ssyncadd.s32 $0xFFFFE000  }
0x4a: {  	[tilespmem:s20], [sflag:$0x1] =	stream.indirect.gather [spmem:s4], $0x40, s7, s19, $0xb8;
	[tilespmem:$0x1E800] =	vst v63  }
0x4b: {  	_ =	swait.ge [sflag:s31], $0x2000  }
0x4c: {  	[sflag:s31] =	ssyncset.done $0x0  }
0x4d: {  	s8 =	simm.s32 $0x1500;
	[sflag:s31] =	ssyncadd.s32 $0xFFFFE000  }
0x4e: {  	[spmem:s3] =	stream.indirect.scatter.add.f32 [tilespmem:s23], [sflag:$0x7], $0x40, s8, s19, $0xb8;
	[tilespmem:$0x1E800] =	vst v63  }
0x4f: {  	_ =	swait.ge [sflag:s0], $0x2000  }
0x50: {  	[sflag:s0] =	ssyncset.done $0x0  }
0x51: {  	s9 =	simm.s32 $0x280;
	[sflag:s0] =	ssyncadd.s32 $0xFFFFE000  }
0x52: {  	[tilespmem:s21], [sflag:$0x2] =	stream.indirect.gather [spmem:s4], $0x40, s9, s19, $0xb8;
	[tilespmem:$0x1E800] =	vst v63  }
0x53: {  	_ =	swait.ge [sflag:s22], $0x2000  }
0x54: {  	[sflag:s22] =	ssyncset.done $0x0  }
0x55: {  	s24 =	simm.s32 $0x1580;
	[sflag:s22] =	ssyncadd.s32 $0xFFFFE000  }
0x56: {  	[spmem:s3] =	stream.indirect.scatter.add.f32 [tilespmem:s25], [sflag:$0x8], $0x40, s24, s19, $0xb8;
	[tilespmem:$0x1E800] =	vst v63  }
0x57: {  	_ =	swait.ge [sflag:s28], $0x2000  }
0x58: {  	[sflag:s28] =	ssyncset.done $0x0  }
0x59: {  	s1 =	simm.s32 $0x0;
	s30 =	simm.s32 $0x300;
	[sflag:s28] =	ssyncadd.s32 $0xFFFFE000  }
0x5a: {  	[tilespmem:s23], [sflag:$0x3] =	stream.indirect.gather [spmem:s4], $0x40, s30, s19, $0xb8;
	[tilespmem:$0x1E800] =	vst v63  }
.LBB2_2:
0x5b: {  	_ =	swait.ge [sflag:s15], $0x2000  }
0x5c: {  	s24 =	sshra.s32 s1, $0x2;
	[sflag:s15] =	ssyncset.done $0x0  }
0x5d: {  	s30 =	sadd.s32 $0x1600, s24;
	[sflag:s15] =	ssyncadd.s32 $0xFFFFE000  }
0x5e: {  	[spmem:s3] =	stream.indirect.scatter.add.f32 [tilespmem:s20], [sflag:$0x5], $0x40, s30, s19, $0xb8;
	[tilespmem:$0x1E800] =	vst v63  }
0x5f: {  	_ =	swait.ge [sflag:s16], $0x2000  }
0x60: {  	[sflag:s16] =	ssyncset.done $0x0  }
0x61: {  	s8 =	sadd.s32 $0x380, s24;
	[sflag:s16] =	ssyncadd.s32 $0xFFFFE000  }
0x62: {  	[tilespmem:s25], [sflag:$0x4] =	stream.indirect.gather [spmem:s4], $0x40, s8, s19, $0xb8;
	[tilespmem:$0x1E800] =	vst v63  }
0x63: {  	_ =	swait.ge [sflag:s26], $0x2000  }
0x64: {  	p0 =	seq.s32 s1, $0x4000;
	[sflag:s26] =	ssyncset.done $0x0  }
0x65: {  	s9 =	sadd.s32 $0x1680, s24;
	s30 =	simm.s32 @p0 $0x3;
	[sflag:s26] =	ssyncadd.s32 $0xFFFFE000  }
0x66: {  	[spmem:s3] =	stream.indirect.scatter.add.f32 [tilespmem:s21], [sflag:$0x6], $0x40, s9, s19, $0xb8;
	[tilespmem:$0x1E800] =	vst v63  }
0x67: {  	_ =	swait.ge @p0 [sflag:s30], $0x2000  }
0x68: {  	[sflag:s30] =	ssyncset.done @p0 $0x0  }
0x69: {  	[sflag:s30] =	ssyncadd.s32 @p0 $0xFFFFE000;
	s30 =	sshra.s32 @p0 s1, $0x2  }
0x6a: {  	s7 =	simm.s32 @p0 $0x80;
	s8 =	simm.s32 @p0 $0x6800;
	s30 =	sadd.s32 @p0 $0x1700, s30  }
0x6b: {  	[spmem:s3] =	stream.indirect.scatter.add.f32 @p0 [tilespmem:s8], [sflag:$0x7], $0x40, s30, s7, $0xb8;
	[tilespmem:$0x1E800] =	vst v63  }
0x6c: {  	s7 =	simm.s32 @!p0 $0x5  }
0x6d: {  	_ =	swait.ge @!p0 [sflag:s7], $0x2000  }
0x6e: {  	[sflag:s7] =	ssyncset.done @!p0 $0x0  }
0x6f: {  	[sflag:s7] =	ssyncadd.s32 @!p0 $0xFFFFE000;
	s7 =	sshra.s32 @!p0 s1, $0x2  }
0x70: {  	s9 =	simm.s32 @!p0 $0x2800;
	s30 =	simm.s32 @!p0 $0x80;
	s8 =	sadd.s32 @!p0 $0x400, s7  }
0x71: {  	[tilespmem:s9], [sflag:$0x1] =	stream.indirect.gather @!p0 [spmem:s4], $0x40, s8, s30, $0xb8;
	[tilespmem:$0x1E800] =	vst v63  }
0x72: {  	s8 =	simm.s32 @!p0 $0x3  }
0x73: {  	_ =	swait.ge @!p0 [sflag:s8], $0x2000  }
0x74: {  	[sflag:s8] =	ssyncset.done @!p0 $0x0  }
0x75: {  	s9 =	simm.s32 @!p0 $0x6800;
	[sflag:s8] =	ssyncadd.s32 @!p0 $0xFFFFE000;
	s8 =	sadd.s32 @!p0 $0x1700, s7  }
0x76: {  	[spmem:s3] =	stream.indirect.scatter.add.f32 @!p0 [tilespmem:s9], [sflag:$0x7], $0x40, s8, s30, $0xb8;
	[tilespmem:$0x1E800] =	vst v63  }
0x77: {  	s8 =	simm.s32 @!p0 $0x6  }
0x78: {  	_ =	swait.ge @!p0 [sflag:s8], $0x2000  }
0x79: {  	[sflag:s8] =	ssyncset.done @!p0 $0x0  }
0x7a: {  	s7 =	sadd.s32 @!p0 $0x480, s7;
	[sflag:s8] =	ssyncadd.s32 @!p0 $0xFFFFE000;
	s8 =	simm.s32 @!p0 $0x4800  }
0x7b: {  	[tilespmem:s8], [sflag:$0x2] =	stream.indirect.gather @!p0 [spmem:s4], $0x40, s7, s30, $0xb8;
	[tilespmem:$0x1E800] =	vst v63  }
.Ltmp2:
0x7c: {  	_ = 	snop;
	(pc) =	sbr.rel @p0 .LBB2_4-.Ltmp2, $4  }
0x7d: {  	_ =	swait.ge [sflag:s22], $0x2000  }
0x7e: {  	[sflag:s22] =	ssyncset.done $0x0  }
0x7f: {  	s30 =	sadd.s32 $0x1780, s24;
	[sflag:s22] =	ssyncadd.s32 $0xFFFFE000  }
0x80: {  	[spmem:s3] =	stream.indirect.scatter.add.f32 [tilespmem:s25], [sflag:$0x8], $0x40, s30, s19, $0xb8;
	[tilespmem:$0x1E800] =	vst v63  }
.Ltmp3:
0x81: {  	(pc) =	sbr.rel .LBB2_2-.Ltmp3, $4  }
0x82: {  	_ =	swait.ge [sflag:s28], $0x2000  }
0x83: {  	[sflag:s28] =	ssyncset.done $0x0  }
0x84: {  	s7 =	sadd.s32 $0x500, s24;
	s1 =	sadd.s32 $0x800, s1;
	[sflag:s28] =	ssyncadd.s32 $0xFFFFE000  }
0x85: {  	[tilespmem:s23], [sflag:$0x3] =	stream.indirect.gather [spmem:s4], $0x40, s7, s19, $0xb8;
	[tilespmem:$0x1E800] =	vst v63  }
.LBB2_5:
0x86: {  	_ =	sfence.sel $0x180000  }
0x87: {  	[bflag:$0x0] =	sbarrier.arrive $0xFFFF  }
0x88: {  	_ =	strace $0x9000004A  }
0x89: {  	s0 =	stileid.u32;
	[bflag:$0x2] =	sbarrier.arrive $0xFFFF  }
0x8a: {  	p0 =	sne.s32 s0, $0x0;
	s0 =	rddreg [dreg:$0x4]  }
0x8b: {  	s0 =	sadd.s32 @!p0 $0x100000, s0  }
0x8c: {  	[sflag:s0] =	ssyncadd.tile.s32 @!p0 $0x1;
	_ =	shalt  }
.Lfunc_end2:
_tile_overlayer_lowered:
.L_overlay_start_2:
0x8d: {  	(tag) =	ssettag $0x2  }
0x8e: {  	s0 =	rddreg [dreg:$0x0];
	s2 =	stileid.u32  }
0x8f: {  	s1 =	rddreg [dreg:$0x1];
	p0 =	sne.s32 s2, $0x0  }
0x90: {  	s3 =	rddreg [dreg:$0x2];
	[bflag:$0x3] =	sbarrier.arrive $0xFFFF;
	s2 =	simm.s32 @!p0 $0x1C09  }
0x91: {  	[timem:s3], [sflag:s2] =	dma.local @!p0 [hbm:s0], s1  }
0x92: {  	s0 =	simm.s32 @!p0 $0x9  }
0x93: {  	_ =	swait.ge @!p0 [sflag:s0], s1  }
0x94: {  	s1 =	ssub.s32 @!p0 $0x0, s1;
	[sflag:s0] =	ssyncset.done @!p0 $0x0  }
0x95: {  	[sflag:s0] =	ssyncadd.s32 @!p0 s1  }
0x96: {  	[bflag:$0x3] =	sbarrier.arrive $0xFFFF  }
0x97: {  	_ =	shalt  }

// kernel: kernel.15.cloned.1.call-start
scs
__scs_entry_jumppad:
0x0: {  	(pc) =	sbr.rel $0x88, $3  }
0x1: {  	(tag) =	ssettag $0x0;
	lr =	simm.s32 $0x1  }
0x2: {  	[smem:$0x3F9B] =	sst lr;
	_ =	strace $0xD0000000  }
0x3: {  	_ = 	snop  }
0x4: {  	_ = 	snop  }
0x5: {  	_ = 	snop  }
0x6: {  	_ = 	snop  }
0x7: {  	_ = 	snop  }
__scs_overlays_trampoline_lowered:
0x8: {  	[smem:$0x3FAA] =	sst s0  }
0x9: {  	[smem:$0x3FAB] =	sst s1  }
0xa: {  	[smem:$0x3FAC] =	sst s2  }
0xb: {  	[smem:$0x3FAD] =	sst s3  }
0xc: {  	[smem:$0x3FAE] =	sst s4  }
0xd: {  	[smem:$0x3FAF] =	sst s5  }
0xe: {  	[smem:$0x3FB0] =	sst s6  }
0xf: {  	[smem:$0x3FB1] =	sst s7  }
0x10: {  	[smem:$0x3FB2] =	sst s8  }
0x11: {  	[smem:$0x3FB3] =	sst s9;
	s0 =	simm.s32 @!p0 $0x0  }
0x12: {  	s1 =	sld [smem:$0x3F99];
	s0 =	simm.s32 @p0 $0x1  }
0x13: {  	[smem:$0x3FB4] =	sst s0;
	s0 =	simm.s32 @!p1 $0x0  }
0x14: {  	s2 =	sld [smem:$0x3F98];
	s0 =	simm.s32 @p1 $0x1  }
0x15: {  	[smem:$0x3FB5] =	sst s0;
	s0 =	simm.s32 @!p2 $0x0  }
0x16: {  	s3 =	sld [smem:$0x3FDB];
	s0 =	simm.s32 @p2 $0x1  }
0x17: {  	s4 =	simm.s32 $0x1BF5;
	[smem:$0x3FB7] =	sst s0  }
0x18: {  	s0 =	sld [smem:$0x3F9A];
	_ =	swait.ge [sflag:s4], $0x0  }
0x19: {  	s7 =	sld [smem:$0x3F9B]  }
0x1a: {  	s8 =	sadd.s32 $0xFFFFE003, lr  }
0x1b: {  	s9 =	sadd.s32 $0xFFFFFEF7, lr;
	s5 =	simm.s32 $0xFFFFFFFF;
	p2 =	slt.u32 s8, $0xFFFFF086  }
0x1c: {  	p1 =	slt.u32 s9, $0xF7A;
	s5 =	simm.s32 @!p2 $0x0  }
0x1d: {  	s5 =	simm.s32 @p1 $0x1;
	p0 =	seq.s32 s7, s2  }
0x1e: {  	s7 =	smul.u32 @!p0 $0xF7A, s2;
	p2 =	seq.s32 @!p0 s5, $0x0  }
0x1f: {  	s9 =	smul.u32 $0xF7A, s1;
	s8 =	simm.s32 @!p0 $0x1BF5;
	p2 =	por !p2, p0  }
0x20: {  	[sflag:s8] =	ssyncset.s32 @!p0 $0xFFFFF086;
	s6 =	sadd.s32 @!p0 s3, s7;
	s7 =	simm.s32 @!p0 $0x108  }
0x21: {  	s3 =	sadd.s32 s3, s9;
	s6 =	sadd.s32 @!p0 $0x88, s6;
	s7 =	simm.s32 @p2 $0x1082  }
0x22: {  	[simem:s7], [sflag:s8] =	dma.local @!p0 [hbm:s6], $0xF7A  }
0x23: {  	s9 =	sor.u32 $0xD0000000, s2;
	s6 =	simm.s32 $0x108;
	_ =	swait.ge @!p0 [sflag:s8], $0x0  }
0x24: {  	s3 =	sadd.s32 $0x88, s3;
	s6 =	simm.s32 @!p1 $0x1082;
	[sflag:s4] =	ssyncset.s32 $0xFFFFF086  }
0x25: {  	[simem:s6], [sflag:s4] =	dma.local [hbm:s3], $0xF7A  }
0x26: {  	[smem:$0x3F9B] =	sst s1;
	(tag) =	ssettag s2;
	_ =	strace s9  }
0x27: {  	s1 =	sld [smem:$0x3FAB]  }
0x28: {  	s2 =	sld [smem:$0x3FAC]  }
0x29: {  	s4 =	sld [smem:$0x3FAE]  }
0x2a: {  	p0 =	seq.s32 s5, $0x0;
	s5 =	sld [smem:$0x3FAF]  }
0x2b: {  	s6 =	sld [smem:$0x3FB0]  }
0x2c: {  	s7 =	sld [smem:$0x3FB1]  }
0x2d: {  	s3 =	simm.s32 $0x108;
	s8 =	sld [smem:$0x3FB2]  }
0x2e: {  	s3 =	simm.s32 @!p0 $0x1082;
	s9 =	sld [smem:$0x3FB3]  }
0x2f: {  	lr =	sadd.s32 s0, s3;
	s0 =	sld [smem:$0x3FAA]  }
0x30: {  	s3 =	sld [smem:$0x3FAD]  }
0x31: {  	[smem:$0x3FB6] =	sst s10  }
0x32: {  	s10 =	sld [smem:$0x3FB4];
	_ =	sdelay $0x3  }
0x33: {  	p0 =	seq.s32 s10, $0x1;
	s10 =	sld [smem:$0x3FB6];
	_ =	sdelay $0x3  }
0x34: {  	[smem:$0x3FB6] =	sst s10  }
0x35: {  	s10 =	sld [smem:$0x3FB5];
	_ =	sdelay $0x3  }
0x36: {  	p1 =	seq.s32 s10, $0x1;
	s10 =	sld [smem:$0x3FB6];
	_ =	sdelay $0x3  }
0x37: {  	[smem:$0x3FB6] =	sst s10  }
0x38: {  	s10 =	sld [smem:$0x3FB7]  }
0x39: {  	_ = 	snop;
	(pc) =	sbr.ind lr, $3  }
0x3a: {  	_ = 	snop  }
0x3b: {  	_ = 	snop  }
0x3c: {  	p2 =	seq.s32 s10, $0x1;
	s10 =	sld [smem:$0x3FB6]  }
0x3d: {  	_ =	shalt  }
0x3e: {  	_ =	shalt  }
0x3f: {  	_ =	shalt  }
0x40: {  	_ =	shalt  }
0x41: {  	_ =	shalt  }
0x42: {  	_ =	shalt  }
0x43: {  	_ =	shalt  }
0x44: {  	_ =	shalt  }
0x45: {  	_ =	shalt  }
0x46: {  	_ =	shalt  }
0x47: {  	_ =	shalt  }
0x48: {  	_ =	shalt  }
0x49: {  	_ =	shalt  }
0x4a: {  	_ =	shalt  }
0x4b: {  	_ =	shalt  }
0x4c: {  	_ =	shalt  }
0x4d: {  	_ =	shalt  }
0x4e: {  	_ =	shalt  }
0x4f: {  	_ =	shalt  }
0x50: {  	_ =	shalt  }
0x51: {  	_ =	shalt  }
0x52: {  	_ =	shalt  }
0x53: {  	_ =	shalt  }
0x54: {  	_ =	shalt  }
0x55: {  	_ =	shalt  }
0x56: {  	_ =	shalt  }
0x57: {  	_ =	shalt  }
0x58: {  	_ =	shalt  }
0x59: {  	_ =	shalt  }
0x5a: {  	_ =	shalt  }
0x5b: {  	_ =	shalt  }
0x5c: {  	_ =	shalt  }
0x5d: {  	_ =	shalt  }
0x5e: {  	_ =	shalt  }
0x5f: {  	_ =	shalt  }
0x60: {  	_ =	shalt  }
0x61: {  	_ =	shalt  }
0x62: {  	_ =	shalt  }
0x63: {  	_ =	shalt  }
0x64: {  	_ =	shalt  }
0x65: {  	_ =	shalt  }
0x66: {  	_ =	shalt  }
0x67: {  	_ =	shalt  }
0x68: {  	_ =	shalt  }
0x69: {  	_ =	shalt  }
0x6a: {  	_ =	shalt  }
0x6b: {  	_ =	shalt  }
0x6c: {  	_ =	shalt  }
0x6d: {  	_ =	shalt  }
0x6e: {  	_ =	shalt  }
0x6f: {  	_ =	shalt  }
0x70: {  	_ =	shalt  }
0x71: {  	_ =	shalt  }
0x72: {  	_ =	shalt  }
0x73: {  	_ =	shalt  }
0x74: {  	_ =	shalt  }
0x75: {  	_ =	shalt  }
0x76: {  	_ =	shalt  }
0x77: {  	_ =	shalt  }
0x78: {  	_ =	shalt  }
0x79: {  	_ =	shalt  }
0x7a: {  	_ =	shalt  }
0x7b: {  	_ =	shalt  }
0x7c: {  	_ =	shalt  }
0x7d: {  	_ =	shalt  }
0x7e: {  	_ =	shalt  }
0x7f: {  	_ =	shalt  }
0x80: {  	_ =	shalt  }
0x81: {  	_ =	shalt  }
0x82: {  	_ =	shalt  }
0x83: {  	_ =	shalt  }
0x84: {  	_ =	shalt  }
0x85: {  	_ =	shalt  }
0x86: {  	_ =	shalt  }
0x87: {  	_ =	shalt  }
.Lfunc_end0:
.L_simem_size_0:
called_computation.2_lowered:
.L_overlay_start_0:
0x88: {  	s2 =	sld [smem:$0x3FD9]  }
0x89: {  	s3 =	sld [smem:$0x3FFE];
	_ =	sdelay $0x1  }
0x8a: {  	s1 =	srdreg.scid  }
0x8b: {  	s0 =	sand.u32 $0x1, s1  }
0x8c: {  	s17 =	sshll.u32 s0, $0xA;
	s2 =	sadd.s32 s3, s2  }
0x8d: {  	s2 =	sadd.s32 s2, s17  }
0x8e: {  	[smem:$0x3FC2] =	sst s2  }
0x8f: {  	_ = 	snop  }
0x90: {  	s2 =	sld [smem:$0x3FD0];
	(tm) =	ssettm $0x1  }
0x91: {  	s18 =	sld [smem:$0x3FFB];
	_ =	sdelay $0x3  }
0x92: {  	_ =	strace s18  }
0x93: {  	s3 =	sld [smem:$0x3FFC];
	_ =	sdelay $0x3  }
0x94: {  	_ =	strace s3  }
0x95: {  	s3 =	sld [smem:$0x3FFD];
	_ =	sdelay $0x3  }
0x96: {  	_ =	strace s3  }
0x97: {  	_ =	strace $0x8FFFFFFF  }
0x98: {  	s19 =	sld [smem:$0x3FDB];
	_ =	sdelay $0x1  }
0x99: {  	s4 =	simm.s32 $_scs_section_size  }
0x9a: {  	s5 =	simm.s32 $_size__tile_overlayer_lowered;
	s6 =	simm.s32 $_tile_overlayer_lowered  }
0x9b: {  	s22 =	simm.s32 $0x1BFF;
	s21 =	sshll.u32 s6, $0x1;
	s3 =	sadd.s32 s4, s19  }
0x9c: {  	s7 =	simm.s32 $0x0;
	s20 =	sshll.u32 s5, $0x1;
	s5 =	sadd.s32 s21, s3  }
0x9d: {  	[timem:s7], [sflag:s22] =	dma.local [hbm:s5], s20  }
0x9e: {  	_ =	swait.ge [sflag:s22], s20  }
0x9f: {  	s4 =	ssub.s32 $0x0, s20;
	[sflag:s22] =	ssyncset.done $0x0  }
0xa0: {  	[sflag:s22] =	ssyncadd.s32 s4;
	_ =	sdelay $0x1  }
0xa1: {  	s23 =	simm.s32 $0x1B8B  }
0xa2: {  	_ =	swait.ge [sflag:s23], $0x1  }
0xa3: {  	[sflag:s23] =	ssyncset.done $0x0  }
0xa4: {  	s25 =	simm.s32 $0x1B8E;
	s24 =	sld [smem:$0x3FFE];
	[sflag:s23] =	ssyncadd.s32 $0xFFFFFFFF  }
0xa5: {  	s26 =	simm.s32 $execute0_lowered;
	[smem:$0x3FD2] =	sst s25  }
0xa6: {  	s5 =	sshll.u32 s26, $0x1;
	_ =	strace $0x8000004C;
	[dreg:$0x1] =	wrdreg $0xFFFFFFFF  }
0xa7: {  	s28 =	simm.s32 $_size_execute0_lowered;
	s3 =	sadd.s32 s3, s5;
	[dreg:$0x0] =	wrdreg $0x0  }
0xa8: {  	s5 =	sshll.u32 s28, $0x1;
	[dreg:$0x2] =	wrdreg s3  }
0xa9: {  	[dreg:$0x3] =	wrdreg s5  }
0xaa: {  	[dreg:$0x4] =	wrdreg $0xC0  }
0xab: {  	_ =	task [dreg:s7], $0x5FFFF  }
0xac: {  	[dreg:$0x1] =	wrdreg $0xFFFFFFFF  }
0xad: {  	[dreg:$0x0] =	wrdreg $0x60  }
0xae: {  	[dreg:$0x2] =	wrdreg s24  }
0xaf: {  	[dreg:$0x3] =	wrdreg s2  }
0xb0: {  	[dreg:$0x4] =	wrdreg $0x100000  }
0xb1: {  	[dreg:$0x5] =	wrdreg $0x88000  }
0xb2: {  	[dreg:$0x6] =	wrdreg $0x9  }
0xb3: {  	_ =	task.clear_ibuf [dreg:s7], $0x7FFFF;
	_ =	strace $0x9000004C  }
0xb4: {  	s29 =	simm.s32 $0x9;
	_ =	strace $0x8000004E  }
0xb5: {  	_ =	swait.ge [sflag:s29], $0x1  }
0xb6: {  	[sflag:s29] =	ssyncadd.s32 $0xFFFFFFFF  }
0xb7: {  	_ =	strace $0x9000004E  }
0xb8: {  	_ =	sfence  }
0xb9: {  	s30 =	sld [smem:$0x0];
	_ =	sdelay $0x2  }
0xba: {  	s31 =	sshll.u32 s1, $0xD;
	s1 =	sshrl.u32 s1, $0x2  }
0xbb: {  	s3 =	sand.u32 $0x4000, s31;
	s1 =	sadd.s32 s1, s30  }
0xbc: {  	s0 =	sor.u32 s3, s0;
	s1 =	sshll.u32 s1, $0x11  }
0xbd: {  	s0 =	sor.u32 s1, s0  }
0xbe: {  	s0 =	sadd.s32 $0x8F2B, s0  }
0xbf: {  	[sflag:s0] =	ssyncadd.remote.s32 $0x1  }
0xc0: {  	_ =	sfence.sel $0xFFFF  }
0xc1: {  	[dreg:$0x0] =	wrdreg $0xFFFFFFFF;
	(pc) =	sbr.abs _section_cstart, $3  }
0xc2: {  	[dreg:$0x1] =	wrdreg $0xFFFFFFFF  }
0xc3: {  	_ =	task.clear_ibuf [dreg:s7], $0x2FFFF;
	_ =	strace $0x9FFFFFFF  }
0xc4: {  	(tm) =	ssettm $0x7FFFFFFF  }
0xc5: {  	_ =	shalt  }
tec
execute0_lowered:
.L_overlay_start_1:
0x0: {  	(tag) =	ssettag $0x1  }
0x1: {  	s0 =	rddreg [dreg:$0x0]  }
0x2: {  	s1 =	srdreg.scid;
	s3 =	rddreg [dreg:$0x2]  }
0x3: {  	s9 =	stileid.u32;
	s4 =	rddreg [dreg:$0x3]  }
0x4: {  	s5 =	simm.s32 $0x0;
	s13 =	simm.s32 $0x9;
	s15 =	simm.s32 $0x1  }
0x5: {  	s16 =	simm.s32 $0x6;
	s17 =	simm.s32 $0x10;
	s18 =	simm.s32 $0x1400  }
0x6: {  	s19 =	simm.s32 $0x80;
	s20 =	simm.s32 $0x2800;
	s21 =	simm.s32 $0x4000  }
0x7: {  	s23 =	simm.s32 $0x5800;
	s29 =	simm.s32 $0x5;
	s31 =	simm.s32 $0x3  }
0x8: {  	s30 =	simm.s32 $0x8;
	s1 =	sand.u32 $0x1, s1;
	s6 =	smul.u32 $0x14000, s9  }
0x9: {  	[smem:$0x7FF] =	sst s5;
	s24 =	smul.u32 $0x7800, s9;
	s2 =	sshll.u32 s1, $0x4  }
0xa: {  	s7 =	smul.u32 $0x140000, s1;
	_ =	strace $0x8000004D;
	s1 =	ssub.s32 $0x2, s1  }
0xb: {  	s2 =	sor.u32 s9, s2;
	s8 =	sshrl.u32 s6, $0x3;
	s25 =	sshrl.u32 s1, $0x1  }
0xc: {  	s9 =	sshll.u32 s9, $0x6;
	s12 =	sadd.s32 s24, s3;
	s14 =	sadd.s32 s24, s4  }
0xd: {  	s24 =	simm.s32 $0x7;
	s2 =	smul.u32 $0x280, s2;
	s8 =	sadd.s32 s8, s0  }
0xe: {  	s6 =	sadd.s32 s6, s7;
	s1 =	ssub.s32 s1, s25;
	s12 =	sshrl.u32 s12, $0x3  }
0xf: {  	s14 =	sshrl.u32 s14, $0x3;
	s25 =	simm.s32 $0x7000;
	s6 =	sshrl.u32 s6, $0x3  }
.Ltmp0:
0x10: {  	s26 =	sadd.s32 $0x5C400, s8;
	s11 =	smax.u32 s1, $0x1;
	(pc) =	sbr.rel .LBB2_1-.Ltmp0, $4  }
0x11: {  	s1 =	simm.s32 $0x4;
	s2 =	sadd.s32 s2, s0;
	s0 =	sadd.s32 s6, s0  }
0x12: {  	s6 =	sor.u32 $0x1C09, s9;
	[dreg:$0x5] =	wrdreg s26;
	s28 =	sadd.s32 $0x7400, s2  }
0x13: {  	s26 =	simm.s32 $0x2;
	s2 =	sadd.s32 $0x1C00, s2;
	[dreg:$0x6] =	wrdreg s28  }
0x14: {  	s10 =	sadd.s32 $0x84400, s0;
	[dreg:$0x7] =	wrdreg s2;
	s2 =	simm.s32 $0x0  }
.LBB2_4:
0x15: {  	_ =	swait.ge [sflag:s29], $0x1800  }
0x16: {  	[sflag:s29] =	ssyncset.done $0x0  }
0x17: {  	[sflag:s29] =	ssyncadd.s32 $0xFFFFE800  }
0x18: {  	_ =	swait.ge [sflag:s16], $0x1800  }
0x19: {  	[sflag:s16] =	ssyncset.done $0x0  }
0x1a: {  	[sflag:s16] =	ssyncadd.s32 $0xFFFFE800  }
0x1b: {  	_ =	swait.ge [sflag:s24], $0x1800  }
0x1c: {  	[sflag:s24] =	ssyncset.done $0x0  }
0x1d: {  	[sflag:s24] =	ssyncadd.s32 $0xFFFFE800  }
0x1e: {  	_ =	swait.ge [sflag:s30], $0x1800  }
0x1f: {  	s2 =	sadd.s32 $0x1, s2;
	[sflag:s30] =	ssyncset.done $0x0  }
0x20: {  	p0 =	sne.s32 s2, s11;
	[sflag:s30] =	ssyncadd.s32 $0xFFFFE800  }
.Ltmp1:
0x21: {  	[bflag:$0x0] =	sbarrier.arrive $0xFFFF;
	(pc) =	sbr.rel @!p0 .LBB2_5-.Ltmp1, $4  }
0x22: {  	[hbm:s10@s17], [sflag:s6] =	dma.strided [spmem:s12@s16], $0xF00, s15, $0x6   }
0x23: {  	_ =	swait.ge [sflag:s13], $0xF00  }
0x24: {  	[sflag:s13] =	ssyncset.done $0x0  }
0x25: {  	[sflag:s13] =	ssyncadd.s32 $0xFFFFF100  }
.LBB2_1:
0x26: {  	s0 =	rddreg [dreg:$0x1]  }
0x27: {  	[spmem:s12], [sflag:s6] =	dma.local [hbm:s0], $0xF00  }
0x28: {  	_ =	swait.ge [sflag:s13], $0xF00  }
0x29: {  	[sflag:s13] =	ssyncset.done $0x0  }
0x2a: {  	s28 =	rddreg [dreg:$0x5];
	[sflag:s13] =	ssyncadd.s32 $0xFFFFF100  }
0x2b: {  	[spmem:s14@s16], [sflag:s6] =	dma.strided [hbm:s28@s17], $0xF00, s15, $0x6   }
0x2c: {  	_ =	swait.ge [sflag:s13], $0xF00  }
0x2d: {  	[sflag:s13] =	ssyncset.done $0x0  }
0x2e: {  	s7 =	rddreg [dreg:$0x6];
	[sflag:s13] =	ssyncadd.s32 $0xFFFFF100  }
0x2f: {  	[tilespmem:s5], [sflag:$0x9] =	stream.linear.gather [hbm4b:s7+s5], $0x1400, $0x38;
	[tilespmem:$0x17800] =	vst v63  }
0x30: {  	_ =	swait.ge [sflag:s13], $0x1400  }
0x31: {  	[sflag:s13] =	ssyncset.done $0x0  }
0x32: {  	s8 =	rddreg [dreg:$0x7];
	[sflag:s13] =	ssyncadd.s32 $0xFFFFEC00  }
0x33: {  	[tilespmem:s18], [sflag:$0x9] =	stream.linear.gather [hbm4b:s8+s5], $0x1400, $0x38;
	[tilespmem:$0x17800] =	vst v63  }
0x34: {  	_ =	swait.ge [sflag:s13], $0x1400  }
0x35: {  	[sflag:s13] =	ssyncset.done $0x0  }
0x36: {  	[sflag:s13] =	ssyncadd.s32 $0xFFFFEC00  }
0x37: {  	[bflag:$0x0] =	sbarrier.arrive $0xFFFF  }
0x38: {  	[tilespmem:s20], [sflag:$0x1] =	stream.indirect.gather [spmem:s4], $0x30, s5, s19, $0xb8;
	[tilespmem:$0x17800] =	vst v63  }
0x39: {  	_ = 	snop  }
0x3a: {  	[tilespmem:s21], [sflag:$0x2] =	stream.indirect.gather [spmem:s4], $0x30, s19, s19, $0xb8;
	[tilespmem:$0x17800] =	vst v63  }
0x3b: {  	s9 =	simm.s32 $0x100  }
0x3c: {  	[tilespmem:s23], [sflag:$0x3] =	stream.indirect.gather [spmem:s4], $0x30, s9, s19, $0xb8;
	[tilespmem:$0x17800] =	vst v63  }
0x3d: {  	s22 =	simm.s32 $0x180  }
0x3e: {  	[tilespmem:s25], [sflag:$0x4] =	stream.indirect.gather [spmem:s4], $0x30, s22, s19, $0xb8;
	[tilespmem:$0x17800] =	vst v63  }
0x3f: {  	_ =	swait.ge [sflag:s15], $0x1800  }
0x40: {  	[sflag:s15] =	ssyncset.done $0x0  }
0x41: {  	[sflag:s15] =	ssyncadd.s32 $0xFFFFE800  }
0x42: {  	[spmem:s3] =	stream.indirect.scatter.add.f32 [tilespmem:s20], [sflag:$0x5], $0x30, s18, s19, $0xb8;
	[tilespmem:$0x17800] =	vst v63  }
0x43: {  	_ =	swait.ge [sflag:s26], $0x1800  }
0x44: {  	[sflag:s26] =	ssyncset.done $0x0  }
0x45: {  	s28 =	simm.s32 $0x1480;
	[sflag:s26] =	ssyncadd.s32 $0xFFFFE800  }
0x46: {  	[spmem:s3] =	stream.indirect.scatter.add.f32 [tilespmem:s21], [sflag:$0x6], $0x30, s28, s19, $0xb8;
	[tilespmem:$0x17800] =	vst v63  }
0x47: {  	_ =	swait.ge [sflag:s29], $0x1800  }
0x48: {  	[sflag:s29] =	ssyncset.done $0x0  }
0x49: {  	s7 =	simm.s32 $0x200;
	[sflag:s29] =	ssyncadd.s32 $0xFFFFE800  }
0x4a: {  	[tilespmem:s20], [sflag:$0x1] =	stream.indirect.gather [spmem:s4], $0x30, s7, s19, $0xb8;
	[tilespmem:$0x17800] =	vst v63  }
0x4b: {  	_ =	swait.ge [sflag:s31], $0x1800  }
0x4c: {  	[sflag:s31] =	ssyncset.done $0x0  }
0x4d: {  	s8 =	simm.s32 $0x1500;
	[sflag:s31] =	ssyncadd.s32 $0xFFFFE800  }
0x4e: {  	[spmem:s3] =	stream.indirect.scatter.add.f32 [tilespmem:s23], [sflag:$0x7], $0x30, s8, s19, $0xb8;
	[tilespmem:$0x17800] =	vst v63  }
0x4f: {  	_ =	swait.ge [sflag:s16], $0x1800  }
0x50: {  	[sflag:s16] =	ssyncset.done $0x0  }
0x51: {  	s9 =	simm.s32 $0x280;
	[sflag:s16] =	ssyncadd.s32 $0xFFFFE800  }
0x52: {  	[tilespmem:s21], [sflag:$0x2] =	stream.indirect.gather [spmem:s4], $0x30, s9, s19, $0xb8;
	[tilespmem:$0x17800] =	vst v63  }
0x53: {  	_ =	swait.ge [sflag:s1], $0x1800  }
0x54: {  	[sflag:s1] =	ssyncset.done $0x0  }
0x55: {  	s22 =	simm.s32 $0x1580;
	[sflag:s1] =	ssyncadd.s32 $0xFFFFE800  }
0x56: {  	[spmem:s3] =	stream.indirect.scatter.add.f32 [tilespmem:s25], [sflag:$0x8], $0x30, s22, s19, $0xb8;
	[tilespmem:$0x17800] =	vst v63  }
0x57: {  	_ =	swait.ge [sflag:s24], $0x1800  }
0x58: {  	[sflag:s24] =	ssyncset.done $0x0  }
0x59: {  	s0 =	simm.s32 $0x0;
	s28 =	simm.s32 $0x300;
	[sflag:s24] =	ssyncadd.s32 $0xFFFFE800  }
0x5a: {  	[tilespmem:s23], [sflag:$0x3] =	stream.indirect.gather [spmem:s4], $0x30, s28, s19, $0xb8;
	[tilespmem:$0x17800] =	vst v63  }
.LBB2_2:
0x5b: {  	_ =	swait.ge [sflag:s15], $0x1800  }
0x5c: {  	s22 =	sshra.s32 s0, $0x2;
	[sflag:s15] =	ssyncset.done $0x0  }
0x5d: {  	s28 =	sadd.s32 $0x1600, s22;
	[sflag:s15] =	ssyncadd.s32 $0xFFFFE800  }
0x5e: {  	[spmem:s3] =	stream.indirect.scatter.add.f32 [tilespmem:s20], [sflag:$0x5], $0x30, s28, s19, $0xb8;
	[tilespmem:$0x17800] =	vst v63  }
0x5f: {  	_ =	swait.ge [sflag:s30], $0x1800  }
0x60: {  	[sflag:s30] =	ssyncset.done $0x0  }
0x61: {  	s8 =	sadd.s32 $0x380, s22;
	[sflag:s30] =	ssyncadd.s32 $0xFFFFE800  }
0x62: {  	[tilespmem:s25], [sflag:$0x4] =	stream.indirect.gather [spmem:s4], $0x30, s8, s19, $0xb8;
	[tilespmem:$0x17800] =	vst v63  }
0x63: {  	_ =	swait.ge [sflag:s26], $0x1800  }
0x64: {  	p0 =	seq.s32 s0, $0x4000;
	[sflag:s26] =	ssyncset.done $0x0  }
0x65: {  	s9 =	sadd.s32 $0x1680, s22;
	s28 =	simm.s32 @p0 $0x3;
	[sflag:s26] =	ssyncadd.s32 $0xFFFFE800  }
0x66: {  	[spmem:s3] =	stream.indirect.scatter.add.f32 [tilespmem:s21], [sflag:$0x6], $0x30, s9, s19, $0xb8;
	[tilespmem:$0x17800] =	vst v63  }
0x67: {  	_ =	swait.ge @p0 [sflag:s28], $0x1800  }
0x68: {  	[sflag:s28] =	ssyncset.done @p0 $0x0  }
0x69: {  	[sflag:s28] =	ssyncadd.s32 @p0 $0xFFFFE800;
	s28 =	sshra.s32 @p0 s0, $0x2  }
0x6a: {  	s7 =	simm.s32 @p0 $0x80;
	s8 =	simm.s32 @p0 $0x5800;
	s28 =	sadd.s32 @p0 $0x1700, s28  }
0x6b: {  	[spmem:s3] =	stream.indirect.scatter.add.f32 @p0 [tilespmem:s8], [sflag:$0x7], $0x30, s28, s7, $0xb8;
	[tilespmem:$0x17800] =	vst v63  }
0x6c: {  	s7 =	simm.s32 @!p0 $0x5  }
0x6d: {  	_ =	swait.ge @!p0 [sflag:s7], $0x1800  }
0x6e: {  	[sflag:s7] =	ssyncset.done @!p0 $0x0  }
0x6f: {  	[sflag:s7] =	ssyncadd.s32 @!p0 $0xFFFFE800;
	s7 =	sshra.s32 @!p0 s0, $0x2  }
0x70: {  	s9 =	simm.s32 @!p0 $0x2800;
	s28 =	simm.s32 @!p0 $0x80;
	s8 =	sadd.s32 @!p0 $0x400, s7  }
0x71: {  	[tilespmem:s9], [sflag:$0x1] =	stream.indirect.gather @!p0 [spmem:s4], $0x30, s8, s28, $0xb8;
	[tilespmem:$0x17800] =	vst v63  }
0x72: {  	s8 =	simm.s32 @!p0 $0x3  }
0x73: {  	_ =	swait.ge @!p0 [sflag:s8], $0x1800  }
0x74: {  	[sflag:s8] =	ssyncset.done @!p0 $0x0  }
0x75: {  	s9 =	simm.s32 @!p0 $0x5800;
	[sflag:s8] =	ssyncadd.s32 @!p0 $0xFFFFE800;
	s8 =	sadd.s32 @!p0 $0x1700, s7  }
0x76: {  	[spmem:s3] =	stream.indirect.scatter.add.f32 @!p0 [tilespmem:s9], [sflag:$0x7], $0x30, s8, s28, $0xb8;
	[tilespmem:$0x17800] =	vst v63  }
0x77: {  	s8 =	simm.s32 @!p0 $0x6  }
0x78: {  	_ =	swait.ge @!p0 [sflag:s8], $0x1800  }
0x79: {  	[sflag:s8] =	ssyncset.done @!p0 $0x0  }
0x7a: {  	s7 =	sadd.s32 @!p0 $0x480, s7;
	[sflag:s8] =	ssyncadd.s32 @!p0 $0xFFFFE800;
	s8 =	simm.s32 @!p0 $0x4000  }
0x7b: {  	[tilespmem:s8], [sflag:$0x2] =	stream.indirect.gather @!p0 [spmem:s4], $0x30, s7, s28, $0xb8;
	[tilespmem:$0x17800] =	vst v63  }
.Ltmp2:
0x7c: {  	_ = 	snop;
	(pc) =	sbr.rel @p0 .LBB2_4-.Ltmp2, $4  }
0x7d: {  	_ =	swait.ge [sflag:s1], $0x1800  }
0x7e: {  	[sflag:s1] =	ssyncset.done $0x0  }
0x7f: {  	s28 =	sadd.s32 $0x1780, s22;
	[sflag:s1] =	ssyncadd.s32 $0xFFFFE800  }
0x80: {  	[spmem:s3] =	stream.indirect.scatter.add.f32 [tilespmem:s25], [sflag:$0x8], $0x30, s28, s19, $0xb8;
	[tilespmem:$0x17800] =	vst v63  }
.Ltmp3:
0x81: {  	(pc) =	sbr.rel .LBB2_2-.Ltmp3, $4  }
0x82: {  	_ =	swait.ge [sflag:s24], $0x1800  }
0x83: {  	[sflag:s24] =	ssyncset.done $0x0  }
0x84: {  	s7 =	sadd.s32 $0x500, s22;
	s0 =	sadd.s32 $0x800, s0;
	[sflag:s24] =	ssyncadd.s32 $0xFFFFE800  }
0x85: {  	[tilespmem:s23], [sflag:$0x3] =	stream.indirect.gather [spmem:s4], $0x30, s7, s19, $0xb8;
	[tilespmem:$0x17800] =	vst v63  }
.LBB2_5:
0x86: {  	_ =	sfence.sel $0x180000  }
0x87: {  	[bflag:$0x0] =	sbarrier.arrive $0xFFFF  }
0x88: {  	_ =	strace $0x9000004D  }
0x89: {  	s0 =	stileid.u32;
	[bflag:$0x2] =	sbarrier.arrive $0xFFFF  }
0x8a: {  	p0 =	sne.s32 s0, $0x0;
	s0 =	rddreg [dreg:$0x4]  }
0x8b: {  	s0 =	sadd.s32 @!p0 $0x100000, s0  }
0x8c: {  	[sflag:s0] =	ssyncadd.tile.s32 @!p0 $0x1;
	_ =	shalt  }
.Lfunc_end2:
_tile_overlayer_lowered:
.L_overlay_start_2:
0x8d: {  	(tag) =	ssettag $0x2  }
0x8e: {  	s0 =	rddreg [dreg:$0x0];
	s2 =	stileid.u32  }
0x8f: {  	s1 =	rddreg [dreg:$0x1];
	p0 =	sne.s32 s2, $0x0  }
0x90: {  	s3 =	rddreg [dreg:$0x2];
	[bflag:$0x3] =	sbarrier.arrive $0xFFFF;
	s2 =	simm.s32 @!p0 $0x1C09  }
0x91: {  	[timem:s3], [sflag:s2] =	dma.local @!p0 [hbm:s0], s1  }
0x92: {  	s0 =	simm.s32 @!p0 $0x9  }
0x93: {  	_ =	swait.ge @!p0 [sflag:s0], s1  }
0x94: {  	s1 =	ssub.s32 @!p0 $0x0, s1;
	[sflag:s0] =	ssyncset.done @!p0 $0x0  }
0x95: {  	[sflag:s0] =	ssyncadd.s32 @!p0 s1  }
0x96: {  	[bflag:$0x3] =	sbarrier.arrive $0xFFFF  }
0x97: {  	_ =	shalt  }

// kernel: kernel.9.cloned.1.call-start
scs
__scs_entry_jumppad:
0x0: {  	(pc) =	sbr.rel $0x88, $3  }
0x1: {  	(tag) =	ssettag $0x0;
	lr =	simm.s32 $0x1  }
0x2: {  	[smem:$0x3F9B] =	sst lr;
	_ =	strace $0xD0000000  }
0x3: {  	_ = 	snop  }
0x4: {  	_ = 	snop  }
0x5: {  	_ = 	snop  }
0x6: {  	_ = 	snop  }
0x7: {  	_ = 	snop  }
__scs_overlays_trampoline_lowered:
0x8: {  	[smem:$0x3FAA] =	sst s0  }
0x9: {  	[smem:$0x3FAB] =	sst s1  }
0xa: {  	[smem:$0x3FAC] =	sst s2  }
0xb: {  	[smem:$0x3FAD] =	sst s3  }
0xc: {  	[smem:$0x3FAE] =	sst s4  }
0xd: {  	[smem:$0x3FAF] =	sst s5  }
0xe: {  	[smem:$0x3FB0] =	sst s6  }
0xf: {  	[smem:$0x3FB1] =	sst s7  }
0x10: {  	[smem:$0x3FB2] =	sst s8  }
0x11: {  	[smem:$0x3FB3] =	sst s9;
	s0 =	simm.s32 @!p0 $0x0  }
0x12: {  	s1 =	sld [smem:$0x3F99];
	s0 =	simm.s32 @p0 $0x1  }
0x13: {  	[smem:$0x3FB4] =	sst s0;
	s0 =	simm.s32 @!p1 $0x0  }
0x14: {  	s2 =	sld [smem:$0x3F98];
	s0 =	simm.s32 @p1 $0x1  }
0x15: {  	[smem:$0x3FB5] =	sst s0;
	s0 =	simm.s32 @!p2 $0x0  }
0x16: {  	s3 =	sld [smem:$0x3FDB];
	s0 =	simm.s32 @p2 $0x1  }
0x17: {  	s4 =	simm.s32 $0x1BF5;
	[smem:$0x3FB7] =	sst s0  }
0x18: {  	s0 =	sld [smem:$0x3F9A];
	_ =	swait.ge [sflag:s4], $0x0  }
0x19: {  	s7 =	sld [smem:$0x3F9B]  }
0x1a: {  	s8 =	sadd.s32 $0xFFFFE003, lr  }
0x1b: {  	s9 =	sadd.s32 $0xFFFFFEF7, lr;
	s5 =	simm.s32 $0xFFFFFFFF;
	p2 =	slt.u32 s8, $0xFFFFF086  }
0x1c: {  	p1 =	slt.u32 s9, $0xF7A;
	s5 =	simm.s32 @!p2 $0x0  }
0x1d: {  	s5 =	simm.s32 @p1 $0x1;
	p0 =	seq.s32 s7, s2  }
0x1e: {  	s7 =	smul.u32 @!p0 $0xF7A, s2;
	p2 =	seq.s32 @!p0 s5, $0x0  }
0x1f: {  	s9 =	smul.u32 $0xF7A, s1;
	s8 =	simm.s32 @!p0 $0x1BF5;
	p2 =	por !p2, p0  }
0x20: {  	[sflag:s8] =	ssyncset.s32 @!p0 $0xFFFFF086;
	s6 =	sadd.s32 @!p0 s3, s7;
	s7 =	simm.s32 @!p0 $0x108  }
0x21: {  	s3 =	sadd.s32 s3, s9;
	s6 =	sadd.s32 @!p0 $0x88, s6;
	s7 =	simm.s32 @p2 $0x1082  }
0x22: {  	[simem:s7], [sflag:s8] =	dma.local @!p0 [hbm:s6], $0xF7A  }
0x23: {  	s9 =	sor.u32 $0xD0000000, s2;
	s6 =	simm.s32 $0x108;
	_ =	swait.ge @!p0 [sflag:s8], $0x0  }
0x24: {  	s3 =	sadd.s32 $0x88, s3;
	s6 =	simm.s32 @!p1 $0x1082;
	[sflag:s4] =	ssyncset.s32 $0xFFFFF086  }
0x25: {  	[simem:s6], [sflag:s4] =	dma.local [hbm:s3], $0xF7A  }
0x26: {  	[smem:$0x3F9B] =	sst s1;
	(tag) =	ssettag s2;
	_ =	strace s9  }
0x27: {  	s1 =	sld [smem:$0x3FAB]  }
0x28: {  	s2 =	sld [smem:$0x3FAC]  }
0x29: {  	s4 =	sld [smem:$0x3FAE]  }
0x2a: {  	p0 =	seq.s32 s5, $0x0;
	s5 =	sld [smem:$0x3FAF]  }
0x2b: {  	s6 =	sld [smem:$0x3FB0]  }
0x2c: {  	s7 =	sld [smem:$0x3FB1]  }
0x2d: {  	s3 =	simm.s32 $0x108;
	s8 =	sld [smem:$0x3FB2]  }
0x2e: {  	s3 =	simm.s32 @!p0 $0x1082;
	s9 =	sld [smem:$0x3FB3]  }
0x2f: {  	lr =	sadd.s32 s0, s3;
	s0 =	sld [smem:$0x3FAA]  }
0x30: {  	s3 =	sld [smem:$0x3FAD]  }
0x31: {  	[smem:$0x3FB6] =	sst s10  }
0x32: {  	s10 =	sld [smem:$0x3FB4];
	_ =	sdelay $0x3  }
0x33: {  	p0 =	seq.s32 s10, $0x1;
	s10 =	sld [smem:$0x3FB6];
	_ =	sdelay $0x3  }
0x34: {  	[smem:$0x3FB6] =	sst s10  }
0x35: {  	s10 =	sld [smem:$0x3FB5];
	_ =	sdelay $0x3  }
0x36: {  	p1 =	seq.s32 s10, $0x1;
	s10 =	sld [smem:$0x3FB6];
	_ =	sdelay $0x3  }
0x37: {  	[smem:$0x3FB6] =	sst s10  }
0x38: {  	s10 =	sld [smem:$0x3FB7]  }
0x39: {  	_ = 	snop;
	(pc) =	sbr.ind lr, $3  }
0x3a: {  	_ = 	snop  }
0x3b: {  	_ = 	snop  }
0x3c: {  	p2 =	seq.s32 s10, $0x1;
	s10 =	sld [smem:$0x3FB6]  }
0x3d: {  	_ =	shalt  }
0x3e: {  	_ =	shalt  }
0x3f: {  	_ =	shalt  }
0x40: {  	_ =	shalt  }
0x41: {  	_ =	shalt  }
0x42: {  	_ =	shalt  }
0x43: {  	_ =	shalt  }
0x44: {  	_ =	shalt  }
0x45: {  	_ =	shalt  }
0x46: {  	_ =	shalt  }
0x47: {  	_ =	shalt  }
0x48: {  	_ =	shalt  }
0x49: {  	_ =	shalt  }
0x4a: {  	_ =	shalt  }
0x4b: {  	_ =	shalt  }
0x4c: {  	_ =	shalt  }
0x4d: {  	_ =	shalt  }
0x4e: {  	_ =	shalt  }
0x4f: {  	_ =	shalt  }
0x50: {  	_ =	shalt  }
0x51: {  	_ =	shalt  }
0x52: {  	_ =	shalt  }
0x53: {  	_ =	shalt  }
0x54: {  	_ =	shalt  }
0x55: {  	_ =	shalt  }
0x56: {  	_ =	shalt  }
0x57: {  	_ =	shalt  }
0x58: {  	_ =	shalt  }
0x59: {  	_ =	shalt  }
0x5a: {  	_ =	shalt  }
0x5b: {  	_ =	shalt  }
0x5c: {  	_ =	shalt  }
0x5d: {  	_ =	shalt  }
0x5e: {  	_ =	shalt  }
0x5f: {  	_ =	shalt  }
0x60: {  	_ =	shalt  }
0x61: {  	_ =	shalt  }
0x62: {  	_ =	shalt  }
0x63: {  	_ =	shalt  }
0x64: {  	_ =	shalt  }
0x65: {  	_ =	shalt  }
0x66: {  	_ =	shalt  }
0x67: {  	_ =	shalt  }
0x68: {  	_ =	shalt  }
0x69: {  	_ =	shalt  }
0x6a: {  	_ =	shalt  }
0x6b: {  	_ =	shalt  }
0x6c: {  	_ =	shalt  }
0x6d: {  	_ =	shalt  }
0x6e: {  	_ =	shalt  }
0x6f: {  	_ =	shalt  }
0x70: {  	_ =	shalt  }
0x71: {  	_ =	shalt  }
0x72: {  	_ =	shalt  }
0x73: {  	_ =	shalt  }
0x74: {  	_ =	shalt  }
0x75: {  	_ =	shalt  }
0x76: {  	_ =	shalt  }
0x77: {  	_ =	shalt  }
0x78: {  	_ =	shalt  }
0x79: {  	_ =	shalt  }
0x7a: {  	_ =	shalt  }
0x7b: {  	_ =	shalt  }
0x7c: {  	_ =	shalt  }
0x7d: {  	_ =	shalt  }
0x7e: {  	_ =	shalt  }
0x7f: {  	_ =	shalt  }
0x80: {  	_ =	shalt  }
0x81: {  	_ =	shalt  }
0x82: {  	_ =	shalt  }
0x83: {  	_ =	shalt  }
0x84: {  	_ =	shalt  }
0x85: {  	_ =	shalt  }
0x86: {  	_ =	shalt  }
0x87: {  	_ =	shalt  }
.Lfunc_end0:
.L_simem_size_0:
called_computation_lowered:
.L_overlay_start_0:
0x88: {  	s2 =	sld [smem:$0x3FD9]  }
0x89: {  	s3 =	sld [smem:$0x3FFE];
	_ =	sdelay $0x1  }
0x8a: {  	s1 =	srdreg.scid  }
0x8b: {  	s0 =	sand.u32 $0x1, s1  }
0x8c: {  	s17 =	sshll.u32 s0, $0xA;
	s2 =	sadd.s32 s3, s2  }
0x8d: {  	s2 =	sadd.s32 s2, s17  }
0x8e: {  	[smem:$0x3FC2] =	sst s2  }
0x8f: {  	_ = 	snop  }
0x90: {  	s2 =	sld [smem:$0x3FD0];
	(tm) =	ssettm $0x1  }
0x91: {  	s18 =	sld [smem:$0x3FFB];
	_ =	sdelay $0x3  }
0x92: {  	_ =	strace s18  }
0x93: {  	s3 =	sld [smem:$0x3FFC];
	_ =	sdelay $0x3  }
0x94: {  	_ =	strace s3  }
0x95: {  	s3 =	sld [smem:$0x3FFD];
	_ =	sdelay $0x3  }
0x96: {  	_ =	strace s3  }
0x97: {  	_ =	strace $0x8FFFFFFF  }
0x98: {  	s19 =	sld [smem:$0x3FDB];
	_ =	sdelay $0x1  }
0x99: {  	s4 =	simm.s32 $_scs_section_size  }
0x9a: {  	s5 =	simm.s32 $_size__tile_overlayer_lowered;
	s6 =	simm.s32 $_tile_overlayer_lowered  }
0x9b: {  	s22 =	simm.s32 $0x1BFF;
	s21 =	sshll.u32 s6, $0x1;
	s3 =	sadd.s32 s4, s19  }
0x9c: {  	s7 =	simm.s32 $0x0;
	s20 =	sshll.u32 s5, $0x1;
	s5 =	sadd.s32 s21, s3  }
0x9d: {  	[timem:s7], [sflag:s22] =	dma.local [hbm:s5], s20  }
0x9e: {  	_ =	swait.ge [sflag:s22], s20  }
0x9f: {  	s4 =	ssub.s32 $0x0, s20;
	[sflag:s22] =	ssyncset.done $0x0  }
0xa0: {  	[sflag:s22] =	ssyncadd.s32 s4;
	_ =	sdelay $0x1  }
0xa1: {  	s23 =	simm.s32 $0x1B8B  }
0xa2: {  	_ =	swait.ge [sflag:s23], $0x1  }
0xa3: {  	[sflag:s23] =	ssyncset.done $0x0  }
0xa4: {  	s25 =	simm.s32 $0x1B8E;
	s24 =	sld [smem:$0x3FFE];
	[sflag:s23] =	ssyncadd.s32 $0xFFFFFFFF  }
0xa5: {  	s26 =	simm.s32 $execute0_lowered;
	[smem:$0x3FD2] =	sst s25  }
0xa6: {  	s5 =	sshll.u32 s26, $0x1;
	_ =	strace $0x80000046;
	[dreg:$0x1] =	wrdreg $0xFFFFFFFF  }
0xa7: {  	s28 =	simm.s32 $_size_execute0_lowered;
	s3 =	sadd.s32 s3, s5;
	[dreg:$0x0] =	wrdreg $0x0  }
0xa8: {  	s5 =	sshll.u32 s28, $0x1;
	[dreg:$0x2] =	wrdreg s3  }
0xa9: {  	[dreg:$0x3] =	wrdreg s5  }
0xaa: {  	[dreg:$0x4] =	wrdreg $0xC0  }
0xab: {  	_ =	task [dreg:s7], $0x5FFFF  }
0xac: {  	[dreg:$0x1] =	wrdreg $0xFFFFFFFF  }
0xad: {  	[dreg:$0x0] =	wrdreg $0x60  }
0xae: {  	[dreg:$0x2] =	wrdreg s24  }
0xaf: {  	[dreg:$0x3] =	wrdreg s2  }
0xb0: {  	[dreg:$0x4] =	wrdreg $0x1C000  }
0xb1: {  	[dreg:$0x5] =	wrdreg $0x9  }
0xb2: {  	_ =	task.clear_ibuf [dreg:s7], $0x6FFFF;
	_ =	strace $0x90000046  }
0xb3: {  	s29 =	simm.s32 $0x9;
	_ =	strace $0x80000048  }
0xb4: {  	_ =	swait.ge [sflag:s29], $0x1  }
0xb5: {  	[sflag:s29] =	ssyncadd.s32 $0xFFFFFFFF  }
0xb6: {  	_ =	strace $0x90000048  }
0xb7: {  	_ =	sfence  }
0xb8: {  	s30 =	sld [smem:$0x0];
	_ =	sdelay $0x2  }
0xb9: {  	s31 =	sshll.u32 s1, $0xD;
	s1 =	sshrl.u32 s1, $0x2  }
0xba: {  	s3 =	sand.u32 $0x4000, s31;
	s1 =	sadd.s32 s1, s30  }
0xbb: {  	s0 =	sor.u32 s3, s0;
	s1 =	sshll.u32 s1, $0x11  }
0xbc: {  	s0 =	sor.u32 s1, s0  }
0xbd: {  	s0 =	sadd.s32 $0x8F2B, s0  }
0xbe: {  	[sflag:s0] =	ssyncadd.remote.s32 $0x1  }
0xbf: {  	_ =	sfence.sel $0xFFFF  }
0xc0: {  	[dreg:$0x0] =	wrdreg $0xFFFFFFFF;
	(pc) =	sbr.abs _section_cstart, $3  }
0xc1: {  	[dreg:$0x1] =	wrdreg $0xFFFFFFFF  }
0xc2: {  	_ =	task.clear_ibuf [dreg:s7], $0x2FFFF;
	_ =	strace $0x9FFFFFFF  }
0xc3: {  	(tm) =	ssettm $0x7FFFFFFF  }
tec
execute0_lowered:
.L_overlay_start_1:
0x0: {  	(tag) =	ssettag $0x1  }
0x1: {  	s1 =	rddreg [dreg:$0x0]  }
0x2: {  	s0 =	srdreg.scid;
	s8 =	rddreg [dreg:$0x1]  }
0x3: {  	s11 =	stileid.u32;
	s2 =	rddreg [dreg:$0x2]  }
0x4: {  	s12 =	simm.s32 $0x1400;
	s13 =	simm.s32 $0x80;
	s17 =	simm.s32 $0xC00  }
0x5: {  	s18 =	simm.s32 $0xC80;
	s19 =	simm.s32 $0xD00;
	s20 =	simm.s32 $0xD80  }
0x6: {  	s21 =	simm.s32 $0xE00;
	s22 =	simm.s32 $0xE80;
	s23 =	simm.s32 $0xF00  }
0x7: {  	s28 =	simm.s32 $0x1100;
	s29 =	simm.s32 $0x1180;
	s30 =	simm.s32 $0x1200  }
0x8: {  	s31 =	simm.s32 $0x1280;
	s14 =	simm.s32 $0x1;
	s15 =	simm.s32 $0x0  }
0x9: {  	s0 =	sand.u32 $0x1, s0;
	s6 =	smul.u32 $0x2800, s11;
	s5 =	sadd.s32 $0x6C00, s1  }
0xa: {  	s26 =	sshll.u32 s11, $0x6;
	s3 =	sshll.u32 s0, $0x4;
	s7 =	ssub.s32 $0x2, s0  }
0xb: {  	s0 =	smul.u32 $0x28000, s0;
	s4 =	sor.u32 s11, s3;
	s3 =	simm.s32 $0x0  }
0xc: {  	s10 =	sshrl.u32 s7, $0x1;
	s25 =	sadd.s32 s6, s2;
	s11 =	simm.s32 $0x2  }
0xd: {  	s4 =	smul.u32 $0x280, s4;
	[smem:$0x7FF] =	sst s3;
	s24 =	ssub.s32 s7, s10  }
0xe: {  	s0 =	sadd.s32 s6, s0;
	s6 =	sor.u32 $0x1C02, s26;
	s10 =	sshrl.u32 s25, $0x3  }
0xf: {  	s25 =	simm.s32 $0x1000;
	s26 =	simm.s32 $0x1080;
	_ =	strace $0x80000047  }
0x10: {  	s0 =	sshrl.u32 s0, $0x3;
	s9 =	sadd.s32 s4, s1;
	s4 =	sadd.s32 $0x7200, s1  }
0x11: {  	s8 =	sadd.s32 s8, s0;
	s1 =	simm.s32 $0x1300;
	s0 =	simm.s32 $0x1380  }
0x12: {  	s7 =	sadd.s32 $0x1C00, s9;
	s9 =	smax.u32 s24, $0x1;
	s24 =	simm.s32 $0xF80  }
.LBB2_1:
0x13: {  	[spmem:s10], [sflag:s6] =	dma.local [hbm:s5], $0x500  }
0x14: {  	_ =	swait.ge [sflag:s11], $0x500  }
0x15: {  	[sflag:s11] =	ssyncset.done $0x0  }
0x16: {  	[sflag:s11] =	ssyncadd.s32 $0xFFFFFB00  }
0x17: {  	[tilespmem:s12], [sflag:$0x2] =	stream.linear.gather [hbm4b:s4+s3], $0x800, $0x38;
	[tilespmem:$0x4400] =	vst v63  }
0x18: {  	_ =	swait.ge [sflag:s11], $0x800  }
0x19: {  	[sflag:s11] =	ssyncset.done $0x0  }
0x1a: {  	[sflag:s11] =	ssyncadd.s32 $0xFFFFF800  }
0x1b: {  	[tilespmem:s3], [sflag:$0x2] =	stream.linear.gather [hbm4b:s7+s3], $0x1400, $0x38;
	[tilespmem:$0x4400] =	vst v63  }
0x1c: {  	_ =	swait.ge [sflag:s11], $0x1400  }
0x1d: {  	[sflag:s11] =	ssyncset.done $0x0  }
0x1e: {  	[sflag:s11] =	ssyncadd.s32 $0xFFFFEC00  }
0x1f: {  	[bflag:$0x0] =	sbarrier.arrive $0xFFFF  }
0x20: {  	[spmem:s2] =	stream.indirect.scatter.add.f32 [tilespmem:s12], [sflag:$0x1], $0x10, s3, s13, $0xb8;
	[tilespmem:$0x4400] =	vst v63  }
0x21: {  	_ = 	snop  }
0x22: {  	[spmem:s2] =	stream.indirect.scatter.add.f32 [tilespmem:s12], [sflag:$0x1], $0x10, s13, s13, $0xb8;
	[tilespmem:$0x4400] =	vst v63  }
0x23: {  	s16 =	simm.s32 $0x100  }
0x24: {  	[spmem:s2] =	stream.indirect.scatter.add.f32 [tilespmem:s12], [sflag:$0x1], $0x10, s16, s13, $0xb8;
	[tilespmem:$0x4400] =	vst v63  }
0x25: {  	s16 =	simm.s32 $0x180  }
0x26: {  	[spmem:s2] =	stream.indirect.scatter.add.f32 [tilespmem:s12], [sflag:$0x1], $0x10, s16, s13, $0xb8;
	[tilespmem:$0x4400] =	vst v63  }
0x27: {  	s16 =	simm.s32 $0x200  }
0x28: {  	[spmem:s2] =	stream.indirect.scatter.add.f32 [tilespmem:s12], [sflag:$0x1], $0x10, s16, s13, $0xb8;
	[tilespmem:$0x4400] =	vst v63  }
0x29: {  	s16 =	simm.s32 $0x280  }
0x2a: {  	[spmem:s2] =	stream.indirect.scatter.add.f32 [tilespmem:s12], [sflag:$0x1], $0x10, s16, s13, $0xb8;
	[tilespmem:$0x4400] =	vst v63  }
0x2b: {  	s16 =	simm.s32 $0x300  }
0x2c: {  	[spmem:s2] =	stream.indirect.scatter.add.f32 [tilespmem:s12], [sflag:$0x1], $0x10, s16, s13, $0xb8;
	[tilespmem:$0x4400] =	vst v63  }
0x2d: {  	s16 =	simm.s32 $0x380  }
0x2e: {  	[spmem:s2] =	stream.indirect.scatter.add.f32 [tilespmem:s12], [sflag:$0x1], $0x10, s16, s13, $0xb8;
	[tilespmem:$0x4400] =	vst v63  }
0x2f: {  	s16 =	simm.s32 $0x400  }
0x30: {  	[spmem:s2] =	stream.indirect.scatter.add.f32 [tilespmem:s12], [sflag:$0x1], $0x10, s16, s13, $0xb8;
	[tilespmem:$0x4400] =	vst v63  }
0x31: {  	s16 =	simm.s32 $0x480  }
0x32: {  	[spmem:s2] =	stream.indirect.scatter.add.f32 [tilespmem:s12], [sflag:$0x1], $0x10, s16, s13, $0xb8;
	[tilespmem:$0x4400] =	vst v63  }
0x33: {  	s16 =	simm.s32 $0x500  }
0x34: {  	[spmem:s2] =	stream.indirect.scatter.add.f32 [tilespmem:s12], [sflag:$0x1], $0x10, s16, s13, $0xb8;
	[tilespmem:$0x4400] =	vst v63  }
0x35: {  	s16 =	simm.s32 $0x580  }
0x36: {  	[spmem:s2] =	stream.indirect.scatter.add.f32 [tilespmem:s12], [sflag:$0x1], $0x10, s16, s13, $0xb8;
	[tilespmem:$0x4400] =	vst v63  }
0x37: {  	s16 =	simm.s32 $0x600  }
0x38: {  	[spmem:s2] =	stream.indirect.scatter.add.f32 [tilespmem:s12], [sflag:$0x1], $0x10, s16, s13, $0xb8;
	[tilespmem:$0x4400] =	vst v63  }
0x39: {  	s16 =	simm.s32 $0x680  }
0x3a: {  	[spmem:s2] =	stream.indirect.scatter.add.f32 [tilespmem:s12], [sflag:$0x1], $0x10, s16, s13, $0xb8;
	[tilespmem:$0x4400] =	vst v63  }
0x3b: {  	s16 =	simm.s32 $0x700  }
0x3c: {  	[spmem:s2] =	stream.indirect.scatter.add.f32 [tilespmem:s12], [sflag:$0x1], $0x10, s16, s13, $0xb8;
	[tilespmem:$0x4400] =	vst v63  }
0x3d: {  	s16 =	simm.s32 $0x780  }
0x3e: {  	[spmem:s2] =	stream.indirect.scatter.add.f32 [tilespmem:s12], [sflag:$0x1], $0x10, s16, s13, $0xb8;
	[tilespmem:$0x4400] =	vst v63  }
0x3f: {  	s16 =	simm.s32 $0x800  }
0x40: {  	[spmem:s2] =	stream.indirect.scatter.add.f32 [tilespmem:s12], [sflag:$0x1], $0x10, s16, s13, $0xb8;
	[tilespmem:$0x4400] =	vst v63  }
0x41: {  	s16 =	simm.s32 $0x880  }
0x42: {  	[spmem:s2] =	stream.indirect.scatter.add.f32 [tilespmem:s12], [sflag:$0x1], $0x10, s16, s13, $0xb8;
	[tilespmem:$0x4400] =	vst v63  }
0x43: {  	s16 =	simm.s32 $0x900  }
0x44: {  	[spmem:s2] =	stream.indirect.scatter.add.f32 [tilespmem:s12], [sflag:$0x1], $0x10, s16, s13, $0xb8;
	[tilespmem:$0x4400] =	vst v63  }
0x45: {  	s16 =	simm.s32 $0x980  }
0x46: {  	[spmem:s2] =	stream.indirect.scatter.add.f32 [tilespmem:s12], [sflag:$0x1], $0x10, s16, s13, $0xb8;
	[tilespmem:$0x4400] =	vst v63  }
0x47: {  	s16 =	simm.s32 $0xA00  }
0x48: {  	[spmem:s2] =	stream.indirect.scatter.add.f32 [tilespmem:s12], [sflag:$0x1], $0x10, s16, s13, $0xb8;
	[tilespmem:$0x4400] =	vst v63  }
0x49: {  	s16 =	simm.s32 $0xA80  }
0x4a: {  	[spmem:s2] =	stream.indirect.scatter.add.f32 [tilespmem:s12], [sflag:$0x1], $0x10, s16, s13, $0xb8;
	[tilespmem:$0x4400] =	vst v63  }
0x4b: {  	s16 =	simm.s32 $0xB00  }
0x4c: {  	[spmem:s2] =	stream.indirect.scatter.add.f32 [tilespmem:s12], [sflag:$0x1], $0x10, s16, s13, $0xb8;
	[tilespmem:$0x4400] =	vst v63  }
0x4d: {  	s16 =	simm.s32 $0xB80  }
0x4e: {  	[spmem:s2] =	stream.indirect.scatter.add.f32 [tilespmem:s12], [sflag:$0x1], $0x10, s16, s13, $0xb8;
	[tilespmem:$0x4400] =	vst v63  }
0x4f: {  	_ = 	snop  }
0x50: {  	[spmem:s2] =	stream.indirect.scatter.add.f32 [tilespmem:s12], [sflag:$0x1], $0x10, s17, s13, $0xb8;
	[tilespmem:$0x4400] =	vst v63  }
0x51: {  	_ = 	snop  }
0x52: {  	[spmem:s2] =	stream.indirect.scatter.add.f32 [tilespmem:s12], [sflag:$0x1], $0x10, s18, s13, $0xb8;
	[tilespmem:$0x4400] =	vst v63  }
0x53: {  	_ = 	snop  }
0x54: {  	[spmem:s2] =	stream.indirect.scatter.add.f32 [tilespmem:s12], [sflag:$0x1], $0x10, s19, s13, $0xb8;
	[tilespmem:$0x4400] =	vst v63  }
0x55: {  	_ = 	snop  }
0x56: {  	[spmem:s2] =	stream.indirect.scatter.add.f32 [tilespmem:s12], [sflag:$0x1], $0x10, s20, s13, $0xb8;
	[tilespmem:$0x4400] =	vst v63  }
0x57: {  	_ = 	snop  }
0x58: {  	[spmem:s2] =	stream.indirect.scatter.add.f32 [tilespmem:s12], [sflag:$0x1], $0x10, s21, s13, $0xb8;
	[tilespmem:$0x4400] =	vst v63  }
0x59: {  	_ = 	snop  }
0x5a: {  	[spmem:s2] =	stream.indirect.scatter.add.f32 [tilespmem:s12], [sflag:$0x1], $0x10, s22, s13, $0xb8;
	[tilespmem:$0x4400] =	vst v63  }
0x5b: {  	_ = 	snop  }
0x5c: {  	[spmem:s2] =	stream.indirect.scatter.add.f32 [tilespmem:s12], [sflag:$0x1], $0x10, s23, s13, $0xb8;
	[tilespmem:$0x4400] =	vst v63  }
0x5d: {  	_ = 	snop  }
0x5e: {  	[spmem:s2] =	stream.indirect.scatter.add.f32 [tilespmem:s12], [sflag:$0x1], $0x10, s24, s13, $0xb8;
	[tilespmem:$0x4400] =	vst v63  }
0x5f: {  	_ = 	snop  }
0x60: {  	[spmem:s2] =	stream.indirect.scatter.add.f32 [tilespmem:s12], [sflag:$0x1], $0x10, s25, s13, $0xb8;
	[tilespmem:$0x4400] =	vst v63  }
0x61: {  	_ = 	snop  }
0x62: {  	[spmem:s2] =	stream.indirect.scatter.add.f32 [tilespmem:s12], [sflag:$0x1], $0x10, s26, s13, $0xb8;
	[tilespmem:$0x4400] =	vst v63  }
0x63: {  	_ = 	snop  }
0x64: {  	[spmem:s2] =	stream.indirect.scatter.add.f32 [tilespmem:s12], [sflag:$0x1], $0x10, s28, s13, $0xb8;
	[tilespmem:$0x4400] =	vst v63  }
0x65: {  	_ = 	snop  }
0x66: {  	[spmem:s2] =	stream.indirect.scatter.add.f32 [tilespmem:s12], [sflag:$0x1], $0x10, s29, s13, $0xb8;
	[tilespmem:$0x4400] =	vst v63  }
0x67: {  	_ = 	snop  }
0x68: {  	[spmem:s2] =	stream.indirect.scatter.add.f32 [tilespmem:s12], [sflag:$0x1], $0x10, s30, s13, $0xb8;
	[tilespmem:$0x4400] =	vst v63  }
0x69: {  	_ = 	snop  }
0x6a: {  	[spmem:s2] =	stream.indirect.scatter.add.f32 [tilespmem:s12], [sflag:$0x1], $0x10, s31, s13, $0xb8;
	[tilespmem:$0x4400] =	vst v63  }
0x6b: {  	_ = 	snop  }
0x6c: {  	[spmem:s2] =	stream.indirect.scatter.add.f32 [tilespmem:s12], [sflag:$0x1], $0x10, s1, s13, $0xb8;
	[tilespmem:$0x4400] =	vst v63  }
0x6d: {  	_ = 	snop  }
0x6e: {  	[spmem:s2] =	stream.indirect.scatter.add.f32 [tilespmem:s12], [sflag:$0x1], $0x10, s0, s13, $0xb8;
	[tilespmem:$0x4400] =	vst v63  }
0x6f: {  	_ =	swait.ge [sflag:s14], $0x800  }
0x70: {  	s16 =	simm.s32 $0x27;
	[sflag:s14] =	ssyncset.done $0x0  }
.LBB2_2:
0x71: {  	p0 =	sne.s32 s16, $0x1;
	s16 =	sadd.s32 $0xFFFFFFFF, s16;
	[sflag:s14] =	ssyncadd.s32 $0xFFFFF800  }
.Ltmp0:
0x72: {  	(pc) =	sbr.rel @p0 .LBB2_2-.Ltmp0, $3  }
0x73: {  	_ =	sdelay $0x1  }
0x74: {  	_ =	swait.ge [sflag:s14], $0x800  }
0x75: {  	[sflag:s14] =	ssyncset.done $0x0  }
0x76: {  	s15 =	sadd.s32 $0x1, s15  }
0x77: {  	[sflag:s14] =	ssyncadd.s32 $0xFFFFF800;
	p0 =	sne.s32 s15, s9  }
.Ltmp1:
0x78: {  	[bflag:$0x0] =	sbarrier.arrive $0xFFFF;
	(pc) =	sbr.rel @p0 .LBB2_1-.Ltmp1, $4  }
0x79: {  	[hbm:s8], [sflag:s6] =	dma.local [spmem:s10], $0x500  }
0x7a: {  	_ =	swait.ge [sflag:s11], $0x500  }
0x7b: {  	[sflag:s11] =	ssyncset.done $0x0  }
0x7c: {  	[sflag:s11] =	ssyncadd.s32 $0xFFFFFB00  }
0x7d: {  	_ =	sfence.sel $0x180000  }
0x7e: {  	[bflag:$0x0] =	sbarrier.arrive $0xFFFF  }
0x7f: {  	_ =	strace $0x90000047  }
0x80: {  	s0 =	stileid.u32;
	[bflag:$0x2] =	sbarrier.arrive $0xFFFF  }
0x81: {  	p0 =	sne.s32 s0, $0x0;
	s0 =	rddreg [dreg:$0x3]  }
0x82: {  	s0 =	sadd.s32 @!p0 $0x100000, s0  }
0x83: {  	[sflag:s0] =	ssyncadd.tile.s32 @!p0 $0x1;
	_ =	shalt  }
.Lfunc_end2:
_tile_overlayer_lowered:
.L_overlay_start_2:
0x84: {  	(tag) =	ssettag $0x2  }
0x85: {  	s0 =	rddreg [dreg:$0x0];
	s2 =	stileid.u32  }
0x86: {  	s1 =	rddreg [dreg:$0x1];
	p0 =	sne.s32 s2, $0x0  }
0x87: {  	s3 =	rddreg [dreg:$0x2];
	[bflag:$0x3] =	sbarrier.arrive $0xFFFF;
	s2 =	simm.s32 @!p0 $0x1C02  }
0x88: {  	[timem:s3], [sflag:s2] =	dma.local @!p0 [hbm:s0], s1  }
0x89: {  	s0 =	simm.s32 @!p0 $0x2  }
0x8a: {  	_ =	swait.ge @!p0 [sflag:s0], s1  }
0x8b: {  	s1 =	ssub.s32 @!p0 $0x0, s1;
	[sflag:s0] =	ssyncset.done @!p0 $0x0  }
0x8c: {  	[sflag:s0] =	ssyncadd.s32 @!p0 s1  }
0x8d: {  	[bflag:$0x3] =	sbarrier.arrive $0xFFFF  }
0x8e: {  	_ =	shalt  }

</sc_bundles>
